<compile_context>
chip_gen: v7x
topology: tpu7x:2x2x1
jax: 0.10.2.dev20260603
libtpu: 0.0.44.dev20260713+nightly
codegen_flags: <defaults>
</compile_context>

<pallas_src>
import jax
import jax.numpy as jnp
from jax import lax
from jax.experimental import pallas as pl
from jax.experimental.pallas import tpu as pltpu
from jax.experimental.pallas import tpu_sc as plsc

N = 10000
E = 320000
D_IN = 128
H = 64
C = 40

NPAD = 10240
K = 128
HC = H // 2
NBT = 160
EPAD = 16 * NBT * K
RPS = NPAD // 16
R = 2048
NB_DEG = EPAD // (32 * K)


def _sc_mesh():
    return plsc.VectorSubcoreMesh(core_axis_name="c", subcore_axis_name="s")


_SC_PARAMS = pltpu.CompilerParams(use_tc_tiling_on_sc=False)



def _degree_body(ei_hbm, ones_hbm, z_hbm, out_hbm, idx_d, onesv, acc, *_):
    c = lax.axis_index("c")
    s = lax.axis_index("s")
    pltpu.sync_copy(ei_hbm.at[1, s, pl.ds(c * NB_DEG, NB_DEG)], idx_d)
    pltpu.sync_copy(ones_hbm, onesv)
    pltpu.sync_copy(z_hbm.at[pl.ds(s * RPS, RPS)], acc.at[pl.ds(s * RPS, RPS)])
    plsc.subcore_barrier()

    def bb(j, carry):
        pltpu.sync_copy(onesv, acc.at[idx_d.at[j]], add=True)
        return carry

    lax.fori_loop(0, NB_DEG, bb, 0)
    plsc.subcore_barrier()
    pltpu.sync_copy(acc.at[pl.ds(s * RPS, RPS)], out_hbm.at[c, pl.ds(s * RPS, RPS)])


def _sc_degree(ei, ones16, z16):
    return pl.kernel(
        _degree_body,
        out_type=jax.ShapeDtypeStruct((2, NPAD, 8), jnp.float32),
        mesh=_sc_mesh(),
        scratch_types=[
            pltpu.VMEM((NB_DEG, K), jnp.int32),
            pltpu.VMEM((K, 8), jnp.float32),
            pltpu.VMEM_SHARED((NPAD, 8), jnp.float32),
        ],
        compiler_params=_SC_PARAMS,
    )(ei, ones16, z16)


KGRP = 4
NG = NBT // KGRP


def _edgesum_body(g_hbm, ei_hbm, z_hbm, out_hbm, idx_s, idx_d, rows, gtab,
                  acc, gsem, ssem):
    c = lax.axis_index("c")
    s = lax.axis_index("s")
    pltpu.sync_copy(ei_hbm.at[0, s], idx_s)
    pltpu.sync_copy(ei_hbm.at[1, s], idx_d)
    pltpu.sync_copy(z_hbm.at[pl.ds(s * RPS, RPS)], acc.at[pl.ds(s * RPS, RPS)])
    pltpu.sync_copy(g_hbm.at[pl.ds(s * RPS, RPS), pl.ds(c * HC, HC)],
                    gtab.at[pl.ds(s * RPS, RPS)])
    plsc.subcore_barrier()

    def fire_gathers(grp, set_):
        for b in range(KGRP):
            pltpu.async_copy(gtab.at[idx_s.at[grp * KGRP + b]], rows.at[set_, b], gsem)

    def wait_scatters():
        for b in range(KGRP):
            pltpu.make_async_copy(rows.at[0, b], acc.at[idx_d.at[0]], ssem).wait()

    fire_gathers(0, 0)

    def bb(grp, carry):
        nxt = grp + 1

        @pl.when(grp > 0)
        def _():
            wait_scatters()

        @pl.when(nxt < NG)
        def _():
            fire_gathers(nxt, nxt % 2)

        for b in range(KGRP):
            pltpu.make_async_copy(
                gtab.at[idx_s.at[0]], rows.at[grp % 2, b], gsem).wait()
        for b in range(KGRP):
            pltpu.async_copy(
                rows.at[grp % 2, b], acc.at[idx_d.at[grp * KGRP + b]], ssem, add=True)
        return carry

    lax.fori_loop(0, NG, bb, 0)
    wait_scatters()
    plsc.subcore_barrier()
    pltpu.sync_copy(acc.at[pl.ds(s * RPS, RPS)],
                    out_hbm.at[pl.ds(s * RPS, RPS), pl.ds(c * HC, HC)])


def _sc_edgesum(g2, ei, z32):
    return pl.kernel(
        _edgesum_body,
        out_type=jax.ShapeDtypeStruct((NPAD, 128), jnp.float32),
        mesh=_sc_mesh(),
        scratch_types=[
            pltpu.VMEM((NBT, K), jnp.int32),
            pltpu.VMEM((NBT, K), jnp.int32),
            pltpu.VMEM((2, KGRP, K, HC), jnp.float32),
            pltpu.VMEM_SHARED((NPAD, HC), jnp.float32),
            pltpu.VMEM_SHARED((NPAD, HC), jnp.float32),
            pltpu.SemaphoreType.DMA,
            pltpu.SemaphoreType.DMA,
        ],
        compiler_params=_SC_PARAMS,
    )(g2, ei, z32)



def _dinv_from_deg(deg_col, i):
    rows = lax.broadcasted_iota(jnp.int32, (R, 1), 0) + i * R
    return jnp.where(rows < N, lax.rsqrt(deg_col), 0.0)


def _tc_matmul1_body(x_ref, w_ref, m_ref):
    m_ref[...] = jnp.dot(x_ref[...], w_ref[...], preferred_element_type=jnp.float32)


def _tc_matmul1(xp, w1):
    return pl.pallas_call(
        _tc_matmul1_body,
        grid=(NPAD // R,),
        in_specs=[
            pl.BlockSpec((R, D_IN), lambda i: (i, 0)),
            pl.BlockSpec((D_IN, H), lambda i: (0, 0)),
        ],
        out_specs=pl.BlockSpec((R, H), lambda i: (i, 0)),
        out_shape=jax.ShapeDtypeStruct((NPAD, H), jnp.float32),
    )(xp, w1)


def _pad128(v):
    return jnp.concatenate([v, jnp.zeros((R, 128 - H), jnp.float32)], axis=1)


def _tc_scale_body(m_ref, degp_ref, g_ref, degt_ref):
    i = pl.program_id(0)
    degt = degp_ref[0] + degp_ref[1] + 1.0
    dinv = _dinv_from_deg(degt[:, 0:1], i)
    g_ref[...] = _pad128(m_ref[...] * dinv)
    degt_ref[...] = degt


def _tc_scale(m, degp):
    return pl.pallas_call(
        _tc_scale_body,
        grid=(NPAD // R,),
        in_specs=[
            pl.BlockSpec((R, H), lambda i: (i, 0)),
            pl.BlockSpec((2, R, 8), lambda i: (0, i, 0)),
        ],
        out_specs=[
            pl.BlockSpec((R, 128), lambda i: (i, 0)),
            pl.BlockSpec((R, 8), lambda i: (i, 0)),
        ],
        out_shape=[
            jax.ShapeDtypeStruct((NPAD, 128), jnp.float32),
            jax.ShapeDtypeStruct((NPAD, 8), jnp.float32),
        ],
    )(m, degp)


def _tc_mid_body(p_ref, m_ref, degt_ref, b_ref, w_ref, mo_ref, go_ref):
    i = pl.program_id(0)
    dinv = _dinv_from_deg(degt_ref[:, 0:1], i)
    p = p_ref[:, :H]
    o = dinv * p + (dinv * dinv) * m_ref[...] + b_ref[...]
    h = jnp.maximum(o, 0.0)
    m2 = jnp.dot(h, w_ref[...], preferred_element_type=jnp.float32)
    mo_ref[...] = m2
    go_ref[...] = _pad128(m2 * dinv)


def _tc_mid(p, m, degt, b, w):
    return pl.pallas_call(
        _tc_mid_body,
        grid=(NPAD // R,),
        in_specs=[
            pl.BlockSpec((R, 128), lambda i: (i, 0)),
            pl.BlockSpec((R, H), lambda i: (i, 0)),
            pl.BlockSpec((R, 8), lambda i: (i, 0)),
            pl.BlockSpec((1, H), lambda i: (0, 0)),
            pl.BlockSpec((H, H), lambda i: (0, 0)),
        ],
        out_specs=[
            pl.BlockSpec((R, H), lambda i: (i, 0)),
            pl.BlockSpec((R, 128), lambda i: (i, 0)),
        ],
        out_shape=[
            jax.ShapeDtypeStruct((NPAD, H), jnp.float32),
            jax.ShapeDtypeStruct((NPAD, 128), jnp.float32),
        ],
    )(p, m, degt, b, w)


RL = 1000


def _tc_last_body(p_ref, m_ref, degt_ref, b_ref, o_ref):
    dinv = lax.rsqrt(degt_ref[:, 0:1])
    o = dinv * p_ref[:, :C] + (dinv * dinv) * m_ref[:, :C] + b_ref[:, :C]
    o_ref[...] = o


def _tc_last(p, m, degt, b):
    return pl.pallas_call(
        _tc_last_body,
        grid=(N // RL,),
        in_specs=[
            pl.BlockSpec((RL, 128), lambda i: (i, 0)),
            pl.BlockSpec((RL, H), lambda i: (i, 0)),
            pl.BlockSpec((RL, 8), lambda i: (i, 0)),
            pl.BlockSpec((1, H), lambda i: (0, 0)),
        ],
        out_specs=pl.BlockSpec((RL, C), lambda i: (i, 0)),
        out_shape=jax.ShapeDtypeStruct((N, C), jnp.float32),
    )(p, m, degt, b)



@jax.jit
def kernel(x, edge_index, W1, b1, W2, b2, W3, b3):
    f32 = jnp.float32
    xp = jnp.zeros((NPAD, D_IN), f32).at[:N].set(x)
    ei = jnp.pad(edge_index.astype(jnp.int32), ((0, 0), (0, EPAD - E)),
                 constant_values=N).reshape(2, 16, NBT, K)

    ones16 = jnp.ones((K, 8), f32)
    z16 = jnp.zeros((NPAD, 8), f32)
    z32 = jnp.zeros((NPAD, HC), f32)
    w3p = jnp.zeros((H, H), f32).at[:, :C].set(W3)
    b1r = b1.reshape(1, H)
    b2r = b2.reshape(1, H)
    b3r = jnp.zeros((1, H), f32).at[0, :C].set(b3)

    degp = _sc_degree(ei, ones16, z16)
    m1 = _tc_matmul1(xp, W1)
    g1, degt = _tc_scale(m1, degp)
    p1 = _sc_edgesum(g1, ei, z32)
    m2, g2 = _tc_mid(p1, m1, degt, b1r, W2)
    p2 = _sc_edgesum(g2, ei, z32)
    m3, g3 = _tc_mid(p2, m2, degt, b2r, w3p)
    p3 = _sc_edgesum(g3, ei, z32)
    return _tc_last(p3, m3, degt, b3r)

# --- scband reference (transcript-rebuilt; emitter-appended) ---
"""Pipeline reference for scband-gcn-24876450578551 (READ-ONLY COPY).

The authoritative reference and input builder live on the scoring server;
editing this copy changes nothing except your own understanding.
"""

import jax, jax.numpy as jnp
import numpy as np

N = 10000
E = 320000
D_IN = 128
H = 64
C = 40


def setup_inputs(seed: int = 0) -> dict:
    key = jax.random.key(seed)
    ks = jax.random.split(key, 10)
    x = jax.random.normal(ks[0], (N, D_IN), dtype=jnp.float32)
    edge_index = jax.random.randint(ks[1], (2, E), 0, N)
    W1 = jax.random.normal(ks[2], (D_IN, H), dtype=jnp.float32) * (1.0 / np.sqrt(D_IN))
    b1 = jnp.zeros((H,), dtype=jnp.float32)
    W2 = jax.random.normal(ks[3], (H, H), dtype=jnp.float32) * (1.0 / np.sqrt(H))
    b2 = jnp.zeros((H,), dtype=jnp.float32)
    W3 = jax.random.normal(ks[4], (H, C), dtype=jnp.float32) * (1.0 / np.sqrt(H))
    b3 = jnp.zeros((C,), dtype=jnp.float32)
    return {"x": x, "edge_index": edge_index, "W1": W1, "b1": b1, "W2": W2, "b2": b2, "W3": W3, "b3": b3}


def _gcn_conv(h, src, dst, coef, W, b):
    # GCNConv: x' = D^{-1/2} (A + I) D^{-1/2} X W + b
    m = h @ W
    msg = m[src] * coef[:, None]
    out = jax.ops.segment_sum(msg, dst, num_segments=N)
    return out + b


def reference(x, edge_index, W1, b1, W2, b2, W3, b3):
    loops = jnp.arange(N, dtype=edge_index.dtype)
    src = jnp.concatenate([edge_index[0], loops])
    dst = jnp.concatenate([edge_index[1], loops])
    ones = jnp.ones((src.shape[0],), dtype=jnp.float32)
    deg = jax.ops.segment_sum(ones, dst, num_segments=N)
    deg_inv_sqrt = jnp.where(deg > 0, jax.lax.rsqrt(jnp.maximum(deg, 1e-12)), 0.0)
    coef = deg_inv_sqrt[src] * deg_inv_sqrt[dst]
    h = _gcn_conv(x, src, dst, coef, W1, b1)
    h = jax.nn.relu(h)
    h = _gcn_conv(h, src, dst, coef, W2, b2)
    h = jax.nn.relu(h)
    out = _gcn_conv(h, src, dst, coef, W3, b3)
    return out

if __name__ == "__main__":
    import jax
    _d = setup_inputs()
    print(jax.jit(kernel)(*tuple(_d.values())))

</pallas_src>

<mosaic_0001>
#map = affine_map<(d0, d1) -> (0, 0, 0, 0)>
#map1 = affine_map<(d0, d1) -> (0, 0)>
#map2 = affine_map<(d0, d1) -> (0, 0, 0)>
module attributes {stable_mosaic.version = 14 : i64} {
  func.func @_degree_body(%arg0: i32, %arg1: i32, %arg2: memref<2x16x160x128xi32, #tpu.memory_space<hbm>>, %arg3: memref<128x8xf32, #tpu.memory_space<hbm>>, %arg4: memref<10240x8xf32, #tpu.memory_space<hbm>>, %arg5: memref<2x10240x8xf32, #tpu.memory_space<hbm>>, %arg6: memref<80x128xi32, #tpu.memory_space<vmem>>, %arg7: memref<128x8xf32, #tpu.memory_space<vmem>>, %arg8: memref<10240x8xf32, #tpu.memory_space<vmem_shared>>) attributes {dimension_semantics = [#tpu.dimension_semantics<core_parallel>, #tpu.dimension_semantics<subcore_parallel>], iteration_bounds = array<i64: 2, 16>, scalar_prefetch = 0 : i64, scratch_operands = 3 : i64, tpu.core_type = #tpu.core_type<sc_vector_subcore>, window_params = [{transform_indices = #map}, {transform_indices = #map1}, {transform_indices = #map1}, {transform_indices = #map2}]} {
    %mul3A = arith.constant 80 : i32
    %mul3A_0 = arith.muli %arg0, %mul3A : i32
    %run_scoped3A = arith.constant 1 : i32
    "tpu.region"() ({
      %run_scoped3A_15 = tpu.sem_alloc : memref<!tpu.dma_semaphore, #tpu.memory_space<semaphore_mem>>
      %dma_start3A = arith.constant 0 : i32
      %dma_start3A_16 = tpu.memref_slice %arg2[%run_scoped3A, %arg1, %mul3A_0, %dma_start3A] : memref<2x16x160x128xi32, #tpu.memory_space<hbm>> -> memref<1x1x80x128xi32, #tpu.memory_space<hbm>>
      %dma_start3A_17 = tpu.memref_squeeze %dma_start3A_16 : memref<1x1x80x128xi32, #tpu.memory_space<hbm>> -> memref<80x128xi32, #tpu.memory_space<hbm>>
      %dma_start3A_18 = arith.constant 0 : i32
      %dma_start3A_19 = tpu.memref_slice %arg2[%run_scoped3A, %arg1, %mul3A_0, %dma_start3A_18] : memref<2x16x160x128xi32, #tpu.memory_space<hbm>> -> memref<1x1x80x128xi32, #tpu.memory_space<hbm>>
      %dma_start3A_20 = tpu.memref_squeeze %dma_start3A_19 : memref<1x1x80x128xi32, #tpu.memory_space<hbm>> -> memref<80x128xi32, #tpu.memory_space<hbm>>
      tpu.enqueue_dma source(%dma_start3A_20 : memref<80x128xi32, #tpu.memory_space<hbm>>) target(%arg6 : memref<80x128xi32, #tpu.memory_space<vmem>>) target_semaphore(%run_scoped3A_15 : memref<!tpu.dma_semaphore, #tpu.memory_space<semaphore_mem>>)
      %dma_wait3A = arith.constant 0 : i32
      %dma_wait3A_21 = tpu.memref_slice %arg2[%run_scoped3A, %arg1, %mul3A_0, %dma_wait3A] : memref<2x16x160x128xi32, #tpu.memory_space<hbm>> -> memref<1x1x80x128xi32, #tpu.memory_space<hbm>>
      %dma_wait3A_22 = tpu.memref_squeeze %dma_wait3A_21 : memref<1x1x80x128xi32, #tpu.memory_space<hbm>> -> memref<80x128xi32, #tpu.memory_space<hbm>>
      %dma_wait3A_23 = arith.constant 0 : i32
      %dma_wait3A_24 = tpu.memref_slice %arg2[%run_scoped3A, %arg1, %mul3A_0, %dma_wait3A_23] : memref<2x16x160x128xi32, #tpu.memory_space<hbm>> -> memref<1x1x80x128xi32, #tpu.memory_space<hbm>>
      %dma_wait3A_25 = tpu.memref_squeeze %dma_wait3A_24 : memref<1x1x80x128xi32, #tpu.memory_space<hbm>> -> memref<80x128xi32, #tpu.memory_space<hbm>>
      tpu.wait_dma2 semaphore(%run_scoped3A_15 : memref<!tpu.dma_semaphore, #tpu.memory_space<semaphore_mem>>) src(%dma_wait3A_25 : memref<80x128xi32, #tpu.memory_space<hbm>>) dst(%arg6 : memref<80x128xi32, #tpu.memory_space<vmem>>)
      tpu.yield
    }) : () -> ()
    "tpu.region"() ({
      %run_scoped3A_15 = tpu.sem_alloc : memref<!tpu.dma_semaphore, #tpu.memory_space<semaphore_mem>>
      tpu.enqueue_dma source(%arg3 : memref<128x8xf32, #tpu.memory_space<hbm>>) target(%arg7 : memref<128x8xf32, #tpu.memory_space<vmem>>) target_semaphore(%run_scoped3A_15 : memref<!tpu.dma_semaphore, #tpu.memory_space<semaphore_mem>>)
      tpu.wait_dma2 semaphore(%run_scoped3A_15 : memref<!tpu.dma_semaphore, #tpu.memory_space<semaphore_mem>>) src(%arg3 : memref<128x8xf32, #tpu.memory_space<hbm>>) dst(%arg7 : memref<128x8xf32, #tpu.memory_space<vmem>>)
      tpu.yield
    }) : () -> ()
    %mul3A_1 = arith.constant 640 : i32
    %mul3A_2 = arith.muli %arg1, %mul3A_1 : i32
    %mul3A_3 = arith.constant 640 : i32
    %mul3A_4 = arith.muli %arg1, %mul3A_3 : i32
    "tpu.region"() ({
      %run_scoped3A_15 = tpu.sem_alloc : memref<!tpu.dma_semaphore, #tpu.memory_space<semaphore_mem>>
      %dma_start3A = arith.constant 0 : i32
      %dma_start3A_16 = tpu.memref_slice %arg8[%mul3A_4, %dma_start3A] : memref<10240x8xf32, #tpu.memory_space<vmem_shared>> -> memref<640x8xf32, #tpu.memory_space<vmem_shared>>
      %dma_start3A_17 = arith.constant 0 : i32
      %dma_start3A_18 = tpu.memref_slice %arg4[%mul3A_2, %dma_start3A_17] : memref<10240x8xf32, #tpu.memory_space<hbm>> -> memref<640x8xf32, #tpu.memory_space<hbm>>
      tpu.enqueue_dma source(%dma_start3A_18 : memref<640x8xf32, #tpu.memory_space<hbm>>) target(%dma_start3A_16 : memref<640x8xf32, #tpu.memory_space<vmem_shared>>) target_semaphore(%run_scoped3A_15 : memref<!tpu.dma_semaphore, #tpu.memory_space<semaphore_mem>>)
      %dma_wait3A = arith.constant 0 : i32
      %dma_wait3A_19 = tpu.memref_slice %arg8[%mul3A_4, %dma_wait3A] : memref<10240x8xf32, #tpu.memory_space<vmem_shared>> -> memref<640x8xf32, #tpu.memory_space<vmem_shared>>
      %dma_wait3A_20 = arith.constant 0 : i32
      %dma_wait3A_21 = tpu.memref_slice %arg4[%mul3A_2, %dma_wait3A_20] : memref<10240x8xf32, #tpu.memory_space<hbm>> -> memref<640x8xf32, #tpu.memory_space<hbm>>
      tpu.wait_dma2 semaphore(%run_scoped3A_15 : memref<!tpu.dma_semaphore, #tpu.memory_space<semaphore_mem>>) src(%dma_wait3A_21 : memref<640x8xf32, #tpu.memory_space<hbm>>) dst(%dma_wait3A_19 : memref<640x8xf32, #tpu.memory_space<vmem_shared>>)
      tpu.yield
    }) : () -> ()
    %barrier3A = arith.constant 0 : index
    tpu.barrier barrier_id(%barrier3A)
    %scan3A = arith.constant 0 : i32
    %scan3A_5 = arith.constant 0 : i32
    %scan3A_6 = arith.constant 80 : i32
    %scan3A_7 = arith.addi %scan3A_5, %scan3A_6 : i32
    %scan3A_8 = arith.constant 1 : i32
    scf.for %scan3A_15 = %scan3A_5 to %scan3A_7 step %scan3A_8  : i32 {
      "tpu.region"() ({
        %run_scoped3A_16 = tpu.sem_alloc : memref<!tpu.dma_semaphore, #tpu.memory_space<semaphore_mem>>
        %dma_start3A = arith.constant 0 : i32
        %dma_start3A_17 = tpu.memref_slice %arg6[%scan3A_15, %dma_start3A] : memref<80x128xi32, #tpu.memory_space<vmem>> -> memref<1x128xi32, #tpu.memory_space<vmem>>
        %dma_start3A_18 = tpu.memref_squeeze %dma_start3A_17 : memref<1x128xi32, #tpu.memory_space<vmem>> -> memref<128xi32, #tpu.memory_space<vmem>>
        %dma_start3A_19 = arith.constant 0 : i32
        %dma_start3A_20 = arith.constant 0 : i32
        %dma_start3A_21 = tpu.memref_slice %arg8[%dma_start3A_19, %dma_start3A_20] : memref<10240x8xf32, #tpu.memory_space<vmem_shared>> -> memref<10240x8xf32, #tpu.memory_space<vmem_shared>>
        tpu.enqueue_indirect_dma source(%arg7 : memref<128x8xf32, #tpu.memory_space<vmem>>) target(%dma_start3A_21 : memref<10240x8xf32, #tpu.memory_space<vmem_shared>>) offsets(%dma_start3A_18 : memref<128xi32, #tpu.memory_space<vmem>>) semaphore(%run_scoped3A_16 : memref<!tpu.dma_semaphore, #tpu.memory_space<semaphore_mem>>) {add = true}
        %dma_wait3A = arith.constant 0 : i32
        %dma_wait3A_22 = tpu.memref_slice %arg6[%scan3A_15, %dma_wait3A] : memref<80x128xi32, #tpu.memory_space<vmem>> -> memref<1x128xi32, #tpu.memory_space<vmem>>
        %dma_wait3A_23 = tpu.memref_squeeze %dma_wait3A_22 : memref<1x128xi32, #tpu.memory_space<vmem>> -> memref<128xi32, #tpu.memory_space<vmem>>
        %dma_wait3A_24 = arith.constant 0 : i32
        %dma_wait3A_25 = arith.constant 0 : i32
        %dma_wait3A_26 = tpu.memref_slice %arg8[%dma_wait3A_24, %dma_wait3A_25] : memref<10240x8xf32, #tpu.memory_space<vmem_shared>> -> memref<10240x8xf32, #tpu.memory_space<vmem_shared>>
        tpu.wait_indirect_dma semaphore(%run_scoped3A_16 : memref<!tpu.dma_semaphore, #tpu.memory_space<semaphore_mem>>) src(%arg7 : memref<128x8xf32, #tpu.memory_space<vmem>>) dst(%dma_wait3A_26 : memref<10240x8xf32, #tpu.memory_space<vmem_shared>>)
        tpu.yield
      }) : () -> ()
    }
    %scan3A_9 = arith.constant 80 : i32
    %barrier3A_10 = arith.constant 0 : index
    tpu.barrier barrier_id(%barrier3A_10)
    %mul3A_11 = arith.constant 640 : i32
    %mul3A_12 = arith.muli %arg1, %mul3A_11 : i32
    %mul3A_13 = arith.constant 640 : i32
    %mul3A_14 = arith.muli %arg1, %mul3A_13 : i32
    "tpu.region"() ({
      %run_scoped3A_15 = tpu.sem_alloc : memref<!tpu.dma_semaphore, #tpu.memory_space<semaphore_mem>>
      %dma_start3A = arith.constant 0 : i32
      %dma_start3A_16 = tpu.memref_slice %arg5[%arg0, %mul3A_14, %dma_start3A] : memref<2x10240x8xf32, #tpu.memory_space<hbm>> -> memref<1x640x8xf32, #tpu.memory_space<hbm>>
      %dma_start3A_17 = tpu.memref_squeeze %dma_start3A_16 : memref<1x640x8xf32, #tpu.memory_space<hbm>> -> memref<640x8xf32, #tpu.memory_space<hbm>>
      %dma_start3A_18 = arith.constant 0 : i32
      %dma_start3A_19 = tpu.memref_slice %arg8[%mul3A_12, %dma_start3A_18] : memref<10240x8xf32, #tpu.memory_space<vmem_shared>> -> memref<640x8xf32, #tpu.memory_space<vmem_shared>>
      tpu.enqueue_dma source(%dma_start3A_19 : memref<640x8xf32, #tpu.memory_space<vmem_shared>>) target(%dma_start3A_17 : memref<640x8xf32, #tpu.memory_space<hbm>>) target_semaphore(%run_scoped3A_15 : memref<!tpu.dma_semaphore, #tpu.memory_space<semaphore_mem>>)
      %dma_wait3A = arith.constant 0 : i32
      %dma_wait3A_20 = tpu.memref_slice %arg5[%arg0, %mul3A_14, %dma_wait3A] : memref<2x10240x8xf32, #tpu.memory_space<hbm>> -> memref<1x640x8xf32, #tpu.memory_space<hbm>>
      %dma_wait3A_21 = tpu.memref_squeeze %dma_wait3A_20 : memref<1x640x8xf32, #tpu.memory_space<hbm>> -> memref<640x8xf32, #tpu.memory_space<hbm>>
      %dma_wait3A_22 = arith.constant 0 : i32
      %dma_wait3A_23 = tpu.memref_slice %arg8[%mul3A_12, %dma_wait3A_22] : memref<10240x8xf32, #tpu.memory_space<vmem_shared>> -> memref<640x8xf32, #tpu.memory_space<vmem_shared>>
      tpu.wait_dma2 semaphore(%run_scoped3A_15 : memref<!tpu.dma_semaphore, #tpu.memory_space<semaphore_mem>>) src(%dma_wait3A_23 : memref<640x8xf32, #tpu.memory_space<vmem_shared>>) dst(%dma_wait3A_21 : memref<640x8xf32, #tpu.memory_space<hbm>>)
      tpu.yield
    }) : () -> ()
    return
  }
}

#map = affine_map<(d0, d1) -> (0, 0)>
#map1 = affine_map<(d0, d1) -> (0, 0, 0, 0)>
module attributes {stable_mosaic.version = 14 : i64} {
  func.func @_edgesum_body(%arg0: i32, %arg1: i32, %arg2: memref<10240x128xf32, #tpu.memory_space<hbm>>, %arg3: memref<2x16x160x128xi32, #tpu.memory_space<hbm>>, %arg4: memref<10240x32xf32, #tpu.memory_space<hbm>>, %arg5: memref<10240x128xf32, #tpu.memory_space<hbm>>, %arg6: memref<160x128xi32, #tpu.memory_space<vmem>>, %arg7: memref<160x128xi32, #tpu.memory_space<vmem>>, %arg8: memref<2x4x128x32xf32, #tpu.memory_space<vmem>>, %arg9: memref<10240x32xf32, #tpu.memory_space<vmem_shared>>, %arg10: memref<10240x32xf32, #tpu.memory_space<vmem_shared>>, %arg11: memref<!tpu.dma_semaphore, #tpu.memory_space<semaphore_mem>>, %arg12: memref<!tpu.dma_semaphore, #tpu.memory_space<semaphore_mem>>) attributes {dimension_semantics = [#tpu.dimension_semantics<core_parallel>, #tpu.dimension_semantics<subcore_parallel>], iteration_bounds = array<i64: 2, 16>, scalar_prefetch = 0 : i64, scratch_operands = 7 : i64, tpu.core_type = #tpu.core_type<sc_vector_subcore>, window_params = [{transform_indices = #map}, {transform_indices = #map1}, {transform_indices = #map}, {transform_indices = #map}]} {
    %run_scoped3A = arith.constant 0 : i32
    "tpu.region"() ({
      %run_scoped3A_124 = tpu.sem_alloc : memref<!tpu.dma_semaphore, #tpu.memory_space<semaphore_mem>>
      %dma_start3A_125 = arith.constant 0 : i32
      %dma_start3A_126 = arith.constant 0 : i32
      %dma_start3A_127 = tpu.memref_slice %arg3[%run_scoped3A, %arg1, %dma_start3A_125, %dma_start3A_126] : memref<2x16x160x128xi32, #tpu.memory_space<hbm>> -> memref<1x1x160x128xi32, #tpu.memory_space<hbm>>
      %dma_start3A_128 = tpu.memref_squeeze %dma_start3A_127 : memref<1x1x160x128xi32, #tpu.memory_space<hbm>> -> memref<160x128xi32, #tpu.memory_space<hbm>>
      %dma_start3A_129 = arith.constant 0 : i32
      %dma_start3A_130 = arith.constant 0 : i32
      %dma_start3A_131 = tpu.memref_slice %arg3[%run_scoped3A, %arg1, %dma_start3A_129, %dma_start3A_130] : memref<2x16x160x128xi32, #tpu.memory_space<hbm>> -> memref<1x1x160x128xi32, #tpu.memory_space<hbm>>
      %dma_start3A_132 = tpu.memref_squeeze %dma_start3A_131 : memref<1x1x160x128xi32, #tpu.memory_space<hbm>> -> memref<160x128xi32, #tpu.memory_space<hbm>>
      tpu.enqueue_dma source(%dma_start3A_132 : memref<160x128xi32, #tpu.memory_space<hbm>>) target(%arg6 : memref<160x128xi32, #tpu.memory_space<vmem>>) target_semaphore(%run_scoped3A_124 : memref<!tpu.dma_semaphore, #tpu.memory_space<semaphore_mem>>)
      %dma_wait3A_133 = arith.constant 0 : i32
      %dma_wait3A_134 = arith.constant 0 : i32
      %dma_wait3A_135 = tpu.memref_slice %arg3[%run_scoped3A, %arg1, %dma_wait3A_133, %dma_wait3A_134] : memref<2x16x160x128xi32, #tpu.memory_space<hbm>> -> memref<1x1x160x128xi32, #tpu.memory_space<hbm>>
      %dma_wait3A_136 = tpu.memref_squeeze %dma_wait3A_135 : memref<1x1x160x128xi32, #tpu.memory_space<hbm>> -> memref<160x128xi32, #tpu.memory_space<hbm>>
      %dma_wait3A_137 = arith.constant 0 : i32
      %dma_wait3A_138 = arith.constant 0 : i32
      %dma_wait3A_139 = tpu.memref_slice %arg3[%run_scoped3A, %arg1, %dma_wait3A_137, %dma_wait3A_138] : memref<2x16x160x128xi32, #tpu.memory_space<hbm>> -> memref<1x1x160x128xi32, #tpu.memory_space<hbm>>
      %dma_wait3A_140 = tpu.memref_squeeze %dma_wait3A_139 : memref<1x1x160x128xi32, #tpu.memory_space<hbm>> -> memref<160x128xi32, #tpu.memory_space<hbm>>
      tpu.wait_dma2 semaphore(%run_scoped3A_124 : memref<!tpu.dma_semaphore, #tpu.memory_space<semaphore_mem>>) src(%dma_wait3A_140 : memref<160x128xi32, #tpu.memory_space<hbm>>) dst(%arg6 : memref<160x128xi32, #tpu.memory_space<vmem>>)
      tpu.yield
    }) : () -> ()
    %run_scoped3A_0 = arith.constant 1 : i32
    "tpu.region"() ({
      %run_scoped3A_124 = tpu.sem_alloc : memref<!tpu.dma_semaphore, #tpu.memory_space<semaphore_mem>>
      %dma_start3A_125 = arith.constant 0 : i32
      %dma_start3A_126 = arith.constant 0 : i32
      %dma_start3A_127 = tpu.memref_slice %arg3[%run_scoped3A_0, %arg1, %dma_start3A_125, %dma_start3A_126] : memref<2x16x160x128xi32, #tpu.memory_space<hbm>> -> memref<1x1x160x128xi32, #tpu.memory_space<hbm>>
      %dma_start3A_128 = tpu.memref_squeeze %dma_start3A_127 : memref<1x1x160x128xi32, #tpu.memory_space<hbm>> -> memref<160x128xi32, #tpu.memory_space<hbm>>
      %dma_start3A_129 = arith.constant 0 : i32
      %dma_start3A_130 = arith.constant 0 : i32
      %dma_start3A_131 = tpu.memref_slice %arg3[%run_scoped3A_0, %arg1, %dma_start3A_129, %dma_start3A_130] : memref<2x16x160x128xi32, #tpu.memory_space<hbm>> -> memref<1x1x160x128xi32, #tpu.memory_space<hbm>>
      %dma_start3A_132 = tpu.memref_squeeze %dma_start3A_131 : memref<1x1x160x128xi32, #tpu.memory_space<hbm>> -> memref<160x128xi32, #tpu.memory_space<hbm>>
      tpu.enqueue_dma source(%dma_start3A_132 : memref<160x128xi32, #tpu.memory_space<hbm>>) target(%arg7 : memref<160x128xi32, #tpu.memory_space<vmem>>) target_semaphore(%run_scoped3A_124 : memref<!tpu.dma_semaphore, #tpu.memory_space<semaphore_mem>>)
      %dma_wait3A_133 = arith.constant 0 : i32
      %dma_wait3A_134 = arith.constant 0 : i32
      %dma_wait3A_135 = tpu.memref_slice %arg3[%run_scoped3A_0, %arg1, %dma_wait3A_133, %dma_wait3A_134] : memref<2x16x160x128xi32, #tpu.memory_space<hbm>> -> memref<1x1x160x128xi32, #tpu.memory_space<hbm>>
      %dma_wait3A_136 = tpu.memref_squeeze %dma_wait3A_135 : memref<1x1x160x128xi32, #tpu.memory_space<hbm>> -> memref<160x128xi32, #tpu.memory_space<hbm>>
      %dma_wait3A_137 = arith.constant 0 : i32
      %dma_wait3A_138 = arith.constant 0 : i32
      %dma_wait3A_139 = tpu.memref_slice %arg3[%run_scoped3A_0, %arg1, %dma_wait3A_137, %dma_wait3A_138] : memref<2x16x160x128xi32, #tpu.memory_space<hbm>> -> memref<1x1x160x128xi32, #tpu.memory_space<hbm>>
      %dma_wait3A_140 = tpu.memref_squeeze %dma_wait3A_139 : memref<1x1x160x128xi32, #tpu.memory_space<hbm>> -> memref<160x128xi32, #tpu.memory_space<hbm>>
      tpu.wait_dma2 semaphore(%run_scoped3A_124 : memref<!tpu.dma_semaphore, #tpu.memory_space<semaphore_mem>>) src(%dma_wait3A_140 : memref<160x128xi32, #tpu.memory_space<hbm>>) dst(%arg7 : memref<160x128xi32, #tpu.memory_space<vmem>>)
      tpu.yield
    }) : () -> ()
    %mul3A = arith.constant 640 : i32
    %mul3A_1 = arith.muli %arg1, %mul3A : i32
    %mul3A_2 = arith.constant 640 : i32
    %mul3A_3 = arith.muli %arg1, %mul3A_2 : i32
    "tpu.region"() ({
      %run_scoped3A_124 = tpu.sem_alloc : memref<!tpu.dma_semaphore, #tpu.memory_space<semaphore_mem>>
      %dma_start3A_125 = arith.constant 0 : i32
      %dma_start3A_126 = tpu.memref_slice %arg10[%mul3A_3, %dma_start3A_125] : memref<10240x32xf32, #tpu.memory_space<vmem_shared>> -> memref<640x32xf32, #tpu.memory_space<vmem_shared>>
      %dma_start3A_127 = arith.constant 0 : i32
      %dma_start3A_128 = tpu.memref_slice %arg4[%mul3A_1, %dma_start3A_127] : memref<10240x32xf32, #tpu.memory_space<hbm>> -> memref<640x32xf32, #tpu.memory_space<hbm>>
      tpu.enqueue_dma source(%dma_start3A_128 : memref<640x32xf32, #tpu.memory_space<hbm>>) target(%dma_start3A_126 : memref<640x32xf32, #tpu.memory_space<vmem_shared>>) target_semaphore(%run_scoped3A_124 : memref<!tpu.dma_semaphore, #tpu.memory_space<semaphore_mem>>)
      %dma_wait3A_129 = arith.constant 0 : i32
      %dma_wait3A_130 = tpu.memref_slice %arg10[%mul3A_3, %dma_wait3A_129] : memref<10240x32xf32, #tpu.memory_space<vmem_shared>> -> memref<640x32xf32, #tpu.memory_space<vmem_shared>>
      %dma_wait3A_131 = arith.constant 0 : i32
      %dma_wait3A_132 = tpu.memref_slice %arg4[%mul3A_1, %dma_wait3A_131] : memref<10240x32xf32, #tpu.memory_space<hbm>> -> memref<640x32xf32, #tpu.memory_space<hbm>>
      tpu.wait_dma2 semaphore(%run_scoped3A_124 : memref<!tpu.dma_semaphore, #tpu.memory_space<semaphore_mem>>) src(%dma_wait3A_132 : memref<640x32xf32, #tpu.memory_space<hbm>>) dst(%dma_wait3A_130 : memref<640x32xf32, #tpu.memory_space<vmem_shared>>)
      tpu.yield
    }) : () -> ()
    %mul3A_4 = arith.constant 640 : i32
    %mul3A_5 = arith.muli %arg1, %mul3A_4 : i32
    %mul3A_6 = arith.constant 32 : i32
    %mul3A_7 = arith.muli %arg0, %mul3A_6 : i32
    %mul3A_8 = arith.constant 640 : i32
    %mul3A_9 = arith.muli %arg1, %mul3A_8 : i32
    "tpu.region"() ({
      %run_scoped3A_124 = tpu.sem_alloc : memref<!tpu.dma_semaphore, #tpu.memory_space<semaphore_mem>>
      %dma_start3A_125 = arith.constant 0 : i32
      %dma_start3A_126 = tpu.memref_slice %arg9[%mul3A_9, %dma_start3A_125] : memref<10240x32xf32, #tpu.memory_space<vmem_shared>> -> memref<640x32xf32, #tpu.memory_space<vmem_shared>>
      %dma_start3A_127 = tpu.memref_slice %arg2[%mul3A_5, %mul3A_7] : memref<10240x128xf32, #tpu.memory_space<hbm>> -> memref<640x32xf32, #tpu.memory_space<hbm>>
      tpu.enqueue_dma source(%dma_start3A_127 : memref<640x32xf32, #tpu.memory_space<hbm>>) target(%dma_start3A_126 : memref<640x32xf32, #tpu.memory_space<vmem_shared>>) target_semaphore(%run_scoped3A_124 : memref<!tpu.dma_semaphore, #tpu.memory_space<semaphore_mem>>)
      %dma_wait3A_128 = arith.constant 0 : i32
      %dma_wait3A_129 = tpu.memref_slice %arg9[%mul3A_9, %dma_wait3A_128] : memref<10240x32xf32, #tpu.memory_space<vmem_shared>> -> memref<640x32xf32, #tpu.memory_space<vmem_shared>>
      %dma_wait3A_130 = tpu.memref_slice %arg2[%mul3A_5, %mul3A_7] : memref<10240x128xf32, #tpu.memory_space<hbm>> -> memref<640x32xf32, #tpu.memory_space<hbm>>
      tpu.wait_dma2 semaphore(%run_scoped3A_124 : memref<!tpu.dma_semaphore, #tpu.memory_space<semaphore_mem>>) src(%dma_wait3A_130 : memref<640x32xf32, #tpu.memory_space<hbm>>) dst(%dma_wait3A_129 : memref<640x32xf32, #tpu.memory_space<vmem_shared>>)
      tpu.yield
    }) : () -> ()
    %barrier3A = arith.constant 0 : index
    tpu.barrier barrier_id(%barrier3A)
    %dma_start3A = arith.constant 0 : i32
    %dma_start3A_10 = arith.constant 0 : i32
    %dma_start3A_11 = arith.constant 0 : i32
    %dma_start3A_12 = arith.constant 0 : i32
    %dma_start3A_13 = arith.constant 0 : i32
    %dma_start3A_14 = tpu.memref_slice %arg8[%dma_start3A_10, %dma_start3A_11, %dma_start3A_12, %dma_start3A_13] : memref<2x4x128x32xf32, #tpu.memory_space<vmem>> -> memref<1x1x128x32xf32, #tpu.memory_space<vmem>>
    %dma_start3A_15 = tpu.memref_squeeze %dma_start3A_14 : memref<1x1x128x32xf32, #tpu.memory_space<vmem>> -> memref<128x32xf32, #tpu.memory_space<vmem>>
    %dma_start3A_16 = arith.constant 0 : i32
    %dma_start3A_17 = tpu.memref_slice %arg6[%dma_start3A, %dma_start3A_16] : memref<160x128xi32, #tpu.memory_space<vmem>> -> memref<1x128xi32, #tpu.memory_space<vmem>>
    %dma_start3A_18 = tpu.memref_squeeze %dma_start3A_17 : memref<1x128xi32, #tpu.memory_space<vmem>> -> memref<128xi32, #tpu.memory_space<vmem>>
    %dma_start3A_19 = arith.constant 0 : i32
    %dma_start3A_20 = arith.constant 0 : i32
    %dma_start3A_21 = tpu.memref_slice %arg9[%dma_start3A_19, %dma_start3A_20] : memref<10240x32xf32, #tpu.memory_space<vmem_shared>> -> memref<10240x32xf32, #tpu.memory_space<vmem_shared>>
    tpu.enqueue_indirect_dma source(%dma_start3A_21 : memref<10240x32xf32, #tpu.memory_space<vmem_shared>>) target(%dma_start3A_15 : memref<128x32xf32, #tpu.memory_space<vmem>>) offsets(%dma_start3A_18 : memref<128xi32, #tpu.memory_space<vmem>>) semaphore(%arg11 : memref<!tpu.dma_semaphore, #tpu.memory_space<semaphore_mem>>)
    %dma_start3A_22 = arith.constant 1 : i32
    %dma_start3A_23 = arith.constant 0 : i32
    %dma_start3A_24 = arith.constant 1 : i32
    %dma_start3A_25 = arith.constant 0 : i32
    %dma_start3A_26 = arith.constant 0 : i32
    %dma_start3A_27 = tpu.memref_slice %arg8[%dma_start3A_23, %dma_start3A_24, %dma_start3A_25, %dma_start3A_26] : memref<2x4x128x32xf32, #tpu.memory_space<vmem>> -> memref<1x1x128x32xf32, #tpu.memory_space<vmem>>
    %dma_start3A_28 = tpu.memref_squeeze %dma_start3A_27 : memref<1x1x128x32xf32, #tpu.memory_space<vmem>> -> memref<128x32xf32, #tpu.memory_space<vmem>>
    %dma_start3A_29 = arith.constant 0 : i32
    %dma_start3A_30 = tpu.memref_slice %arg6[%dma_start3A_22, %dma_start3A_29] : memref<160x128xi32, #tpu.memory_space<vmem>> -> memref<1x128xi32, #tpu.memory_space<vmem>>
    %dma_start3A_31 = tpu.memref_squeeze %dma_start3A_30 : memref<1x128xi32, #tpu.memory_space<vmem>> -> memref<128xi32, #tpu.memory_space<vmem>>
    %dma_start3A_32 = arith.constant 0 : i32
    %dma_start3A_33 = arith.constant 0 : i32
    %dma_start3A_34 = tpu.memref_slice %arg9[%dma_start3A_32, %dma_start3A_33] : memref<10240x32xf32, #tpu.memory_space<vmem_shared>> -> memref<10240x32xf32, #tpu.memory_space<vmem_shared>>
    tpu.enqueue_indirect_dma source(%dma_start3A_34 : memref<10240x32xf32, #tpu.memory_space<vmem_shared>>) target(%dma_start3A_28 : memref<128x32xf32, #tpu.memory_space<vmem>>) offsets(%dma_start3A_31 : memref<128xi32, #tpu.memory_space<vmem>>) semaphore(%arg11 : memref<!tpu.dma_semaphore, #tpu.memory_space<semaphore_mem>>)
    %dma_start3A_35 = arith.constant 2 : i32
    %dma_start3A_36 = arith.constant 0 : i32
    %dma_start3A_37 = arith.constant 2 : i32
    %dma_start3A_38 = arith.constant 0 : i32
    %dma_start3A_39 = arith.constant 0 : i32
    %dma_start3A_40 = tpu.memref_slice %arg8[%dma_start3A_36, %dma_start3A_37, %dma_start3A_38, %dma_start3A_39] : memref<2x4x128x32xf32, #tpu.memory_space<vmem>> -> memref<1x1x128x32xf32, #tpu.memory_space<vmem>>
    %dma_start3A_41 = tpu.memref_squeeze %dma_start3A_40 : memref<1x1x128x32xf32, #tpu.memory_space<vmem>> -> memref<128x32xf32, #tpu.memory_space<vmem>>
    %dma_start3A_42 = arith.constant 0 : i32
    %dma_start3A_43 = tpu.memref_slice %arg6[%dma_start3A_35, %dma_start3A_42] : memref<160x128xi32, #tpu.memory_space<vmem>> -> memref<1x128xi32, #tpu.memory_space<vmem>>
    %dma_start3A_44 = tpu.memref_squeeze %dma_start3A_43 : memref<1x128xi32, #tpu.memory_space<vmem>> -> memref<128xi32, #tpu.memory_space<vmem>>
    %dma_start3A_45 = arith.constant 0 : i32
    %dma_start3A_46 = arith.constant 0 : i32
    %dma_start3A_47 = tpu.memref_slice %arg9[%dma_start3A_45, %dma_start3A_46] : memref<10240x32xf32, #tpu.memory_space<vmem_shared>> -> memref<10240x32xf32, #tpu.memory_space<vmem_shared>>
    tpu.enqueue_indirect_dma source(%dma_start3A_47 : memref<10240x32xf32, #tpu.memory_space<vmem_shared>>) target(%dma_start3A_41 : memref<128x32xf32, #tpu.memory_space<vmem>>) offsets(%dma_start3A_44 : memref<128xi32, #tpu.memory_space<vmem>>) semaphore(%arg11 : memref<!tpu.dma_semaphore, #tpu.memory_space<semaphore_mem>>)
    %dma_start3A_48 = arith.constant 3 : i32
    %dma_start3A_49 = arith.constant 0 : i32
    %dma_start3A_50 = arith.constant 3 : i32
    %dma_start3A_51 = arith.constant 0 : i32
    %dma_start3A_52 = arith.constant 0 : i32
    %dma_start3A_53 = tpu.memref_slice %arg8[%dma_start3A_49, %dma_start3A_50, %dma_start3A_51, %dma_start3A_52] : memref<2x4x128x32xf32, #tpu.memory_space<vmem>> -> memref<1x1x128x32xf32, #tpu.memory_space<vmem>>
    %dma_start3A_54 = tpu.memref_squeeze %dma_start3A_53 : memref<1x1x128x32xf32, #tpu.memory_space<vmem>> -> memref<128x32xf32, #tpu.memory_space<vmem>>
    %dma_start3A_55 = arith.constant 0 : i32
    %dma_start3A_56 = tpu.memref_slice %arg6[%dma_start3A_48, %dma_start3A_55] : memref<160x128xi32, #tpu.memory_space<vmem>> -> memref<1x128xi32, #tpu.memory_space<vmem>>
    %dma_start3A_57 = tpu.memref_squeeze %dma_start3A_56 : memref<1x128xi32, #tpu.memory_space<vmem>> -> memref<128xi32, #tpu.memory_space<vmem>>
    %dma_start3A_58 = arith.constant 0 : i32
    %dma_start3A_59 = arith.constant 0 : i32
    %dma_start3A_60 = tpu.memref_slice %arg9[%dma_start3A_58, %dma_start3A_59] : memref<10240x32xf32, #tpu.memory_space<vmem_shared>> -> memref<10240x32xf32, #tpu.memory_space<vmem_shared>>
    tpu.enqueue_indirect_dma source(%dma_start3A_60 : memref<10240x32xf32, #tpu.memory_space<vmem_shared>>) target(%dma_start3A_54 : memref<128x32xf32, #tpu.memory_space<vmem>>) offsets(%dma_start3A_57 : memref<128xi32, #tpu.memory_space<vmem>>) semaphore(%arg11 : memref<!tpu.dma_semaphore, #tpu.memory_space<semaphore_mem>>)
    %scan3A = arith.constant 0 : i32
    %scan3A_61 = arith.constant 0 : i32
    %scan3A_62 = arith.constant 40 : i32
    %scan3A_63 = arith.addi %scan3A_61, %scan3A_62 : i32
    %scan3A_64 = arith.constant 1 : i32
    scf.for %scan3A_124 = %scan3A_61 to %scan3A_63 step %scan3A_64  : i32 {
      %add3A = arith.constant 1 : i32
      %add3A_125 = arith.addi %scan3A_124, %add3A : i32
      %gt3A = arith.constant 0 : i32
      %gt3A_126 = arith.cmpi sgt, %scan3A_124, %gt3A : i32
      %convert_element_type3A = arith.extui %gt3A_126 : i1 to i32
      %cond3A = arith.constant 0 : i32
      %cond3A_127 = arith.cmpi ne, %convert_element_type3A, %cond3A : i32
      scf.if %cond3A_127 {
        %dma_wait3A_362 = arith.constant 0 : i32
        %dma_wait3A_363 = arith.constant 0 : i32
        %dma_wait3A_364 = arith.constant 0 : i32
        %dma_wait3A_365 = arith.constant 0 : i32
        %dma_wait3A_366 = arith.constant 0 : i32
        %dma_wait3A_367 = tpu.memref_slice %arg8[%dma_wait3A_362, %dma_wait3A_363, %dma_wait3A_365, %dma_wait3A_366] : memref<2x4x128x32xf32, #tpu.memory_space<vmem>> -> memref<1x1x128x32xf32, #tpu.memory_space<vmem>>
        %dma_wait3A_368 = tpu.memref_squeeze %dma_wait3A_367 : memref<1x1x128x32xf32, #tpu.memory_space<vmem>> -> memref<128x32xf32, #tpu.memory_space<vmem>>
        %dma_wait3A_369 = arith.constant 0 : i32
        %dma_wait3A_370 = tpu.memref_slice %arg7[%dma_wait3A_364, %dma_wait3A_369] : memref<160x128xi32, #tpu.memory_space<vmem>> -> memref<1x128xi32, #tpu.memory_space<vmem>>
        %dma_wait3A_371 = tpu.memref_squeeze %dma_wait3A_370 : memref<1x128xi32, #tpu.memory_space<vmem>> -> memref<128xi32, #tpu.memory_space<vmem>>
        %dma_wait3A_372 = arith.constant 0 : i32
        %dma_wait3A_373 = arith.constant 0 : i32
        %dma_wait3A_374 = tpu.memref_slice %arg10[%dma_wait3A_372, %dma_wait3A_373] : memref<10240x32xf32, #tpu.memory_space<vmem_shared>> -> memref<10240x32xf32, #tpu.memory_space<vmem_shared>>
        tpu.wait_indirect_dma semaphore(%arg12 : memref<!tpu.dma_semaphore, #tpu.memory_space<semaphore_mem>>) src(%dma_wait3A_368 : memref<128x32xf32, #tpu.memory_space<vmem>>) dst(%dma_wait3A_374 : memref<10240x32xf32, #tpu.memory_space<vmem_shared>>)
        %dma_wait3A_375 = arith.constant 0 : i32
        %dma_wait3A_376 = arith.constant 1 : i32
        %dma_wait3A_377 = arith.constant 0 : i32
        %dma_wait3A_378 = arith.constant 0 : i32
        %dma_wait3A_379 = arith.constant 0 : i32
        %dma_wait3A_380 = tpu.memref_slice %arg8[%dma_wait3A_375, %dma_wait3A_376, %dma_wait3A_378, %dma_wait3A_379] : memref<2x4x128x32xf32, #tpu.memory_space<vmem>> -> memref<1x1x128x32xf32, #tpu.memory_space<vmem>>
        %dma_wait3A_381 = tpu.memref_squeeze %dma_wait3A_380 : memref<1x1x128x32xf32, #tpu.memory_space<vmem>> -> memref<128x32xf32, #tpu.memory_space<vmem>>
        %dma_wait3A_382 = arith.constant 0 : i32
        %dma_wait3A_383 = tpu.memref_slice %arg7[%dma_wait3A_377, %dma_wait3A_382] : memref<160x128xi32, #tpu.memory_space<vmem>> -> memref<1x128xi32, #tpu.memory_space<vmem>>
        %dma_wait3A_384 = tpu.memref_squeeze %dma_wait3A_383 : memref<1x128xi32, #tpu.memory_space<vmem>> -> memref<128xi32, #tpu.memory_space<vmem>>
        %dma_wait3A_385 = arith.constant 0 : i32
        %dma_wait3A_386 = arith.constant 0 : i32
        %dma_wait3A_387 = tpu.memref_slice %arg10[%dma_wait3A_385, %dma_wait3A_386] : memref<10240x32xf32, #tpu.memory_space<vmem_shared>> -> memref<10240x32xf32, #tpu.memory_space<vmem_shared>>
        tpu.wait_indirect_dma semaphore(%arg12 : memref<!tpu.dma_semaphore, #tpu.memory_space<semaphore_mem>>) src(%dma_wait3A_381 : memref<128x32xf32, #tpu.memory_space<vmem>>) dst(%dma_wait3A_387 : memref<10240x32xf32, #tpu.memory_space<vmem_shared>>)
        %dma_wait3A_388 = arith.constant 0 : i32
        %dma_wait3A_389 = arith.constant 2 : i32
        %dma_wait3A_390 = arith.constant 0 : i32
        %dma_wait3A_391 = arith.constant 0 : i32
        %dma_wait3A_392 = arith.constant 0 : i32
        %dma_wait3A_393 = tpu.memref_slice %arg8[%dma_wait3A_388, %dma_wait3A_389, %dma_wait3A_391, %dma_wait3A_392] : memref<2x4x128x32xf32, #tpu.memory_space<vmem>> -> memref<1x1x128x32xf32, #tpu.memory_space<vmem>>
        %dma_wait3A_394 = tpu.memref_squeeze %dma_wait3A_393 : memref<1x1x128x32xf32, #tpu.memory_space<vmem>> -> memref<128x32xf32, #tpu.memory_space<vmem>>
        %dma_wait3A_395 = arith.constant 0 : i32
        %dma_wait3A_396 = tpu.memref_slice %arg7[%dma_wait3A_390, %dma_wait3A_395] : memref<160x128xi32, #tpu.memory_space<vmem>> -> memref<1x128xi32, #tpu.memory_space<vmem>>
        %dma_wait3A_397 = tpu.memref_squeeze %dma_wait3A_396 : memref<1x128xi32, #tpu.memory_space<vmem>> -> memref<128xi32, #tpu.memory_space<vmem>>
        %dma_wait3A_398 = arith.constant 0 : i32
        %dma_wait3A_399 = arith.constant 0 : i32
        %dma_wait3A_400 = tpu.memref_slice %arg10[%dma_wait3A_398, %dma_wait3A_399] : memref<10240x32xf32, #tpu.memory_space<vmem_shared>> -> memref<10240x32xf32, #tpu.memory_space<vmem_shared>>
        tpu.wait_indirect_dma semaphore(%arg12 : memref<!tpu.dma_semaphore, #tpu.memory_space<semaphore_mem>>) src(%dma_wait3A_394 : memref<128x32xf32, #tpu.memory_space<vmem>>) dst(%dma_wait3A_400 : memref<10240x32xf32, #tpu.memory_space<vmem_shared>>)
        %dma_wait3A_401 = arith.constant 0 : i32
        %dma_wait3A_402 = arith.constant 3 : i32
        %dma_wait3A_403 = arith.constant 0 : i32
        %dma_wait3A_404 = arith.constant 0 : i32
        %dma_wait3A_405 = arith.constant 0 : i32
        %dma_wait3A_406 = tpu.memref_slice %arg8[%dma_wait3A_401, %dma_wait3A_402, %dma_wait3A_404, %dma_wait3A_405] : memref<2x4x128x32xf32, #tpu.memory_space<vmem>> -> memref<1x1x128x32xf32, #tpu.memory_space<vmem>>
        %dma_wait3A_407 = tpu.memref_squeeze %dma_wait3A_406 : memref<1x1x128x32xf32, #tpu.memory_space<vmem>> -> memref<128x32xf32, #tpu.memory_space<vmem>>
        %dma_wait3A_408 = arith.constant 0 : i32
        %dma_wait3A_409 = tpu.memref_slice %arg7[%dma_wait3A_403, %dma_wait3A_408] : memref<160x128xi32, #tpu.memory_space<vmem>> -> memref<1x128xi32, #tpu.memory_space<vmem>>
        %dma_wait3A_410 = tpu.memref_squeeze %dma_wait3A_409 : memref<1x128xi32, #tpu.memory_space<vmem>> -> memref<128xi32, #tpu.memory_space<vmem>>
        %dma_wait3A_411 = arith.constant 0 : i32
        %dma_wait3A_412 = arith.constant 0 : i32
        %dma_wait3A_413 = tpu.memref_slice %arg10[%dma_wait3A_411, %dma_wait3A_412] : memref<10240x32xf32, #tpu.memory_space<vmem_shared>> -> memref<10240x32xf32, #tpu.memory_space<vmem_shared>>
        tpu.wait_indirect_dma semaphore(%arg12 : memref<!tpu.dma_semaphore, #tpu.memory_space<semaphore_mem>>) src(%dma_wait3A_407 : memref<128x32xf32, #tpu.memory_space<vmem>>) dst(%dma_wait3A_413 : memref<10240x32xf32, #tpu.memory_space<vmem_shared>>)
      } else {
      }
      %lt3A = arith.constant 40 : i32
      %lt3A_128 = arith.cmpi slt, %add3A_125, %lt3A : i32
      %convert_element_type3A_129 = arith.extui %lt3A_128 : i1 to i32
      %cond3A_130 = arith.constant 0 : i32
      %cond3A_131 = arith.cmpi ne, %convert_element_type3A_129, %cond3A_130 : i32
      scf.if %cond3A_131 {
        %jit3A_362 = arith.constant 2 : i32
        %eq3A_363 = arith.constant 0 : i32
        %eq3A_364 = arith.cmpi eq, %jit3A_362, %eq3A_363 : i32
        %jit3A_365 = arith.constant 1 : i32
        %select_n3A_366 = arith.select %eq3A_364, %jit3A_365, %jit3A_362 : i32
        %rem3A_367 = arith.remsi %add3A_125, %select_n3A_366 : i32
        %ne3A_368 = arith.constant 0 : i32
        %ne3A_369 = arith.cmpi ne, %rem3A_367, %ne3A_368 : i32
        %lt3A_370 = arith.constant 0 : i32
        %lt3A_371 = arith.cmpi slt, %rem3A_367, %lt3A_370 : i32
        %lt3A_372 = arith.constant 0 : i32
        %lt3A_373 = arith.cmpi slt, %select_n3A_366, %lt3A_372 : i32
        %ne3A_374 = arith.xori %lt3A_371, %lt3A_373 : i1
        %and3A_375 = arith.andi %ne3A_374, %ne3A_369 : i1
        %add3A_376 = arith.addi %rem3A_367, %select_n3A_366 : i32
        %select_n3A_377 = arith.select %and3A_375, %add3A_376, %rem3A_367 : i32
        %mul3A_378 = arith.constant 4 : i32
        %mul3A_379 = arith.muli %add3A_125, %mul3A_378 : i32
        %add3A_380 = arith.constant 0 : i32
        %add3A_381 = arith.addi %mul3A_379, %add3A_380 : i32
        %dma_start3A_382 = arith.constant 0 : i32
        %dma_start3A_383 = arith.constant 0 : i32
        %dma_start3A_384 = arith.constant 0 : i32
        %dma_start3A_385 = tpu.memref_slice %arg8[%select_n3A_377, %dma_start3A_382, %dma_start3A_383, %dma_start3A_384] : memref<2x4x128x32xf32, #tpu.memory_space<vmem>> -> memref<1x1x128x32xf32, #tpu.memory_space<vmem>>
        %dma_start3A_386 = tpu.memref_squeeze %dma_start3A_385 : memref<1x1x128x32xf32, #tpu.memory_space<vmem>> -> memref<128x32xf32, #tpu.memory_space<vmem>>
        %dma_start3A_387 = arith.constant 0 : i32
        %dma_start3A_388 = tpu.memref_slice %arg6[%add3A_381, %dma_start3A_387] : memref<160x128xi32, #tpu.memory_space<vmem>> -> memref<1x128xi32, #tpu.memory_space<vmem>>
        %dma_start3A_389 = tpu.memref_squeeze %dma_start3A_388 : memref<1x128xi32, #tpu.memory_space<vmem>> -> memref<128xi32, #tpu.memory_space<vmem>>
        %dma_start3A_390 = arith.constant 0 : i32
        %dma_start3A_391 = arith.constant 0 : i32
        %dma_start3A_392 = tpu.memref_slice %arg9[%dma_start3A_390, %dma_start3A_391] : memref<10240x32xf32, #tpu.memory_space<vmem_shared>> -> memref<10240x32xf32, #tpu.memory_space<vmem_shared>>
        tpu.enqueue_indirect_dma source(%dma_start3A_392 : memref<10240x32xf32, #tpu.memory_space<vmem_shared>>) target(%dma_start3A_386 : memref<128x32xf32, #tpu.memory_space<vmem>>) offsets(%dma_start3A_389 : memref<128xi32, #tpu.memory_space<vmem>>) semaphore(%arg11 : memref<!tpu.dma_semaphore, #tpu.memory_space<semaphore_mem>>)
        %mul3A_393 = arith.constant 4 : i32
        %mul3A_394 = arith.muli %add3A_125, %mul3A_393 : i32
        %add3A_395 = arith.constant 1 : i32
        %add3A_396 = arith.addi %mul3A_394, %add3A_395 : i32
        %dma_start3A_397 = arith.constant 1 : i32
        %dma_start3A_398 = arith.constant 0 : i32
        %dma_start3A_399 = arith.constant 0 : i32
        %dma_start3A_400 = tpu.memref_slice %arg8[%select_n3A_377, %dma_start3A_397, %dma_start3A_398, %dma_start3A_399] : memref<2x4x128x32xf32, #tpu.memory_space<vmem>> -> memref<1x1x128x32xf32, #tpu.memory_space<vmem>>
        %dma_start3A_401 = tpu.memref_squeeze %dma_start3A_400 : memref<1x1x128x32xf32, #tpu.memory_space<vmem>> -> memref<128x32xf32, #tpu.memory_space<vmem>>
        %dma_start3A_402 = arith.constant 0 : i32
        %dma_start3A_403 = tpu.memref_slice %arg6[%add3A_396, %dma_start3A_402] : memref<160x128xi32, #tpu.memory_space<vmem>> -> memref<1x128xi32, #tpu.memory_space<vmem>>
        %dma_start3A_404 = tpu.memref_squeeze %dma_start3A_403 : memref<1x128xi32, #tpu.memory_space<vmem>> -> memref<128xi32, #tpu.memory_space<vmem>>
        %dma_start3A_405 = arith.constant 0 : i32
        %dma_start3A_406 = arith.constant 0 : i32
        %dma_start3A_407 = tpu.memref_slice %arg9[%dma_start3A_405, %dma_start3A_406] : memref<10240x32xf32, #tpu.memory_space<vmem_shared>> -> memref<10240x32xf32, #tpu.memory_space<vmem_shared>>
        tpu.enqueue_indirect_dma source(%dma_start3A_407 : memref<10240x32xf32, #tpu.memory_space<vmem_shared>>) target(%dma_start3A_401 : memref<128x32xf32, #tpu.memory_space<vmem>>) offsets(%dma_start3A_404 : memref<128xi32, #tpu.memory_space<vmem>>) semaphore(%arg11 : memref<!tpu.dma_semaphore, #tpu.memory_space<semaphore_mem>>)
        %mul3A_408 = arith.constant 4 : i32
        %mul3A_409 = arith.muli %add3A_125, %mul3A_408 : i32
        %add3A_410 = arith.constant 2 : i32
        %add3A_411 = arith.addi %mul3A_409, %add3A_410 : i32
        %dma_start3A_412 = arith.constant 2 : i32
        %dma_start3A_413 = arith.constant 0 : i32
        %dma_start3A_414 = arith.constant 0 : i32
        %dma_start3A_415 = tpu.memref_slice %arg8[%select_n3A_377, %dma_start3A_412, %dma_start3A_413, %dma_start3A_414] : memref<2x4x128x32xf32, #tpu.memory_space<vmem>> -> memref<1x1x128x32xf32, #tpu.memory_space<vmem>>
        %dma_start3A_416 = tpu.memref_squeeze %dma_start3A_415 : memref<1x1x128x32xf32, #tpu.memory_space<vmem>> -> memref<128x32xf32, #tpu.memory_space<vmem>>
        %dma_start3A_417 = arith.constant 0 : i32
        %dma_start3A_418 = tpu.memref_slice %arg6[%add3A_411, %dma_start3A_417] : memref<160x128xi32, #tpu.memory_space<vmem>> -> memref<1x128xi32, #tpu.memory_space<vmem>>
        %dma_start3A_419 = tpu.memref_squeeze %dma_start3A_418 : memref<1x128xi32, #tpu.memory_space<vmem>> -> memref<128xi32, #tpu.memory_space<vmem>>
        %dma_start3A_420 = arith.constant 0 : i32
        %dma_start3A_421 = arith.constant 0 : i32
        %dma_start3A_422 = tpu.memref_slice %arg9[%dma_start3A_420, %dma_start3A_421] : memref<10240x32xf32, #tpu.memory_space<vmem_shared>> -> memref<10240x32xf32, #tpu.memory_space<vmem_shared>>
        tpu.enqueue_indirect_dma source(%dma_start3A_422 : memref<10240x32xf32, #tpu.memory_space<vmem_shared>>) target(%dma_start3A_416 : memref<128x32xf32, #tpu.memory_space<vmem>>) offsets(%dma_start3A_419 : memref<128xi32, #tpu.memory_space<vmem>>) semaphore(%arg11 : memref<!tpu.dma_semaphore, #tpu.memory_space<semaphore_mem>>)
        %mul3A_423 = arith.constant 4 : i32
        %mul3A_424 = arith.muli %add3A_125, %mul3A_423 : i32
        %add3A_425 = arith.constant 3 : i32
        %add3A_426 = arith.addi %mul3A_424, %add3A_425 : i32
        %dma_start3A_427 = arith.constant 3 : i32
        %dma_start3A_428 = arith.constant 0 : i32
        %dma_start3A_429 = arith.constant 0 : i32
        %dma_start3A_430 = tpu.memref_slice %arg8[%select_n3A_377, %dma_start3A_427, %dma_start3A_428, %dma_start3A_429] : memref<2x4x128x32xf32, #tpu.memory_space<vmem>> -> memref<1x1x128x32xf32, #tpu.memory_space<vmem>>
        %dma_start3A_431 = tpu.memref_squeeze %dma_start3A_430 : memref<1x1x128x32xf32, #tpu.memory_space<vmem>> -> memref<128x32xf32, #tpu.memory_space<vmem>>
        %dma_start3A_432 = arith.constant 0 : i32
        %dma_start3A_433 = tpu.memref_slice %arg6[%add3A_426, %dma_start3A_432] : memref<160x128xi32, #tpu.memory_space<vmem>> -> memref<1x128xi32, #tpu.memory_space<vmem>>
        %dma_start3A_434 = tpu.memref_squeeze %dma_start3A_433 : memref<1x128xi32, #tpu.memory_space<vmem>> -> memref<128xi32, #tpu.memory_space<vmem>>
        %dma_start3A_435 = arith.constant 0 : i32
        %dma_start3A_436 = arith.constant 0 : i32
        %dma_start3A_437 = tpu.memref_slice %arg9[%dma_start3A_435, %dma_start3A_436] : memref<10240x32xf32, #tpu.memory_space<vmem_shared>> -> memref<10240x32xf32, #tpu.memory_space<vmem_shared>>
        tpu.enqueue_indirect_dma source(%dma_start3A_437 : memref<10240x32xf32, #tpu.memory_space<vmem_shared>>) target(%dma_start3A_431 : memref<128x32xf32, #tpu.memory_space<vmem>>) offsets(%dma_start3A_434 : memref<128xi32, #tpu.memory_space<vmem>>) semaphore(%arg11 : memref<!tpu.dma_semaphore, #tpu.memory_space<semaphore_mem>>)
      } else {
      }
      %jit3A = arith.constant 2 : i32
      %eq3A = arith.constant 0 : i32
      %eq3A_132 = arith.cmpi eq, %jit3A, %eq3A : i32
      %jit3A_133 = arith.constant 1 : i32
      %select_n3A = arith.select %eq3A_132, %jit3A_133, %jit3A : i32
      %rem3A = arith.remsi %scan3A_124, %select_n3A : i32
      %ne3A = arith.constant 0 : i32
      %ne3A_134 = arith.cmpi ne, %rem3A, %ne3A : i32
      %lt3A_135 = arith.constant 0 : i32
      %lt3A_136 = arith.cmpi slt, %rem3A, %lt3A_135 : i32
      %lt3A_137 = arith.constant 0 : i32
      %lt3A_138 = arith.cmpi slt, %select_n3A, %lt3A_137 : i32
      %ne3A_139 = arith.xori %lt3A_136, %lt3A_138 : i1
      %and3A = arith.andi %ne3A_139, %ne3A_134 : i1
      %add3A_140 = arith.addi %rem3A, %select_n3A : i32
      %select_n3A_141 = arith.select %and3A, %add3A_140, %rem3A : i32
      %dma_wait3A_142 = arith.constant 0 : i32
      %dma_wait3A_143 = arith.constant 0 : i32
      %dma_wait3A_144 = arith.constant 0 : i32
      %dma_wait3A_145 = arith.constant 0 : i32
      %dma_wait3A_146 = tpu.memref_slice %arg8[%select_n3A_141, %dma_wait3A_143, %dma_wait3A_144, %dma_wait3A_145] : memref<2x4x128x32xf32, #tpu.memory_space<vmem>> -> memref<1x1x128x32xf32, #tpu.memory_space<vmem>>
      %dma_wait3A_147 = tpu.memref_squeeze %dma_wait3A_146 : memref<1x1x128x32xf32, #tpu.memory_space<vmem>> -> memref<128x32xf32, #tpu.memory_space<vmem>>
      %dma_wait3A_148 = arith.constant 0 : i32
      %dma_wait3A_149 = tpu.memref_slice %arg6[%dma_wait3A_142, %dma_wait3A_148] : memref<160x128xi32, #tpu.memory_space<vmem>> -> memref<1x128xi32, #tpu.memory_space<vmem>>
      %dma_wait3A_150 = tpu.memref_squeeze %dma_wait3A_149 : memref<1x128xi32, #tpu.memory_space<vmem>> -> memref<128xi32, #tpu.memory_space<vmem>>
      %dma_wait3A_151 = arith.constant 0 : i32
      %dma_wait3A_152 = arith.constant 0 : i32
      %dma_wait3A_153 = tpu.memref_slice %arg9[%dma_wait3A_151, %dma_wait3A_152] : memref<10240x32xf32, #tpu.memory_space<vmem_shared>> -> memref<10240x32xf32, #tpu.memory_space<vmem_shared>>
      tpu.wait_indirect_dma semaphore(%arg11 : memref<!tpu.dma_semaphore, #tpu.memory_space<semaphore_mem>>) src(%dma_wait3A_153 : memref<10240x32xf32, #tpu.memory_space<vmem_shared>>) dst(%dma_wait3A_147 : memref<128x32xf32, #tpu.memory_space<vmem>>)
      %jit3A_154 = arith.constant 2 : i32
      %eq3A_155 = arith.constant 0 : i32
      %eq3A_156 = arith.cmpi eq, %jit3A_154, %eq3A_155 : i32
      %jit3A_157 = arith.constant 1 : i32
      %select_n3A_158 = arith.select %eq3A_156, %jit3A_157, %jit3A_154 : i32
      %rem3A_159 = arith.remsi %scan3A_124, %select_n3A_158 : i32
      %ne3A_160 = arith.constant 0 : i32
      %ne3A_161 = arith.cmpi ne, %rem3A_159, %ne3A_160 : i32
      %lt3A_162 = arith.constant 0 : i32
      %lt3A_163 = arith.cmpi slt, %rem3A_159, %lt3A_162 : i32
      %lt3A_164 = arith.constant 0 : i32
      %lt3A_165 = arith.cmpi slt, %select_n3A_158, %lt3A_164 : i32
      %ne3A_166 = arith.xori %lt3A_163, %lt3A_165 : i1
      %and3A_167 = arith.andi %ne3A_166, %ne3A_161 : i1
      %add3A_168 = arith.addi %rem3A_159, %select_n3A_158 : i32
      %select_n3A_169 = arith.select %and3A_167, %add3A_168, %rem3A_159 : i32
      %dma_wait3A_170 = arith.constant 0 : i32
      %dma_wait3A_171 = arith.constant 1 : i32
      %dma_wait3A_172 = arith.constant 0 : i32
      %dma_wait3A_173 = arith.constant 0 : i32
      %dma_wait3A_174 = tpu.memref_slice %arg8[%select_n3A_169, %dma_wait3A_171, %dma_wait3A_172, %dma_wait3A_173] : memref<2x4x128x32xf32, #tpu.memory_space<vmem>> -> memref<1x1x128x32xf32, #tpu.memory_space<vmem>>
      %dma_wait3A_175 = tpu.memref_squeeze %dma_wait3A_174 : memref<1x1x128x32xf32, #tpu.memory_space<vmem>> -> memref<128x32xf32, #tpu.memory_space<vmem>>
      %dma_wait3A_176 = arith.constant 0 : i32
      %dma_wait3A_177 = tpu.memref_slice %arg6[%dma_wait3A_170, %dma_wait3A_176] : memref<160x128xi32, #tpu.memory_space<vmem>> -> memref<1x128xi32, #tpu.memory_space<vmem>>
      %dma_wait3A_178 = tpu.memref_squeeze %dma_wait3A_177 : memref<1x128xi32, #tpu.memory_space<vmem>> -> memref<128xi32, #tpu.memory_space<vmem>>
      %dma_wait3A_179 = arith.constant 0 : i32
      %dma_wait3A_180 = arith.constant 0 : i32
      %dma_wait3A_181 = tpu.memref_slice %arg9[%dma_wait3A_179, %dma_wait3A_180] : memref<10240x32xf32, #tpu.memory_space<vmem_shared>> -> memref<10240x32xf32, #tpu.memory_space<vmem_shared>>
      tpu.wait_indirect_dma semaphore(%arg11 : memref<!tpu.dma_semaphore, #tpu.memory_space<semaphore_mem>>) src(%dma_wait3A_181 : memref<10240x32xf32, #tpu.memory_space<vmem_shared>>) dst(%dma_wait3A_175 : memref<128x32xf32, #tpu.memory_space<vmem>>)
      %jit3A_182 = arith.constant 2 : i32
      %eq3A_183 = arith.constant 0 : i32
      %eq3A_184 = arith.cmpi eq, %jit3A_182, %eq3A_183 : i32
      %jit3A_185 = arith.constant 1 : i32
      %select_n3A_186 = arith.select %eq3A_184, %jit3A_185, %jit3A_182 : i32
      %rem3A_187 = arith.remsi %scan3A_124, %select_n3A_186 : i32
      %ne3A_188 = arith.constant 0 : i32
      %ne3A_189 = arith.cmpi ne, %rem3A_187, %ne3A_188 : i32
      %lt3A_190 = arith.constant 0 : i32
      %lt3A_191 = arith.cmpi slt, %rem3A_187, %lt3A_190 : i32
      %lt3A_192 = arith.constant 0 : i32
      %lt3A_193 = arith.cmpi slt, %select_n3A_186, %lt3A_192 : i32
      %ne3A_194 = arith.xori %lt3A_191, %lt3A_193 : i1
      %and3A_195 = arith.andi %ne3A_194, %ne3A_189 : i1
      %add3A_196 = arith.addi %rem3A_187, %select_n3A_186 : i32
      %select_n3A_197 = arith.select %and3A_195, %add3A_196, %rem3A_187 : i32
      %dma_wait3A_198 = arith.constant 0 : i32
      %dma_wait3A_199 = arith.constant 2 : i32
      %dma_wait3A_200 = arith.constant 0 : i32
      %dma_wait3A_201 = arith.constant 0 : i32
      %dma_wait3A_202 = tpu.memref_slice %arg8[%select_n3A_197, %dma_wait3A_199, %dma_wait3A_200, %dma_wait3A_201] : memref<2x4x128x32xf32, #tpu.memory_space<vmem>> -> memref<1x1x128x32xf32, #tpu.memory_space<vmem>>
      %dma_wait3A_203 = tpu.memref_squeeze %dma_wait3A_202 : memref<1x1x128x32xf32, #tpu.memory_space<vmem>> -> memref<128x32xf32, #tpu.memory_space<vmem>>
      %dma_wait3A_204 = arith.constant 0 : i32
      %dma_wait3A_205 = tpu.memref_slice %arg6[%dma_wait3A_198, %dma_wait3A_204] : memref<160x128xi32, #tpu.memory_space<vmem>> -> memref<1x128xi32, #tpu.memory_space<vmem>>
      %dma_wait3A_206 = tpu.memref_squeeze %dma_wait3A_205 : memref<1x128xi32, #tpu.memory_space<vmem>> -> memref<128xi32, #tpu.memory_space<vmem>>
      %dma_wait3A_207 = arith.constant 0 : i32
      %dma_wait3A_208 = arith.constant 0 : i32
      %dma_wait3A_209 = tpu.memref_slice %arg9[%dma_wait3A_207, %dma_wait3A_208] : memref<10240x32xf32, #tpu.memory_space<vmem_shared>> -> memref<10240x32xf32, #tpu.memory_space<vmem_shared>>
      tpu.wait_indirect_dma semaphore(%arg11 : memref<!tpu.dma_semaphore, #tpu.memory_space<semaphore_mem>>) src(%dma_wait3A_209 : memref<10240x32xf32, #tpu.memory_space<vmem_shared>>) dst(%dma_wait3A_203 : memref<128x32xf32, #tpu.memory_space<vmem>>)
      %jit3A_210 = arith.constant 2 : i32
      %eq3A_211 = arith.constant 0 : i32
      %eq3A_212 = arith.cmpi eq, %jit3A_210, %eq3A_211 : i32
      %jit3A_213 = arith.constant 1 : i32
      %select_n3A_214 = arith.select %eq3A_212, %jit3A_213, %jit3A_210 : i32
      %rem3A_215 = arith.remsi %scan3A_124, %select_n3A_214 : i32
      %ne3A_216 = arith.constant 0 : i32
      %ne3A_217 = arith.cmpi ne, %rem3A_215, %ne3A_216 : i32
      %lt3A_218 = arith.constant 0 : i32
      %lt3A_219 = arith.cmpi slt, %rem3A_215, %lt3A_218 : i32
      %lt3A_220 = arith.constant 0 : i32
      %lt3A_221 = arith.cmpi slt, %select_n3A_214, %lt3A_220 : i32
      %ne3A_222 = arith.xori %lt3A_219, %lt3A_221 : i1
      %and3A_223 = arith.andi %ne3A_222, %ne3A_217 : i1
      %add3A_224 = arith.addi %rem3A_215, %select_n3A_214 : i32
      %select_n3A_225 = arith.select %and3A_223, %add3A_224, %rem3A_215 : i32
      %dma_wait3A_226 = arith.constant 0 : i32
      %dma_wait3A_227 = arith.constant 3 : i32
      %dma_wait3A_228 = arith.constant 0 : i32
      %dma_wait3A_229 = arith.constant 0 : i32
      %dma_wait3A_230 = tpu.memref_slice %arg8[%select_n3A_225, %dma_wait3A_227, %dma_wait3A_228, %dma_wait3A_229] : memref<2x4x128x32xf32, #tpu.memory_space<vmem>> -> memref<1x1x128x32xf32, #tpu.memory_space<vmem>>
      %dma_wait3A_231 = tpu.memref_squeeze %dma_wait3A_230 : memref<1x1x128x32xf32, #tpu.memory_space<vmem>> -> memref<128x32xf32, #tpu.memory_space<vmem>>
      %dma_wait3A_232 = arith.constant 0 : i32
      %dma_wait3A_233 = tpu.memref_slice %arg6[%dma_wait3A_226, %dma_wait3A_232] : memref<160x128xi32, #tpu.memory_space<vmem>> -> memref<1x128xi32, #tpu.memory_space<vmem>>
      %dma_wait3A_234 = tpu.memref_squeeze %dma_wait3A_233 : memref<1x128xi32, #tpu.memory_space<vmem>> -> memref<128xi32, #tpu.memory_space<vmem>>
      %dma_wait3A_235 = arith.constant 0 : i32
      %dma_wait3A_236 = arith.constant 0 : i32
      %dma_wait3A_237 = tpu.memref_slice %arg9[%dma_wait3A_235, %dma_wait3A_236] : memref<10240x32xf32, #tpu.memory_space<vmem_shared>> -> memref<10240x32xf32, #tpu.memory_space<vmem_shared>>
      tpu.wait_indirect_dma semaphore(%arg11 : memref<!tpu.dma_semaphore, #tpu.memory_space<semaphore_mem>>) src(%dma_wait3A_237 : memref<10240x32xf32, #tpu.memory_space<vmem_shared>>) dst(%dma_wait3A_231 : memref<128x32xf32, #tpu.memory_space<vmem>>)
      %jit3A_238 = arith.constant 2 : i32
      %eq3A_239 = arith.constant 0 : i32
      %eq3A_240 = arith.cmpi eq, %jit3A_238, %eq3A_239 : i32
      %jit3A_241 = arith.constant 1 : i32
      %select_n3A_242 = arith.select %eq3A_240, %jit3A_241, %jit3A_238 : i32
      %rem3A_243 = arith.remsi %scan3A_124, %select_n3A_242 : i32
      %ne3A_244 = arith.constant 0 : i32
      %ne3A_245 = arith.cmpi ne, %rem3A_243, %ne3A_244 : i32
      %lt3A_246 = arith.constant 0 : i32
      %lt3A_247 = arith.cmpi slt, %rem3A_243, %lt3A_246 : i32
      %lt3A_248 = arith.constant 0 : i32
      %lt3A_249 = arith.cmpi slt, %select_n3A_242, %lt3A_248 : i32
      %ne3A_250 = arith.xori %lt3A_247, %lt3A_249 : i1
      %and3A_251 = arith.andi %ne3A_250, %ne3A_245 : i1
      %add3A_252 = arith.addi %rem3A_243, %select_n3A_242 : i32
      %select_n3A_253 = arith.select %and3A_251, %add3A_252, %rem3A_243 : i32
      %mul3A_254 = arith.constant 4 : i32
      %mul3A_255 = arith.muli %scan3A_124, %mul3A_254 : i32
      %add3A_256 = arith.constant 0 : i32
      %add3A_257 = arith.addi %mul3A_255, %add3A_256 : i32
      %dma_start3A_258 = arith.constant 0 : i32
      %dma_start3A_259 = arith.constant 0 : i32
      %dma_start3A_260 = arith.constant 0 : i32
      %dma_start3A_261 = tpu.memref_slice %arg8[%select_n3A_253, %dma_start3A_258, %dma_start3A_259, %dma_start3A_260] : memref<2x4x128x32xf32, #tpu.memory_space<vmem>> -> memref<1x1x128x32xf32, #tpu.memory_space<vmem>>
      %dma_start3A_262 = tpu.memref_squeeze %dma_start3A_261 : memref<1x1x128x32xf32, #tpu.memory_space<vmem>> -> memref<128x32xf32, #tpu.memory_space<vmem>>
      %dma_start3A_263 = arith.constant 0 : i32
      %dma_start3A_264 = tpu.memref_slice %arg7[%add3A_257, %dma_start3A_263] : memref<160x128xi32, #tpu.memory_space<vmem>> -> memref<1x128xi32, #tpu.memory_space<vmem>>
      %dma_start3A_265 = tpu.memref_squeeze %dma_start3A_264 : memref<1x128xi32, #tpu.memory_space<vmem>> -> memref<128xi32, #tpu.memory_space<vmem>>
      %dma_start3A_266 = arith.constant 0 : i32
      %dma_start3A_267 = arith.constant 0 : i32
      %dma_start3A_268 = tpu.memref_slice %arg10[%dma_start3A_266, %dma_start3A_267] : memref<10240x32xf32, #tpu.memory_space<vmem_shared>> -> memref<10240x32xf32, #tpu.memory_space<vmem_shared>>
      tpu.enqueue_indirect_dma source(%dma_start3A_262 : memref<128x32xf32, #tpu.memory_space<vmem>>) target(%dma_start3A_268 : memref<10240x32xf32, #tpu.memory_space<vmem_shared>>) offsets(%dma_start3A_265 : memref<128xi32, #tpu.memory_space<vmem>>) semaphore(%arg12 : memref<!tpu.dma_semaphore, #tpu.memory_space<semaphore_mem>>) {add = true}
      %jit3A_269 = arith.constant 2 : i32
      %eq3A_270 = arith.constant 0 : i32
      %eq3A_271 = arith.cmpi eq, %jit3A_269, %eq3A_270 : i32
      %jit3A_272 = arith.constant 1 : i32
      %select_n3A_273 = arith.select %eq3A_271, %jit3A_272, %jit3A_269 : i32
      %rem3A_274 = arith.remsi %scan3A_124, %select_n3A_273 : i32
      %ne3A_275 = arith.constant 0 : i32
      %ne3A_276 = arith.cmpi ne, %rem3A_274, %ne3A_275 : i32
      %lt3A_277 = arith.constant 0 : i32
      %lt3A_278 = arith.cmpi slt, %rem3A_274, %lt3A_277 : i32
      %lt3A_279 = arith.constant 0 : i32
      %lt3A_280 = arith.cmpi slt, %select_n3A_273, %lt3A_279 : i32
      %ne3A_281 = arith.xori %lt3A_278, %lt3A_280 : i1
      %and3A_282 = arith.andi %ne3A_281, %ne3A_276 : i1
      %add3A_283 = arith.addi %rem3A_274, %select_n3A_273 : i32
      %select_n3A_284 = arith.select %and3A_282, %add3A_283, %rem3A_274 : i32
      %mul3A_285 = arith.constant 4 : i32
      %mul3A_286 = arith.muli %scan3A_124, %mul3A_285 : i32
      %add3A_287 = arith.constant 1 : i32
      %add3A_288 = arith.addi %mul3A_286, %add3A_287 : i32
      %dma_start3A_289 = arith.constant 1 : i32
      %dma_start3A_290 = arith.constant 0 : i32
      %dma_start3A_291 = arith.constant 0 : i32
      %dma_start3A_292 = tpu.memref_slice %arg8[%select_n3A_284, %dma_start3A_289, %dma_start3A_290, %dma_start3A_291] : memref<2x4x128x32xf32, #tpu.memory_space<vmem>> -> memref<1x1x128x32xf32, #tpu.memory_space<vmem>>
      %dma_start3A_293 = tpu.memref_squeeze %dma_start3A_292 : memref<1x1x128x32xf32, #tpu.memory_space<vmem>> -> memref<128x32xf32, #tpu.memory_space<vmem>>
      %dma_start3A_294 = arith.constant 0 : i32
      %dma_start3A_295 = tpu.memref_slice %arg7[%add3A_288, %dma_start3A_294] : memref<160x128xi32, #tpu.memory_space<vmem>> -> memref<1x128xi32, #tpu.memory_space<vmem>>
      %dma_start3A_296 = tpu.memref_squeeze %dma_start3A_295 : memref<1x128xi32, #tpu.memory_space<vmem>> -> memref<128xi32, #tpu.memory_space<vmem>>
      %dma_start3A_297 = arith.constant 0 : i32
      %dma_start3A_298 = arith.constant 0 : i32
      %dma_start3A_299 = tpu.memref_slice %arg10[%dma_start3A_297, %dma_start3A_298] : memref<10240x32xf32, #tpu.memory_space<vmem_shared>> -> memref<10240x32xf32, #tpu.memory_space<vmem_shared>>
      tpu.enqueue_indirect_dma source(%dma_start3A_293 : memref<128x32xf32, #tpu.memory_space<vmem>>) target(%dma_start3A_299 : memref<10240x32xf32, #tpu.memory_space<vmem_shared>>) offsets(%dma_start3A_296 : memref<128xi32, #tpu.memory_space<vmem>>) semaphore(%arg12 : memref<!tpu.dma_semaphore, #tpu.memory_space<semaphore_mem>>) {add = true}
      %jit3A_300 = arith.constant 2 : i32
      %eq3A_301 = arith.constant 0 : i32
      %eq3A_302 = arith.cmpi eq, %jit3A_300, %eq3A_301 : i32
      %jit3A_303 = arith.constant 1 : i32
      %select_n3A_304 = arith.select %eq3A_302, %jit3A_303, %jit3A_300 : i32
      %rem3A_305 = arith.remsi %scan3A_124, %select_n3A_304 : i32
      %ne3A_306 = arith.constant 0 : i32
      %ne3A_307 = arith.cmpi ne, %rem3A_305, %ne3A_306 : i32
      %lt3A_308 = arith.constant 0 : i32
      %lt3A_309 = arith.cmpi slt, %rem3A_305, %lt3A_308 : i32
      %lt3A_310 = arith.constant 0 : i32
      %lt3A_311 = arith.cmpi slt, %select_n3A_304, %lt3A_310 : i32
      %ne3A_312 = arith.xori %lt3A_309, %lt3A_311 : i1
      %and3A_313 = arith.andi %ne3A_312, %ne3A_307 : i1
      %add3A_314 = arith.addi %rem3A_305, %select_n3A_304 : i32
      %select_n3A_315 = arith.select %and3A_313, %add3A_314, %rem3A_305 : i32
      %mul3A_316 = arith.constant 4 : i32
      %mul3A_317 = arith.muli %scan3A_124, %mul3A_316 : i32
      %add3A_318 = arith.constant 2 : i32
      %add3A_319 = arith.addi %mul3A_317, %add3A_318 : i32
      %dma_start3A_320 = arith.constant 2 : i32
      %dma_start3A_321 = arith.constant 0 : i32
      %dma_start3A_322 = arith.constant 0 : i32
      %dma_start3A_323 = tpu.memref_slice %arg8[%select_n3A_315, %dma_start3A_320, %dma_start3A_321, %dma_start3A_322] : memref<2x4x128x32xf32, #tpu.memory_space<vmem>> -> memref<1x1x128x32xf32, #tpu.memory_space<vmem>>
      %dma_start3A_324 = tpu.memref_squeeze %dma_start3A_323 : memref<1x1x128x32xf32, #tpu.memory_space<vmem>> -> memref<128x32xf32, #tpu.memory_space<vmem>>
      %dma_start3A_325 = arith.constant 0 : i32
      %dma_start3A_326 = tpu.memref_slice %arg7[%add3A_319, %dma_start3A_325] : memref<160x128xi32, #tpu.memory_space<vmem>> -> memref<1x128xi32, #tpu.memory_space<vmem>>
      %dma_start3A_327 = tpu.memref_squeeze %dma_start3A_326 : memref<1x128xi32, #tpu.memory_space<vmem>> -> memref<128xi32, #tpu.memory_space<vmem>>
      %dma_start3A_328 = arith.constant 0 : i32
      %dma_start3A_329 = arith.constant 0 : i32
      %dma_start3A_330 = tpu.memref_slice %arg10[%dma_start3A_328, %dma_start3A_329] : memref<10240x32xf32, #tpu.memory_space<vmem_shared>> -> memref<10240x32xf32, #tpu.memory_space<vmem_shared>>
      tpu.enqueue_indirect_dma source(%dma_start3A_324 : memref<128x32xf32, #tpu.memory_space<vmem>>) target(%dma_start3A_330 : memref<10240x32xf32, #tpu.memory_space<vmem_shared>>) offsets(%dma_start3A_327 : memref<128xi32, #tpu.memory_space<vmem>>) semaphore(%arg12 : memref<!tpu.dma_semaphore, #tpu.memory_space<semaphore_mem>>) {add = true}
      %jit3A_331 = arith.constant 2 : i32
      %eq3A_332 = arith.constant 0 : i32
      %eq3A_333 = arith.cmpi eq, %jit3A_331, %eq3A_332 : i32
      %jit3A_334 = arith.constant 1 : i32
      %select_n3A_335 = arith.select %eq3A_333, %jit3A_334, %jit3A_331 : i32
      %rem3A_336 = arith.remsi %scan3A_124, %select_n3A_335 : i32
      %ne3A_337 = arith.constant 0 : i32
      %ne3A_338 = arith.cmpi ne, %rem3A_336, %ne3A_337 : i32
      %lt3A_339 = arith.constant 0 : i32
      %lt3A_340 = arith.cmpi slt, %rem3A_336, %lt3A_339 : i32
      %lt3A_341 = arith.constant 0 : i32
      %lt3A_342 = arith.cmpi slt, %select_n3A_335, %lt3A_341 : i32
      %ne3A_343 = arith.xori %lt3A_340, %lt3A_342 : i1
      %and3A_344 = arith.andi %ne3A_343, %ne3A_338 : i1
      %add3A_345 = arith.addi %rem3A_336, %select_n3A_335 : i32
      %select_n3A_346 = arith.select %and3A_344, %add3A_345, %rem3A_336 : i32
      %mul3A_347 = arith.constant 4 : i32
      %mul3A_348 = arith.muli %scan3A_124, %mul3A_347 : i32
      %add3A_349 = arith.constant 3 : i32
      %add3A_350 = arith.addi %mul3A_348, %add3A_349 : i32
      %dma_start3A_351 = arith.constant 3 : i32
      %dma_start3A_352 = arith.constant 0 : i32
      %dma_start3A_353 = arith.constant 0 : i32
      %dma_start3A_354 = tpu.memref_slice %arg8[%select_n3A_346, %dma_start3A_351, %dma_start3A_352, %dma_start3A_353] : memref<2x4x128x32xf32, #tpu.memory_space<vmem>> -> memref<1x1x128x32xf32, #tpu.memory_space<vmem>>
      %dma_start3A_355 = tpu.memref_squeeze %dma_start3A_354 : memref<1x1x128x32xf32, #tpu.memory_space<vmem>> -> memref<128x32xf32, #tpu.memory_space<vmem>>
      %dma_start3A_356 = arith.constant 0 : i32
      %dma_start3A_357 = tpu.memref_slice %arg7[%add3A_350, %dma_start3A_356] : memref<160x128xi32, #tpu.memory_space<vmem>> -> memref<1x128xi32, #tpu.memory_space<vmem>>
      %dma_start3A_358 = tpu.memref_squeeze %dma_start3A_357 : memref<1x128xi32, #tpu.memory_space<vmem>> -> memref<128xi32, #tpu.memory_space<vmem>>
      %dma_start3A_359 = arith.constant 0 : i32
      %dma_start3A_360 = arith.constant 0 : i32
      %dma_start3A_361 = tpu.memref_slice %arg10[%dma_start3A_359, %dma_start3A_360] : memref<10240x32xf32, #tpu.memory_space<vmem_shared>> -> memref<10240x32xf32, #tpu.memory_space<vmem_shared>>
      tpu.enqueue_indirect_dma source(%dma_start3A_355 : memref<128x32xf32, #tpu.memory_space<vmem>>) target(%dma_start3A_361 : memref<10240x32xf32, #tpu.memory_space<vmem_shared>>) offsets(%dma_start3A_358 : memref<128xi32, #tpu.memory_space<vmem>>) semaphore(%arg12 : memref<!tpu.dma_semaphore, #tpu.memory_space<semaphore_mem>>) {add = true}
    }
    %scan3A_65 = arith.constant 40 : i32
    %dma_wait3A = arith.constant 0 : i32
    %dma_wait3A_66 = arith.constant 0 : i32
    %dma_wait3A_67 = arith.constant 0 : i32
    %dma_wait3A_68 = arith.constant 0 : i32
    %dma_wait3A_69 = arith.constant 0 : i32
    %dma_wait3A_70 = tpu.memref_slice %arg8[%dma_wait3A, %dma_wait3A_66, %dma_wait3A_68, %dma_wait3A_69] : memref<2x4x128x32xf32, #tpu.memory_space<vmem>> -> memref<1x1x128x32xf32, #tpu.memory_space<vmem>>
    %dma_wait3A_71 = tpu.memref_squeeze %dma_wait3A_70 : memref<1x1x128x32xf32, #tpu.memory_space<vmem>> -> memref<128x32xf32, #tpu.memory_space<vmem>>
    %dma_wait3A_72 = arith.constant 0 : i32
    %dma_wait3A_73 = tpu.memref_slice %arg7[%dma_wait3A_67, %dma_wait3A_72] : memref<160x128xi32, #tpu.memory_space<vmem>> -> memref<1x128xi32, #tpu.memory_space<vmem>>
    %dma_wait3A_74 = tpu.memref_squeeze %dma_wait3A_73 : memref<1x128xi32, #tpu.memory_space<vmem>> -> memref<128xi32, #tpu.memory_space<vmem>>
    %dma_wait3A_75 = arith.constant 0 : i32
    %dma_wait3A_76 = arith.constant 0 : i32
    %dma_wait3A_77 = tpu.memref_slice %arg10[%dma_wait3A_75, %dma_wait3A_76] : memref<10240x32xf32, #tpu.memory_space<vmem_shared>> -> memref<10240x32xf32, #tpu.memory_space<vmem_shared>>
    tpu.wait_indirect_dma semaphore(%arg12 : memref<!tpu.dma_semaphore, #tpu.memory_space<semaphore_mem>>) src(%dma_wait3A_71 : memref<128x32xf32, #tpu.memory_space<vmem>>) dst(%dma_wait3A_77 : memref<10240x32xf32, #tpu.memory_space<vmem_shared>>)
    %dma_wait3A_78 = arith.constant 0 : i32
    %dma_wait3A_79 = arith.constant 1 : i32
    %dma_wait3A_80 = arith.constant 0 : i32
    %dma_wait3A_81 = arith.constant 0 : i32
    %dma_wait3A_82 = arith.constant 0 : i32
    %dma_wait3A_83 = tpu.memref_slice %arg8[%dma_wait3A_78, %dma_wait3A_79, %dma_wait3A_81, %dma_wait3A_82] : memref<2x4x128x32xf32, #tpu.memory_space<vmem>> -> memref<1x1x128x32xf32, #tpu.memory_space<vmem>>
    %dma_wait3A_84 = tpu.memref_squeeze %dma_wait3A_83 : memref<1x1x128x32xf32, #tpu.memory_space<vmem>> -> memref<128x32xf32, #tpu.memory_space<vmem>>
    %dma_wait3A_85 = arith.constant 0 : i32
    %dma_wait3A_86 = tpu.memref_slice %arg7[%dma_wait3A_80, %dma_wait3A_85] : memref<160x128xi32, #tpu.memory_space<vmem>> -> memref<1x128xi32, #tpu.memory_space<vmem>>
    %dma_wait3A_87 = tpu.memref_squeeze %dma_wait3A_86 : memref<1x128xi32, #tpu.memory_space<vmem>> -> memref<128xi32, #tpu.memory_space<vmem>>
    %dma_wait3A_88 = arith.constant 0 : i32
    %dma_wait3A_89 = arith.constant 0 : i32
    %dma_wait3A_90 = tpu.memref_slice %arg10[%dma_wait3A_88, %dma_wait3A_89] : memref<10240x32xf32, #tpu.memory_space<vmem_shared>> -> memref<10240x32xf32, #tpu.memory_space<vmem_shared>>
    tpu.wait_indirect_dma semaphore(%arg12 : memref<!tpu.dma_semaphore, #tpu.memory_space<semaphore_mem>>) src(%dma_wait3A_84 : memref<128x32xf32, #tpu.memory_space<vmem>>) dst(%dma_wait3A_90 : memref<10240x32xf32, #tpu.memory_space<vmem_shared>>)
    %dma_wait3A_91 = arith.constant 0 : i32
    %dma_wait3A_92 = arith.constant 2 : i32
    %dma_wait3A_93 = arith.constant 0 : i32
    %dma_wait3A_94 = arith.constant 0 : i32
    %dma_wait3A_95 = arith.constant 0 : i32
    %dma_wait3A_96 = tpu.memref_slice %arg8[%dma_wait3A_91, %dma_wait3A_92, %dma_wait3A_94, %dma_wait3A_95] : memref<2x4x128x32xf32, #tpu.memory_space<vmem>> -> memref<1x1x128x32xf32, #tpu.memory_space<vmem>>
    %dma_wait3A_97 = tpu.memref_squeeze %dma_wait3A_96 : memref<1x1x128x32xf32, #tpu.memory_space<vmem>> -> memref<128x32xf32, #tpu.memory_space<vmem>>
    %dma_wait3A_98 = arith.constant 0 : i32
    %dma_wait3A_99 = tpu.memref_slice %arg7[%dma_wait3A_93, %dma_wait3A_98] : memref<160x128xi32, #tpu.memory_space<vmem>> -> memref<1x128xi32, #tpu.memory_space<vmem>>
    %dma_wait3A_100 = tpu.memref_squeeze %dma_wait3A_99 : memref<1x128xi32, #tpu.memory_space<vmem>> -> memref<128xi32, #tpu.memory_space<vmem>>
    %dma_wait3A_101 = arith.constant 0 : i32
    %dma_wait3A_102 = arith.constant 0 : i32
    %dma_wait3A_103 = tpu.memref_slice %arg10[%dma_wait3A_101, %dma_wait3A_102] : memref<10240x32xf32, #tpu.memory_space<vmem_shared>> -> memref<10240x32xf32, #tpu.memory_space<vmem_shared>>
    tpu.wait_indirect_dma semaphore(%arg12 : memref<!tpu.dma_semaphore, #tpu.memory_space<semaphore_mem>>) src(%dma_wait3A_97 : memref<128x32xf32, #tpu.memory_space<vmem>>) dst(%dma_wait3A_103 : memref<10240x32xf32, #tpu.memory_space<vmem_shared>>)
    %dma_wait3A_104 = arith.constant 0 : i32
    %dma_wait3A_105 = arith.constant 3 : i32
    %dma_wait3A_106 = arith.constant 0 : i32
    %dma_wait3A_107 = arith.constant 0 : i32
    %dma_wait3A_108 = arith.constant 0 : i32
    %dma_wait3A_109 = tpu.memref_slice %arg8[%dma_wait3A_104, %dma_wait3A_105, %dma_wait3A_107, %dma_wait3A_108] : memref<2x4x128x32xf32, #tpu.memory_space<vmem>> -> memref<1x1x128x32xf32, #tpu.memory_space<vmem>>
    %dma_wait3A_110 = tpu.memref_squeeze %dma_wait3A_109 : memref<1x1x128x32xf32, #tpu.memory_space<vmem>> -> memref<128x32xf32, #tpu.memory_space<vmem>>
    %dma_wait3A_111 = arith.constant 0 : i32
    %dma_wait3A_112 = tpu.memref_slice %arg7[%dma_wait3A_106, %dma_wait3A_111] : memref<160x128xi32, #tpu.memory_space<vmem>> -> memref<1x128xi32, #tpu.memory_space<vmem>>
    %dma_wait3A_113 = tpu.memref_squeeze %dma_wait3A_112 : memref<1x128xi32, #tpu.memory_space<vmem>> -> memref<128xi32, #tpu.memory_space<vmem>>
    %dma_wait3A_114 = arith.constant 0 : i32
    %dma_wait3A_115 = arith.constant 0 : i32
    %dma_wait3A_116 = tpu.memref_slice %arg10[%dma_wait3A_114, %dma_wait3A_115] : memref<10240x32xf32, #tpu.memory_space<vmem_shared>> -> memref<10240x32xf32, #tpu.memory_space<vmem_shared>>
    tpu.wait_indirect_dma semaphore(%arg12 : memref<!tpu.dma_semaphore, #tpu.memory_space<semaphore_mem>>) src(%dma_wait3A_110 : memref<128x32xf32, #tpu.memory_space<vmem>>) dst(%dma_wait3A_116 : memref<10240x32xf32, #tpu.memory_space<vmem_shared>>)
    %barrier3A_117 = arith.constant 0 : index
    tpu.barrier barrier_id(%barrier3A_117)
    %mul3A_118 = arith.constant 640 : i32
    %mul3A_119 = arith.muli %arg1, %mul3A_118 : i32
    %mul3A_120 = arith.constant 640 : i32
    %mul3A_121 = arith.muli %arg1, %mul3A_120 : i32
    %mul3A_122 = arith.constant 32 : i32
    %mul3A_123 = arith.muli %arg0, %mul3A_122 : i32
    "tpu.region"() ({
      %run_scoped3A_124 = tpu.sem_alloc : memref<!tpu.dma_semaphore, #tpu.memory_space<semaphore_mem>>
      %dma_start3A_125 = tpu.memref_slice %arg5[%mul3A_121, %mul3A_123] : memref<10240x128xf32, #tpu.memory_space<hbm>> -> memref<640x32xf32, #tpu.memory_space<hbm>>
      %dma_start3A_126 = arith.constant 0 : i32
      %dma_start3A_127 = tpu.memref_slice %arg10[%mul3A_119, %dma_start3A_126] : memref<10240x32xf32, #tpu.memory_space<vmem_shared>> -> memref<640x32xf32, #tpu.memory_space<vmem_shared>>
      tpu.enqueue_dma source(%dma_start3A_127 : memref<640x32xf32, #tpu.memory_space<vmem_shared>>) target(%dma_start3A_125 : memref<640x32xf32, #tpu.memory_space<hbm>>) target_semaphore(%run_scoped3A_124 : memref<!tpu.dma_semaphore, #tpu.memory_space<semaphore_mem>>)
      %dma_wait3A_128 = tpu.memref_slice %arg5[%mul3A_121, %mul3A_123] : memref<10240x128xf32, #tpu.memory_space<hbm>> -> memref<640x32xf32, #tpu.memory_space<hbm>>
      %dma_wait3A_129 = arith.constant 0 : i32
      %dma_wait3A_130 = tpu.memref_slice %arg10[%mul3A_119, %dma_wait3A_129] : memref<10240x32xf32, #tpu.memory_space<vmem_shared>> -> memref<640x32xf32, #tpu.memory_space<vmem_shared>>
      tpu.wait_dma2 semaphore(%run_scoped3A_124 : memref<!tpu.dma_semaphore, #tpu.memory_space<semaphore_mem>>) src(%dma_wait3A_130 : memref<640x32xf32, #tpu.memory_space<vmem_shared>>) dst(%dma_wait3A_128 : memref<640x32xf32, #tpu.memory_space<hbm>>)
      tpu.yield
    }) : () -> ()
    return
  }
}

#map = affine_map<(d0, d1) -> (0, 0)>
#map1 = affine_map<(d0, d1) -> (0, 0, 0, 0)>
module attributes {stable_mosaic.version = 14 : i64} {
  func.func @_edgesum_body(%arg0: i32, %arg1: i32, %arg2: memref<10240x128xf32, #tpu.memory_space<hbm>>, %arg3: memref<2x16x160x128xi32, #tpu.memory_space<hbm>>, %arg4: memref<10240x32xf32, #tpu.memory_space<hbm>>, %arg5: memref<10240x128xf32, #tpu.memory_space<hbm>>, %arg6: memref<160x128xi32, #tpu.memory_space<vmem>>, %arg7: memref<160x128xi32, #tpu.memory_space<vmem>>, %arg8: memref<2x4x128x32xf32, #tpu.memory_space<vmem>>, %arg9: memref<10240x32xf32, #tpu.memory_space<vmem_shared>>, %arg10: memref<10240x32xf32, #tpu.memory_space<vmem_shared>>, %arg11: memref<!tpu.dma_semaphore, #tpu.memory_space<semaphore_mem>>, %arg12: memref<!tpu.dma_semaphore, #tpu.memory_space<semaphore_mem>>) attributes {dimension_semantics = [#tpu.dimension_semantics<core_parallel>, #tpu.dimension_semantics<subcore_parallel>], iteration_bounds = array<i64: 2, 16>, scalar_prefetch = 0 : i64, scratch_operands = 7 : i64, tpu.core_type = #tpu.core_type<sc_vector_subcore>, window_params = [{transform_indices = #map}, {transform_indices = #map1}, {transform_indices = #map}, {transform_indices = #map}]} {
    %run_scoped3A = arith.constant 0 : i32
    "tpu.region"() ({
      %run_scoped3A_124 = tpu.sem_alloc : memref<!tpu.dma_semaphore, #tpu.memory_space<semaphore_mem>>
      %dma_start3A_125 = arith.constant 0 : i32
      %dma_start3A_126 = arith.constant 0 : i32
      %dma_start3A_127 = tpu.memref_slice %arg3[%run_scoped3A, %arg1, %dma_start3A_125, %dma_start3A_126] : memref<2x16x160x128xi32, #tpu.memory_space<hbm>> -> memref<1x1x160x128xi32, #tpu.memory_space<hbm>>
      %dma_start3A_128 = tpu.memref_squeeze %dma_start3A_127 : memref<1x1x160x128xi32, #tpu.memory_space<hbm>> -> memref<160x128xi32, #tpu.memory_space<hbm>>
      %dma_start3A_129 = arith.constant 0 : i32
      %dma_start3A_130 = arith.constant 0 : i32
      %dma_start3A_131 = tpu.memref_slice %arg3[%run_scoped3A, %arg1, %dma_start3A_129, %dma_start3A_130] : memref<2x16x160x128xi32, #tpu.memory_space<hbm>> -> memref<1x1x160x128xi32, #tpu.memory_space<hbm>>
      %dma_start3A_132 = tpu.memref_squeeze %dma_start3A_131 : memref<1x1x160x128xi32, #tpu.memory_space<hbm>> -> memref<160x128xi32, #tpu.memory_space<hbm>>
      tpu.enqueue_dma source(%dma_start3A_132 : memref<160x128xi32, #tpu.memory_space<hbm>>) target(%arg6 : memref<160x128xi32, #tpu.memory_space<vmem>>) target_semaphore(%run_scoped3A_124 : memref<!tpu.dma_semaphore, #tpu.memory_space<semaphore_mem>>)
      %dma_wait3A_133 = arith.constant 0 : i32
      %dma_wait3A_134 = arith.constant 0 : i32
      %dma_wait3A_135 = tpu.memref_slice %arg3[%run_scoped3A, %arg1, %dma_wait3A_133, %dma_wait3A_134] : memref<2x16x160x128xi32, #tpu.memory_space<hbm>> -> memref<1x1x160x128xi32, #tpu.memory_space<hbm>>
      %dma_wait3A_136 = tpu.memref_squeeze %dma_wait3A_135 : memref<1x1x160x128xi32, #tpu.memory_space<hbm>> -> memref<160x128xi32, #tpu.memory_space<hbm>>
      %dma_wait3A_137 = arith.constant 0 : i32
      %dma_wait3A_138 = arith.constant 0 : i32
      %dma_wait3A_139 = tpu.memref_slice %arg3[%run_scoped3A, %arg1, %dma_wait3A_137, %dma_wait3A_138] : memref<2x16x160x128xi32, #tpu.memory_space<hbm>> -> memref<1x1x160x128xi32, #tpu.memory_space<hbm>>
      %dma_wait3A_140 = tpu.memref_squeeze %dma_wait3A_139 : memref<1x1x160x128xi32, #tpu.memory_space<hbm>> -> memref<160x128xi32, #tpu.memory_space<hbm>>
      tpu.wait_dma2 semaphore(%run_scoped3A_124 : memref<!tpu.dma_semaphore, #tpu.memory_space<semaphore_mem>>) src(%dma_wait3A_140 : memref<160x128xi32, #tpu.memory_space<hbm>>) dst(%arg6 : memref<160x128xi32, #tpu.memory_space<vmem>>)
      tpu.yield
    }) : () -> ()
    %run_scoped3A_0 = arith.constant 1 : i32
    "tpu.region"() ({
      %run_scoped3A_124 = tpu.sem_alloc : memref<!tpu.dma_semaphore, #tpu.memory_space<semaphore_mem>>
      %dma_start3A_125 = arith.constant 0 : i32
      %dma_start3A_126 = arith.constant 0 : i32
      %dma_start3A_127 = tpu.memref_slice %arg3[%run_scoped3A_0, %arg1, %dma_start3A_125, %dma_start3A_126] : memref<2x16x160x128xi32, #tpu.memory_space<hbm>> -> memref<1x1x160x128xi32, #tpu.memory_space<hbm>>
      %dma_start3A_128 = tpu.memref_squeeze %dma_start3A_127 : memref<1x1x160x128xi32, #tpu.memory_space<hbm>> -> memref<160x128xi32, #tpu.memory_space<hbm>>
      %dma_start3A_129 = arith.constant 0 : i32
      %dma_start3A_130 = arith.constant 0 : i32
      %dma_start3A_131 = tpu.memref_slice %arg3[%run_scoped3A_0, %arg1, %dma_start3A_129, %dma_start3A_130] : memref<2x16x160x128xi32, #tpu.memory_space<hbm>> -> memref<1x1x160x128xi32, #tpu.memory_space<hbm>>
      %dma_start3A_132 = tpu.memref_squeeze %dma_start3A_131 : memref<1x1x160x128xi32, #tpu.memory_space<hbm>> -> memref<160x128xi32, #tpu.memory_space<hbm>>
      tpu.enqueue_dma source(%dma_start3A_132 : memref<160x128xi32, #tpu.memory_space<hbm>>) target(%arg7 : memref<160x128xi32, #tpu.memory_space<vmem>>) target_semaphore(%run_scoped3A_124 : memref<!tpu.dma_semaphore, #tpu.memory_space<semaphore_mem>>)
      %dma_wait3A_133 = arith.constant 0 : i32
      %dma_wait3A_134 = arith.constant 0 : i32
      %dma_wait3A_135 = tpu.memref_slice %arg3[%run_scoped3A_0, %arg1, %dma_wait3A_133, %dma_wait3A_134] : memref<2x16x160x128xi32, #tpu.memory_space<hbm>> -> memref<1x1x160x128xi32, #tpu.memory_space<hbm>>
      %dma_wait3A_136 = tpu.memref_squeeze %dma_wait3A_135 : memref<1x1x160x128xi32, #tpu.memory_space<hbm>> -> memref<160x128xi32, #tpu.memory_space<hbm>>
      %dma_wait3A_137 = arith.constant 0 : i32
      %dma_wait3A_138 = arith.constant 0 : i32
      %dma_wait3A_139 = tpu.memref_slice %arg3[%run_scoped3A_0, %arg1, %dma_wait3A_137, %dma_wait3A_138] : memref<2x16x160x128xi32, #tpu.memory_space<hbm>> -> memref<1x1x160x128xi32, #tpu.memory_space<hbm>>
      %dma_wait3A_140 = tpu.memref_squeeze %dma_wait3A_139 : memref<1x1x160x128xi32, #tpu.memory_space<hbm>> -> memref<160x128xi32, #tpu.memory_space<hbm>>
      tpu.wait_dma2 semaphore(%run_scoped3A_124 : memref<!tpu.dma_semaphore, #tpu.memory_space<semaphore_mem>>) src(%dma_wait3A_140 : memref<160x128xi32, #tpu.memory_space<hbm>>) dst(%arg7 : memref<160x128xi32, #tpu.memory_space<vmem>>)
      tpu.yield
    }) : () -> ()
    %mul3A = arith.constant 640 : i32
    %mul3A_1 = arith.muli %arg1, %mul3A : i32
    %mul3A_2 = arith.constant 640 : i32
    %mul3A_3 = arith.muli %arg1, %mul3A_2 : i32
    "tpu.region"() ({
      %run_scoped3A_124 = tpu.sem_alloc : memref<!tpu.dma_semaphore, #tpu.memory_space<semaphore_mem>>
      %dma_start3A_125 = arith.constant 0 : i32
      %dma_start3A_126 = tpu.memref_slice %arg10[%mul3A_3, %dma_start3A_125] : memref<10240x32xf32, #tpu.memory_space<vmem_shared>> -> memref<640x32xf32, #tpu.memory_space<vmem_shared>>
      %dma_start3A_127 = arith.constant 0 : i32
      %dma_start3A_128 = tpu.memref_slice %arg4[%mul3A_1, %dma_start3A_127] : memref<10240x32xf32, #tpu.memory_space<hbm>> -> memref<640x32xf32, #tpu.memory_space<hbm>>
      tpu.enqueue_dma source(%dma_start3A_128 : memref<640x32xf32, #tpu.memory_space<hbm>>) target(%dma_start3A_126 : memref<640x32xf32, #tpu.memory_space<vmem_shared>>) target_semaphore(%run_scoped3A_124 : memref<!tpu.dma_semaphore, #tpu.memory_space<semaphore_mem>>)
      %dma_wait3A_129 = arith.constant 0 : i32
      %dma_wait3A_130 = tpu.memref_slice %arg10[%mul3A_3, %dma_wait3A_129] : memref<10240x32xf32, #tpu.memory_space<vmem_shared>> -> memref<640x32xf32, #tpu.memory_space<vmem_shared>>
      %dma_wait3A_131 = arith.constant 0 : i32
      %dma_wait3A_132 = tpu.memref_slice %arg4[%mul3A_1, %dma_wait3A_131] : memref<10240x32xf32, #tpu.memory_space<hbm>> -> memref<640x32xf32, #tpu.memory_space<hbm>>
      tpu.wait_dma2 semaphore(%run_scoped3A_124 : memref<!tpu.dma_semaphore, #tpu.memory_space<semaphore_mem>>) src(%dma_wait3A_132 : memref<640x32xf32, #tpu.memory_space<hbm>>) dst(%dma_wait3A_130 : memref<640x32xf32, #tpu.memory_space<vmem_shared>>)
      tpu.yield
    }) : () -> ()
    %mul3A_4 = arith.constant 640 : i32
    %mul3A_5 = arith.muli %arg1, %mul3A_4 : i32
    %mul3A_6 = arith.constant 32 : i32
    %mul3A_7 = arith.muli %arg0, %mul3A_6 : i32
    %mul3A_8 = arith.constant 640 : i32
    %mul3A_9 = arith.muli %arg1, %mul3A_8 : i32
    "tpu.region"() ({
      %run_scoped3A_124 = tpu.sem_alloc : memref<!tpu.dma_semaphore, #tpu.memory_space<semaphore_mem>>
      %dma_start3A_125 = arith.constant 0 : i32
      %dma_start3A_126 = tpu.memref_slice %arg9[%mul3A_9, %dma_start3A_125] : memref<10240x32xf32, #tpu.memory_space<vmem_shared>> -> memref<640x32xf32, #tpu.memory_space<vmem_shared>>
      %dma_start3A_127 = tpu.memref_slice %arg2[%mul3A_5, %mul3A_7] : memref<10240x128xf32, #tpu.memory_space<hbm>> -> memref<640x32xf32, #tpu.memory_space<hbm>>
      tpu.enqueue_dma source(%dma_start3A_127 : memref<640x32xf32, #tpu.memory_space<hbm>>) target(%dma_start3A_126 : memref<640x32xf32, #tpu.memory_space<vmem_shared>>) target_semaphore(%run_scoped3A_124 : memref<!tpu.dma_semaphore, #tpu.memory_space<semaphore_mem>>)
      %dma_wait3A_128 = arith.constant 0 : i32
      %dma_wait3A_129 = tpu.memref_slice %arg9[%mul3A_9, %dma_wait3A_128] : memref<10240x32xf32, #tpu.memory_space<vmem_shared>> -> memref<640x32xf32, #tpu.memory_space<vmem_shared>>
      %dma_wait3A_130 = tpu.memref_slice %arg2[%mul3A_5, %mul3A_7] : memref<10240x128xf32, #tpu.memory_space<hbm>> -> memref<640x32xf32, #tpu.memory_space<hbm>>
      tpu.wait_dma2 semaphore(%run_scoped3A_124 : memref<!tpu.dma_semaphore, #tpu.memory_space<semaphore_mem>>) src(%dma_wait3A_130 : memref<640x32xf32, #tpu.memory_space<hbm>>) dst(%dma_wait3A_129 : memref<640x32xf32, #tpu.memory_space<vmem_shared>>)
      tpu.yield
    }) : () -> ()
    %barrier3A = arith.constant 0 : index
    tpu.barrier barrier_id(%barrier3A)
    %dma_start3A = arith.constant 0 : i32
    %dma_start3A_10 = arith.constant 0 : i32
    %dma_start3A_11 = arith.constant 0 : i32
    %dma_start3A_12 = arith.constant 0 : i32
    %dma_start3A_13 = arith.constant 0 : i32
    %dma_start3A_14 = tpu.memref_slice %arg8[%dma_start3A_10, %dma_start3A_11, %dma_start3A_12, %dma_start3A_13] : memref<2x4x128x32xf32, #tpu.memory_space<vmem>> -> memref<1x1x128x32xf32, #tpu.memory_space<vmem>>
    %dma_start3A_15 = tpu.memref_squeeze %dma_start3A_14 : memref<1x1x128x32xf32, #tpu.memory_space<vmem>> -> memref<128x32xf32, #tpu.memory_space<vmem>>
    %dma_start3A_16 = arith.constant 0 : i32
    %dma_start3A_17 = tpu.memref_slice %arg6[%dma_start3A, %dma_start3A_16] : memref<160x128xi32, #tpu.memory_space<vmem>> -> memref<1x128xi32, #tpu.memory_space<vmem>>
    %dma_start3A_18 = tpu.memref_squeeze %dma_start3A_17 : memref<1x128xi32, #tpu.memory_space<vmem>> -> memref<128xi32, #tpu.memory_space<vmem>>
    %dma_start3A_19 = arith.constant 0 : i32
    %dma_start3A_20 = arith.constant 0 : i32
    %dma_start3A_21 = tpu.memref_slice %arg9[%dma_start3A_19, %dma_start3A_20] : memref<10240x32xf32, #tpu.memory_space<vmem_shared>> -> memref<10240x32xf32, #tpu.memory_space<vmem_shared>>
    tpu.enqueue_indirect_dma source(%dma_start3A_21 : memref<10240x32xf32, #tpu.memory_space<vmem_shared>>) target(%dma_start3A_15 : memref<128x32xf32, #tpu.memory_space<vmem>>) offsets(%dma_start3A_18 : memref<128xi32, #tpu.memory_space<vmem>>) semaphore(%arg11 : memref<!tpu.dma_semaphore, #tpu.memory_space<semaphore_mem>>)
    %dma_start3A_22 = arith.constant 1 : i32
    %dma_start3A_23 = arith.constant 0 : i32
    %dma_start3A_24 = arith.constant 1 : i32
    %dma_start3A_25 = arith.constant 0 : i32
    %dma_start3A_26 = arith.constant 0 : i32
    %dma_start3A_27 = tpu.memref_slice %arg8[%dma_start3A_23, %dma_start3A_24, %dma_start3A_25, %dma_start3A_26] : memref<2x4x128x32xf32, #tpu.memory_space<vmem>> -> memref<1x1x128x32xf32, #tpu.memory_space<vmem>>
    %dma_start3A_28 = tpu.memref_squeeze %dma_start3A_27 : memref<1x1x128x32xf32, #tpu.memory_space<vmem>> -> memref<128x32xf32, #tpu.memory_space<vmem>>
    %dma_start3A_29 = arith.constant 0 : i32
    %dma_start3A_30 = tpu.memref_slice %arg6[%dma_start3A_22, %dma_start3A_29] : memref<160x128xi32, #tpu.memory_space<vmem>> -> memref<1x128xi32, #tpu.memory_space<vmem>>
    %dma_start3A_31 = tpu.memref_squeeze %dma_start3A_30 : memref<1x128xi32, #tpu.memory_space<vmem>> -> memref<128xi32, #tpu.memory_space<vmem>>
    %dma_start3A_32 = arith.constant 0 : i32
    %dma_start3A_33 = arith.constant 0 : i32
    %dma_start3A_34 = tpu.memref_slice %arg9[%dma_start3A_32, %dma_start3A_33] : memref<10240x32xf32, #tpu.memory_space<vmem_shared>> -> memref<10240x32xf32, #tpu.memory_space<vmem_shared>>
    tpu.enqueue_indirect_dma source(%dma_start3A_34 : memref<10240x32xf32, #tpu.memory_space<vmem_shared>>) target(%dma_start3A_28 : memref<128x32xf32, #tpu.memory_space<vmem>>) offsets(%dma_start3A_31 : memref<128xi32, #tpu.memory_space<vmem>>) semaphore(%arg11 : memref<!tpu.dma_semaphore, #tpu.memory_space<semaphore_mem>>)
    %dma_start3A_35 = arith.constant 2 : i32
    %dma_start3A_36 = arith.constant 0 : i32
    %dma_start3A_37 = arith.constant 2 : i32
    %dma_start3A_38 = arith.constant 0 : i32
    %dma_start3A_39 = arith.constant 0 : i32
    %dma_start3A_40 = tpu.memref_slice %arg8[%dma_start3A_36, %dma_start3A_37, %dma_start3A_38, %dma_start3A_39] : memref<2x4x128x32xf32, #tpu.memory_space<vmem>> -> memref<1x1x128x32xf32, #tpu.memory_space<vmem>>
    %dma_start3A_41 = tpu.memref_squeeze %dma_start3A_40 : memref<1x1x128x32xf32, #tpu.memory_space<vmem>> -> memref<128x32xf32, #tpu.memory_space<vmem>>
    %dma_start3A_42 = arith.constant 0 : i32
    %dma_start3A_43 = tpu.memref_slice %arg6[%dma_start3A_35, %dma_start3A_42] : memref<160x128xi32, #tpu.memory_space<vmem>> -> memref<1x128xi32, #tpu.memory_space<vmem>>
    %dma_start3A_44 = tpu.memref_squeeze %dma_start3A_43 : memref<1x128xi32, #tpu.memory_space<vmem>> -> memref<128xi32, #tpu.memory_space<vmem>>
    %dma_start3A_45 = arith.constant 0 : i32
    %dma_start3A_46 = arith.constant 0 : i32
    %dma_start3A_47 = tpu.memref_slice %arg9[%dma_start3A_45, %dma_start3A_46] : memref<10240x32xf32, #tpu.memory_space<vmem_shared>> -> memref<10240x32xf32, #tpu.memory_space<vmem_shared>>
    tpu.enqueue_indirect_dma source(%dma_start3A_47 : memref<10240x32xf32, #tpu.memory_space<vmem_shared>>) target(%dma_start3A_41 : memref<128x32xf32, #tpu.memory_space<vmem>>) offsets(%dma_start3A_44 : memref<128xi32, #tpu.memory_space<vmem>>) semaphore(%arg11 : memref<!tpu.dma_semaphore, #tpu.memory_space<semaphore_mem>>)
    %dma_start3A_48 = arith.constant 3 : i32
    %dma_start3A_49 = arith.constant 0 : i32
    %dma_start3A_50 = arith.constant 3 : i32
    %dma_start3A_51 = arith.constant 0 : i32
    %dma_start3A_52 = arith.constant 0 : i32
    %dma_start3A_53 = tpu.memref_slice %arg8[%dma_start3A_49, %dma_start3A_50, %dma_start3A_51, %dma_start3A_52] : memref<2x4x128x32xf32, #tpu.memory_space<vmem>> -> memref<1x1x128x32xf32, #tpu.memory_space<vmem>>
    %dma_start3A_54 = tpu.memref_squeeze %dma_start3A_53 : memref<1x1x128x32xf32, #tpu.memory_space<vmem>> -> memref<128x32xf32, #tpu.memory_space<vmem>>
    %dma_start3A_55 = arith.constant 0 : i32
    %dma_start3A_56 = tpu.memref_slice %arg6[%dma_start3A_48, %dma_start3A_55] : memref<160x128xi32, #tpu.memory_space<vmem>> -> memref<1x128xi32, #tpu.memory_space<vmem>>
    %dma_start3A_57 = tpu.memref_squeeze %dma_start3A_56 : memref<1x128xi32, #tpu.memory_space<vmem>> -> memref<128xi32, #tpu.memory_space<vmem>>
    %dma_start3A_58 = arith.constant 0 : i32
    %dma_start3A_59 = arith.constant 0 : i32
    %dma_start3A_60 = tpu.memref_slice %arg9[%dma_start3A_58, %dma_start3A_59] : memref<10240x32xf32, #tpu.memory_space<vmem_shared>> -> memref<10240x32xf32, #tpu.memory_space<vmem_shared>>
    tpu.enqueue_indirect_dma source(%dma_start3A_60 : memref<10240x32xf32, #tpu.memory_space<vmem_shared>>) target(%dma_start3A_54 : memref<128x32xf32, #tpu.memory_space<vmem>>) offsets(%dma_start3A_57 : memref<128xi32, #tpu.memory_space<vmem>>) semaphore(%arg11 : memref<!tpu.dma_semaphore, #tpu.memory_space<semaphore_mem>>)
    %scan3A = arith.constant 0 : i32
    %scan3A_61 = arith.constant 0 : i32
    %scan3A_62 = arith.constant 40 : i32
    %scan3A_63 = arith.addi %scan3A_61, %scan3A_62 : i32
    %scan3A_64 = arith.constant 1 : i32
    scf.for %scan3A_124 = %scan3A_61 to %scan3A_63 step %scan3A_64  : i32 {
      %add3A = arith.constant 1 : i32
      %add3A_125 = arith.addi %scan3A_124, %add3A : i32
      %gt3A = arith.constant 0 : i32
      %gt3A_126 = arith.cmpi sgt, %scan3A_124, %gt3A : i32
      %convert_element_type3A = arith.extui %gt3A_126 : i1 to i32
      %cond3A = arith.constant 0 : i32
      %cond3A_127 = arith.cmpi ne, %convert_element_type3A, %cond3A : i32
      scf.if %cond3A_127 {
        %dma_wait3A_362 = arith.constant 0 : i32
        %dma_wait3A_363 = arith.constant 0 : i32
        %dma_wait3A_364 = arith.constant 0 : i32
        %dma_wait3A_365 = arith.constant 0 : i32
        %dma_wait3A_366 = arith.constant 0 : i32
        %dma_wait3A_367 = tpu.memref_slice %arg8[%dma_wait3A_362, %dma_wait3A_363, %dma_wait3A_365, %dma_wait3A_366] : memref<2x4x128x32xf32, #tpu.memory_space<vmem>> -> memref<1x1x128x32xf32, #tpu.memory_space<vmem>>
        %dma_wait3A_368 = tpu.memref_squeeze %dma_wait3A_367 : memref<1x1x128x32xf32, #tpu.memory_space<vmem>> -> memref<128x32xf32, #tpu.memory_space<vmem>>
        %dma_wait3A_369 = arith.constant 0 : i32
        %dma_wait3A_370 = tpu.memref_slice %arg7[%dma_wait3A_364, %dma_wait3A_369] : memref<160x128xi32, #tpu.memory_space<vmem>> -> memref<1x128xi32, #tpu.memory_space<vmem>>
        %dma_wait3A_371 = tpu.memref_squeeze %dma_wait3A_370 : memref<1x128xi32, #tpu.memory_space<vmem>> -> memref<128xi32, #tpu.memory_space<vmem>>
        %dma_wait3A_372 = arith.constant 0 : i32
        %dma_wait3A_373 = arith.constant 0 : i32
        %dma_wait3A_374 = tpu.memref_slice %arg10[%dma_wait3A_372, %dma_wait3A_373] : memref<10240x32xf32, #tpu.memory_space<vmem_shared>> -> memref<10240x32xf32, #tpu.memory_space<vmem_shared>>
        tpu.wait_indirect_dma semaphore(%arg12 : memref<!tpu.dma_semaphore, #tpu.memory_space<semaphore_mem>>) src(%dma_wait3A_368 : memref<128x32xf32, #tpu.memory_space<vmem>>) dst(%dma_wait3A_374 : memref<10240x32xf32, #tpu.memory_space<vmem_shared>>)
        %dma_wait3A_375 = arith.constant 0 : i32
        %dma_wait3A_376 = arith.constant 1 : i32
        %dma_wait3A_377 = arith.constant 0 : i32
        %dma_wait3A_378 = arith.constant 0 : i32
        %dma_wait3A_379 = arith.constant 0 : i32
        %dma_wait3A_380 = tpu.memref_slice %arg8[%dma_wait3A_375, %dma_wait3A_376, %dma_wait3A_378, %dma_wait3A_379] : memref<2x4x128x32xf32, #tpu.memory_space<vmem>> -> memref<1x1x128x32xf32, #tpu.memory_space<vmem>>
        %dma_wait3A_381 = tpu.memref_squeeze %dma_wait3A_380 : memref<1x1x128x32xf32, #tpu.memory_space<vmem>> -> memref<128x32xf32, #tpu.memory_space<vmem>>
        %dma_wait3A_382 = arith.constant 0 : i32
        %dma_wait3A_383 = tpu.memref_slice %arg7[%dma_wait3A_377, %dma_wait3A_382] : memref<160x128xi32, #tpu.memory_space<vmem>> -> memref<1x128xi32, #tpu.memory_space<vmem>>
        %dma_wait3A_384 = tpu.memref_squeeze %dma_wait3A_383 : memref<1x128xi32, #tpu.memory_space<vmem>> -> memref<128xi32, #tpu.memory_space<vmem>>
        %dma_wait3A_385 = arith.constant 0 : i32
        %dma_wait3A_386 = arith.constant 0 : i32
        %dma_wait3A_387 = tpu.memref_slice %arg10[%dma_wait3A_385, %dma_wait3A_386] : memref<10240x32xf32, #tpu.memory_space<vmem_shared>> -> memref<10240x32xf32, #tpu.memory_space<vmem_shared>>
        tpu.wait_indirect_dma semaphore(%arg12 : memref<!tpu.dma_semaphore, #tpu.memory_space<semaphore_mem>>) src(%dma_wait3A_381 : memref<128x32xf32, #tpu.memory_space<vmem>>) dst(%dma_wait3A_387 : memref<10240x32xf32, #tpu.memory_space<vmem_shared>>)
        %dma_wait3A_388 = arith.constant 0 : i32
        %dma_wait3A_389 = arith.constant 2 : i32
        %dma_wait3A_390 = arith.constant 0 : i32
        %dma_wait3A_391 = arith.constant 0 : i32
        %dma_wait3A_392 = arith.constant 0 : i32
        %dma_wait3A_393 = tpu.memref_slice %arg8[%dma_wait3A_388, %dma_wait3A_389, %dma_wait3A_391, %dma_wait3A_392] : memref<2x4x128x32xf32, #tpu.memory_space<vmem>> -> memref<1x1x128x32xf32, #tpu.memory_space<vmem>>
        %dma_wait3A_394 = tpu.memref_squeeze %dma_wait3A_393 : memref<1x1x128x32xf32, #tpu.memory_space<vmem>> -> memref<128x32xf32, #tpu.memory_space<vmem>>
        %dma_wait3A_395 = arith.constant 0 : i32
        %dma_wait3A_396 = tpu.memref_slice %arg7[%dma_wait3A_390, %dma_wait3A_395] : memref<160x128xi32, #tpu.memory_space<vmem>> -> memref<1x128xi32, #tpu.memory_space<vmem>>
        %dma_wait3A_397 = tpu.memref_squeeze %dma_wait3A_396 : memref<1x128xi32, #tpu.memory_space<vmem>> -> memref<128xi32, #tpu.memory_space<vmem>>
        %dma_wait3A_398 = arith.constant 0 : i32
        %dma_wait3A_399 = arith.constant 0 : i32
        %dma_wait3A_400 = tpu.memref_slice %arg10[%dma_wait3A_398, %dma_wait3A_399] : memref<10240x32xf32, #tpu.memory_space<vmem_shared>> -> memref<10240x32xf32, #tpu.memory_space<vmem_shared>>
        tpu.wait_indirect_dma semaphore(%arg12 : memref<!tpu.dma_semaphore, #tpu.memory_space<semaphore_mem>>) src(%dma_wait3A_394 : memref<128x32xf32, #tpu.memory_space<vmem>>) dst(%dma_wait3A_400 : memref<10240x32xf32, #tpu.memory_space<vmem_shared>>)
        %dma_wait3A_401 = arith.constant 0 : i32
        %dma_wait3A_402 = arith.constant 3 : i32
        %dma_wait3A_403 = arith.constant 0 : i32
        %dma_wait3A_404 = arith.constant 0 : i32
        %dma_wait3A_405 = arith.constant 0 : i32
        %dma_wait3A_406 = tpu.memref_slice %arg8[%dma_wait3A_401, %dma_wait3A_402, %dma_wait3A_404, %dma_wait3A_405] : memref<2x4x128x32xf32, #tpu.memory_space<vmem>> -> memref<1x1x128x32xf32, #tpu.memory_space<vmem>>
        %dma_wait3A_407 = tpu.memref_squeeze %dma_wait3A_406 : memref<1x1x128x32xf32, #tpu.memory_space<vmem>> -> memref<128x32xf32, #tpu.memory_space<vmem>>
        %dma_wait3A_408 = arith.constant 0 : i32
        %dma_wait3A_409 = tpu.memref_slice %arg7[%dma_wait3A_403, %dma_wait3A_408] : memref<160x128xi32, #tpu.memory_space<vmem>> -> memref<1x128xi32, #tpu.memory_space<vmem>>
        %dma_wait3A_410 = tpu.memref_squeeze %dma_wait3A_409 : memref<1x128xi32, #tpu.memory_space<vmem>> -> memref<128xi32, #tpu.memory_space<vmem>>
        %dma_wait3A_411 = arith.constant 0 : i32
        %dma_wait3A_412 = arith.constant 0 : i32
        %dma_wait3A_413 = tpu.memref_slice %arg10[%dma_wait3A_411, %dma_wait3A_412] : memref<10240x32xf32, #tpu.memory_space<vmem_shared>> -> memref<10240x32xf32, #tpu.memory_space<vmem_shared>>
        tpu.wait_indirect_dma semaphore(%arg12 : memref<!tpu.dma_semaphore, #tpu.memory_space<semaphore_mem>>) src(%dma_wait3A_407 : memref<128x32xf32, #tpu.memory_space<vmem>>) dst(%dma_wait3A_413 : memref<10240x32xf32, #tpu.memory_space<vmem_shared>>)
      } else {
      }
      %lt3A = arith.constant 40 : i32
      %lt3A_128 = arith.cmpi slt, %add3A_125, %lt3A : i32
      %convert_element_type3A_129 = arith.extui %lt3A_128 : i1 to i32
      %cond3A_130 = arith.constant 0 : i32
      %cond3A_131 = arith.cmpi ne, %convert_element_type3A_129, %cond3A_130 : i32
      scf.if %cond3A_131 {
        %jit3A_362 = arith.constant 2 : i32
        %eq3A_363 = arith.constant 0 : i32
        %eq3A_364 = arith.cmpi eq, %jit3A_362, %eq3A_363 : i32
        %jit3A_365 = arith.constant 1 : i32
        %select_n3A_366 = arith.select %eq3A_364, %jit3A_365, %jit3A_362 : i32
        %rem3A_367 = arith.remsi %add3A_125, %select_n3A_366 : i32
        %ne3A_368 = arith.constant 0 : i32
        %ne3A_369 = arith.cmpi ne, %rem3A_367, %ne3A_368 : i32
        %lt3A_370 = arith.constant 0 : i32
        %lt3A_371 = arith.cmpi slt, %rem3A_367, %lt3A_370 : i32
        %lt3A_372 = arith.constant 0 : i32
        %lt3A_373 = arith.cmpi slt, %select_n3A_366, %lt3A_372 : i32
        %ne3A_374 = arith.xori %lt3A_371, %lt3A_373 : i1
        %and3A_375 = arith.andi %ne3A_374, %ne3A_369 : i1
        %add3A_376 = arith.addi %rem3A_367, %select_n3A_366 : i32
        %select_n3A_377 = arith.select %and3A_375, %add3A_376, %rem3A_367 : i32
        %mul3A_378 = arith.constant 4 : i32
        %mul3A_379 = arith.muli %add3A_125, %mul3A_378 : i32
        %add3A_380 = arith.constant 0 : i32
        %add3A_381 = arith.addi %mul3A_379, %add3A_380 : i32
        %dma_start3A_382 = arith.constant 0 : i32
        %dma_start3A_383 = arith.constant 0 : i32
        %dma_start3A_384 = arith.constant 0 : i32
        %dma_start3A_385 = tpu.memref_slice %arg8[%select_n3A_377, %dma_start3A_382, %dma_start3A_383, %dma_start3A_384] : memref<2x4x128x32xf32, #tpu.memory_space<vmem>> -> memref<1x1x128x32xf32, #tpu.memory_space<vmem>>
        %dma_start3A_386 = tpu.memref_squeeze %dma_start3A_385 : memref<1x1x128x32xf32, #tpu.memory_space<vmem>> -> memref<128x32xf32, #tpu.memory_space<vmem>>
        %dma_start3A_387 = arith.constant 0 : i32
        %dma_start3A_388 = tpu.memref_slice %arg6[%add3A_381, %dma_start3A_387] : memref<160x128xi32, #tpu.memory_space<vmem>> -> memref<1x128xi32, #tpu.memory_space<vmem>>
        %dma_start3A_389 = tpu.memref_squeeze %dma_start3A_388 : memref<1x128xi32, #tpu.memory_space<vmem>> -> memref<128xi32, #tpu.memory_space<vmem>>
        %dma_start3A_390 = arith.constant 0 : i32
        %dma_start3A_391 = arith.constant 0 : i32
        %dma_start3A_392 = tpu.memref_slice %arg9[%dma_start3A_390, %dma_start3A_391] : memref<10240x32xf32, #tpu.memory_space<vmem_shared>> -> memref<10240x32xf32, #tpu.memory_space<vmem_shared>>
        tpu.enqueue_indirect_dma source(%dma_start3A_392 : memref<10240x32xf32, #tpu.memory_space<vmem_shared>>) target(%dma_start3A_386 : memref<128x32xf32, #tpu.memory_space<vmem>>) offsets(%dma_start3A_389 : memref<128xi32, #tpu.memory_space<vmem>>) semaphore(%arg11 : memref<!tpu.dma_semaphore, #tpu.memory_space<semaphore_mem>>)
        %mul3A_393 = arith.constant 4 : i32
        %mul3A_394 = arith.muli %add3A_125, %mul3A_393 : i32
        %add3A_395 = arith.constant 1 : i32
        %add3A_396 = arith.addi %mul3A_394, %add3A_395 : i32
        %dma_start3A_397 = arith.constant 1 : i32
        %dma_start3A_398 = arith.constant 0 : i32
        %dma_start3A_399 = arith.constant 0 : i32
        %dma_start3A_400 = tpu.memref_slice %arg8[%select_n3A_377, %dma_start3A_397, %dma_start3A_398, %dma_start3A_399] : memref<2x4x128x32xf32, #tpu.memory_space<vmem>> -> memref<1x1x128x32xf32, #tpu.memory_space<vmem>>
        %dma_start3A_401 = tpu.memref_squeeze %dma_start3A_400 : memref<1x1x128x32xf32, #tpu.memory_space<vmem>> -> memref<128x32xf32, #tpu.memory_space<vmem>>
        %dma_start3A_402 = arith.constant 0 : i32
        %dma_start3A_403 = tpu.memref_slice %arg6[%add3A_396, %dma_start3A_402] : memref<160x128xi32, #tpu.memory_space<vmem>> -> memref<1x128xi32, #tpu.memory_space<vmem>>
        %dma_start3A_404 = tpu.memref_squeeze %dma_start3A_403 : memref<1x128xi32, #tpu.memory_space<vmem>> -> memref<128xi32, #tpu.memory_space<vmem>>
        %dma_start3A_405 = arith.constant 0 : i32
        %dma_start3A_406 = arith.constant 0 : i32
        %dma_start3A_407 = tpu.memref_slice %arg9[%dma_start3A_405, %dma_start3A_406] : memref<10240x32xf32, #tpu.memory_space<vmem_shared>> -> memref<10240x32xf32, #tpu.memory_space<vmem_shared>>
        tpu.enqueue_indirect_dma source(%dma_start3A_407 : memref<10240x32xf32, #tpu.memory_space<vmem_shared>>) target(%dma_start3A_401 : memref<128x32xf32, #tpu.memory_space<vmem>>) offsets(%dma_start3A_404 : memref<128xi32, #tpu.memory_space<vmem>>) semaphore(%arg11 : memref<!tpu.dma_semaphore, #tpu.memory_space<semaphore_mem>>)
        %mul3A_408 = arith.constant 4 : i32
        %mul3A_409 = arith.muli %add3A_125, %mul3A_408 : i32
        %add3A_410 = arith.constant 2 : i32
        %add3A_411 = arith.addi %mul3A_409, %add3A_410 : i32
        %dma_start3A_412 = arith.constant 2 : i32
        %dma_start3A_413 = arith.constant 0 : i32
        %dma_start3A_414 = arith.constant 0 : i32
        %dma_start3A_415 = tpu.memref_slice %arg8[%select_n3A_377, %dma_start3A_412, %dma_start3A_413, %dma_start3A_414] : memref<2x4x128x32xf32, #tpu.memory_space<vmem>> -> memref<1x1x128x32xf32, #tpu.memory_space<vmem>>
        %dma_start3A_416 = tpu.memref_squeeze %dma_start3A_415 : memref<1x1x128x32xf32, #tpu.memory_space<vmem>> -> memref<128x32xf32, #tpu.memory_space<vmem>>
        %dma_start3A_417 = arith.constant 0 : i32
        %dma_start3A_418 = tpu.memref_slice %arg6[%add3A_411, %dma_start3A_417] : memref<160x128xi32, #tpu.memory_space<vmem>> -> memref<1x128xi32, #tpu.memory_space<vmem>>
        %dma_start3A_419 = tpu.memref_squeeze %dma_start3A_418 : memref<1x128xi32, #tpu.memory_space<vmem>> -> memref<128xi32, #tpu.memory_space<vmem>>
        %dma_start3A_420 = arith.constant 0 : i32
        %dma_start3A_421 = arith.constant 0 : i32
        %dma_start3A_422 = tpu.memref_slice %arg9[%dma_start3A_420, %dma_start3A_421] : memref<10240x32xf32, #tpu.memory_space<vmem_shared>> -> memref<10240x32xf32, #tpu.memory_space<vmem_shared>>
        tpu.enqueue_indirect_dma source(%dma_start3A_422 : memref<10240x32xf32, #tpu.memory_space<vmem_shared>>) target(%dma_start3A_416 : memref<128x32xf32, #tpu.memory_space<vmem>>) offsets(%dma_start3A_419 : memref<128xi32, #tpu.memory_space<vmem>>) semaphore(%arg11 : memref<!tpu.dma_semaphore, #tpu.memory_space<semaphore_mem>>)
        %mul3A_423 = arith.constant 4 : i32
        %mul3A_424 = arith.muli %add3A_125, %mul3A_423 : i32
        %add3A_425 = arith.constant 3 : i32
        %add3A_426 = arith.addi %mul3A_424, %add3A_425 : i32
        %dma_start3A_427 = arith.constant 3 : i32
        %dma_start3A_428 = arith.constant 0 : i32
        %dma_start3A_429 = arith.constant 0 : i32
        %dma_start3A_430 = tpu.memref_slice %arg8[%select_n3A_377, %dma_start3A_427, %dma_start3A_428, %dma_start3A_429] : memref<2x4x128x32xf32, #tpu.memory_space<vmem>> -> memref<1x1x128x32xf32, #tpu.memory_space<vmem>>
        %dma_start3A_431 = tpu.memref_squeeze %dma_start3A_430 : memref<1x1x128x32xf32, #tpu.memory_space<vmem>> -> memref<128x32xf32, #tpu.memory_space<vmem>>
        %dma_start3A_432 = arith.constant 0 : i32
        %dma_start3A_433 = tpu.memref_slice %arg6[%add3A_426, %dma_start3A_432] : memref<160x128xi32, #tpu.memory_space<vmem>> -> memref<1x128xi32, #tpu.memory_space<vmem>>
        %dma_start3A_434 = tpu.memref_squeeze %dma_start3A_433 : memref<1x128xi32, #tpu.memory_space<vmem>> -> memref<128xi32, #tpu.memory_space<vmem>>
        %dma_start3A_435 = arith.constant 0 : i32
        %dma_start3A_436 = arith.constant 0 : i32
        %dma_start3A_437 = tpu.memref_slice %arg9[%dma_start3A_435, %dma_start3A_436] : memref<10240x32xf32, #tpu.memory_space<vmem_shared>> -> memref<10240x32xf32, #tpu.memory_space<vmem_shared>>
        tpu.enqueue_indirect_dma source(%dma_start3A_437 : memref<10240x32xf32, #tpu.memory_space<vmem_shared>>) target(%dma_start3A_431 : memref<128x32xf32, #tpu.memory_space<vmem>>) offsets(%dma_start3A_434 : memref<128xi32, #tpu.memory_space<vmem>>) semaphore(%arg11 : memref<!tpu.dma_semaphore, #tpu.memory_space<semaphore_mem>>)
      } else {
      }
      %jit3A = arith.constant 2 : i32
      %eq3A = arith.constant 0 : i32
      %eq3A_132 = arith.cmpi eq, %jit3A, %eq3A : i32
      %jit3A_133 = arith.constant 1 : i32
      %select_n3A = arith.select %eq3A_132, %jit3A_133, %jit3A : i32
      %rem3A = arith.remsi %scan3A_124, %select_n3A : i32
      %ne3A = arith.constant 0 : i32
      %ne3A_134 = arith.cmpi ne, %rem3A, %ne3A : i32
      %lt3A_135 = arith.constant 0 : i32
      %lt3A_136 = arith.cmpi slt, %rem3A, %lt3A_135 : i32
      %lt3A_137 = arith.constant 0 : i32
      %lt3A_138 = arith.cmpi slt, %select_n3A, %lt3A_137 : i32
      %ne3A_139 = arith.xori %lt3A_136, %lt3A_138 : i1
      %and3A = arith.andi %ne3A_139, %ne3A_134 : i1
      %add3A_140 = arith.addi %rem3A, %select_n3A : i32
      %select_n3A_141 = arith.select %and3A, %add3A_140, %rem3A : i32
      %dma_wait3A_142 = arith.constant 0 : i32
      %dma_wait3A_143 = arith.constant 0 : i32
      %dma_wait3A_144 = arith.constant 0 : i32
      %dma_wait3A_145 = arith.constant 0 : i32
      %dma_wait3A_146 = tpu.memref_slice %arg8[%select_n3A_141, %dma_wait3A_143, %dma_wait3A_144, %dma_wait3A_145] : memref<2x4x128x32xf32, #tpu.memory_space<vmem>> -> memref<1x1x128x32xf32, #tpu.memory_space<vmem>>
      %dma_wait3A_147 = tpu.memref_squeeze %dma_wait3A_146 : memref<1x1x128x32xf32, #tpu.memory_space<vmem>> -> memref<128x32xf32, #tpu.memory_space<vmem>>
      %dma_wait3A_148 = arith.constant 0 : i32
      %dma_wait3A_149 = tpu.memref_slice %arg6[%dma_wait3A_142, %dma_wait3A_148] : memref<160x128xi32, #tpu.memory_space<vmem>> -> memref<1x128xi32, #tpu.memory_space<vmem>>
      %dma_wait3A_150 = tpu.memref_squeeze %dma_wait3A_149 : memref<1x128xi32, #tpu.memory_space<vmem>> -> memref<128xi32, #tpu.memory_space<vmem>>
      %dma_wait3A_151 = arith.constant 0 : i32
      %dma_wait3A_152 = arith.constant 0 : i32
      %dma_wait3A_153 = tpu.memref_slice %arg9[%dma_wait3A_151, %dma_wait3A_152] : memref<10240x32xf32, #tpu.memory_space<vmem_shared>> -> memref<10240x32xf32, #tpu.memory_space<vmem_shared>>
      tpu.wait_indirect_dma semaphore(%arg11 : memref<!tpu.dma_semaphore, #tpu.memory_space<semaphore_mem>>) src(%dma_wait3A_153 : memref<10240x32xf32, #tpu.memory_space<vmem_shared>>) dst(%dma_wait3A_147 : memref<128x32xf32, #tpu.memory_space<vmem>>)
      %jit3A_154 = arith.constant 2 : i32
      %eq3A_155 = arith.constant 0 : i32
      %eq3A_156 = arith.cmpi eq, %jit3A_154, %eq3A_155 : i32
      %jit3A_157 = arith.constant 1 : i32
      %select_n3A_158 = arith.select %eq3A_156, %jit3A_157, %jit3A_154 : i32
      %rem3A_159 = arith.remsi %scan3A_124, %select_n3A_158 : i32
      %ne3A_160 = arith.constant 0 : i32
      %ne3A_161 = arith.cmpi ne, %rem3A_159, %ne3A_160 : i32
      %lt3A_162 = arith.constant 0 : i32
      %lt3A_163 = arith.cmpi slt, %rem3A_159, %lt3A_162 : i32
      %lt3A_164 = arith.constant 0 : i32
      %lt3A_165 = arith.cmpi slt, %select_n3A_158, %lt3A_164 : i32
      %ne3A_166 = arith.xori %lt3A_163, %lt3A_165 : i1
      %and3A_167 = arith.andi %ne3A_166, %ne3A_161 : i1
      %add3A_168 = arith.addi %rem3A_159, %select_n3A_158 : i32
      %select_n3A_169 = arith.select %and3A_167, %add3A_168, %rem3A_159 : i32
      %dma_wait3A_170 = arith.constant 0 : i32
      %dma_wait3A_171 = arith.constant 1 : i32
      %dma_wait3A_172 = arith.constant 0 : i32
      %dma_wait3A_173 = arith.constant 0 : i32
      %dma_wait3A_174 = tpu.memref_slice %arg8[%select_n3A_169, %dma_wait3A_171, %dma_wait3A_172, %dma_wait3A_173] : memref<2x4x128x32xf32, #tpu.memory_space<vmem>> -> memref<1x1x128x32xf32, #tpu.memory_space<vmem>>
      %dma_wait3A_175 = tpu.memref_squeeze %dma_wait3A_174 : memref<1x1x128x32xf32, #tpu.memory_space<vmem>> -> memref<128x32xf32, #tpu.memory_space<vmem>>
      %dma_wait3A_176 = arith.constant 0 : i32
      %dma_wait3A_177 = tpu.memref_slice %arg6[%dma_wait3A_170, %dma_wait3A_176] : memref<160x128xi32, #tpu.memory_space<vmem>> -> memref<1x128xi32, #tpu.memory_space<vmem>>
      %dma_wait3A_178 = tpu.memref_squeeze %dma_wait3A_177 : memref<1x128xi32, #tpu.memory_space<vmem>> -> memref<128xi32, #tpu.memory_space<vmem>>
      %dma_wait3A_179 = arith.constant 0 : i32
      %dma_wait3A_180 = arith.constant 0 : i32
      %dma_wait3A_181 = tpu.memref_slice %arg9[%dma_wait3A_179, %dma_wait3A_180] : memref<10240x32xf32, #tpu.memory_space<vmem_shared>> -> memref<10240x32xf32, #tpu.memory_space<vmem_shared>>
      tpu.wait_indirect_dma semaphore(%arg11 : memref<!tpu.dma_semaphore, #tpu.memory_space<semaphore_mem>>) src(%dma_wait3A_181 : memref<10240x32xf32, #tpu.memory_space<vmem_shared>>) dst(%dma_wait3A_175 : memref<128x32xf32, #tpu.memory_space<vmem>>)
      %jit3A_182 = arith.constant 2 : i32
      %eq3A_183 = arith.constant 0 : i32
      %eq3A_184 = arith.cmpi eq, %jit3A_182, %eq3A_183 : i32
      %jit3A_185 = arith.constant 1 : i32
      %select_n3A_186 = arith.select %eq3A_184, %jit3A_185, %jit3A_182 : i32
      %rem3A_187 = arith.remsi %scan3A_124, %select_n3A_186 : i32
      %ne3A_188 = arith.constant 0 : i32
      %ne3A_189 = arith.cmpi ne, %rem3A_187, %ne3A_188 : i32
      %lt3A_190 = arith.constant 0 : i32
      %lt3A_191 = arith.cmpi slt, %rem3A_187, %lt3A_190 : i32
      %lt3A_192 = arith.constant 0 : i32
      %lt3A_193 = arith.cmpi slt, %select_n3A_186, %lt3A_192 : i32
      %ne3A_194 = arith.xori %lt3A_191, %lt3A_193 : i1
      %and3A_195 = arith.andi %ne3A_194, %ne3A_189 : i1
      %add3A_196 = arith.addi %rem3A_187, %select_n3A_186 : i32
      %select_n3A_197 = arith.select %and3A_195, %add3A_196, %rem3A_187 : i32
      %dma_wait3A_198 = arith.constant 0 : i32
      %dma_wait3A_199 = arith.constant 2 : i32
      %dma_wait3A_200 = arith.constant 0 : i32
      %dma_wait3A_201 = arith.constant 0 : i32
      %dma_wait3A_202 = tpu.memref_slice %arg8[%select_n3A_197, %dma_wait3A_199, %dma_wait3A_200, %dma_wait3A_201] : memref<2x4x128x32xf32, #tpu.memory_space<vmem>> -> memref<1x1x128x32xf32, #tpu.memory_space<vmem>>
      %dma_wait3A_203 = tpu.memref_squeeze %dma_wait3A_202 : memref<1x1x128x32xf32, #tpu.memory_space<vmem>> -> memref<128x32xf32, #tpu.memory_space<vmem>>
      %dma_wait3A_204 = arith.constant 0 : i32
      %dma_wait3A_205 = tpu.memref_slice %arg6[%dma_wait3A_198, %dma_wait3A_204] : memref<160x128xi32, #tpu.memory_space<vmem>> -> memref<1x128xi32, #tpu.memory_space<vmem>>
      %dma_wait3A_206 = tpu.memref_squeeze %dma_wait3A_205 : memref<1x128xi32, #tpu.memory_space<vmem>> -> memref<128xi32, #tpu.memory_space<vmem>>
      %dma_wait3A_207 = arith.constant 0 : i32
      %dma_wait3A_208 = arith.constant 0 : i32
      %dma_wait3A_209 = tpu.memref_slice %arg9[%dma_wait3A_207, %dma_wait3A_208] : memref<10240x32xf32, #tpu.memory_space<vmem_shared>> -> memref<10240x32xf32, #tpu.memory_space<vmem_shared>>
      tpu.wait_indirect_dma semaphore(%arg11 : memref<!tpu.dma_semaphore, #tpu.memory_space<semaphore_mem>>) src(%dma_wait3A_209 : memref<10240x32xf32, #tpu.memory_space<vmem_shared>>) dst(%dma_wait3A_203 : memref<128x32xf32, #tpu.memory_space<vmem>>)
      %jit3A_210 = arith.constant 2 : i32
      %eq3A_211 = arith.constant 0 : i32
      %eq3A_212 = arith.cmpi eq, %jit3A_210, %eq3A_211 : i32
      %jit3A_213 = arith.constant 1 : i32
      %select_n3A_214 = arith.select %eq3A_212, %jit3A_213, %jit3A_210 : i32
      %rem3A_215 = arith.remsi %scan3A_124, %select_n3A_214 : i32
      %ne3A_216 = arith.constant 0 : i32
      %ne3A_217 = arith.cmpi ne, %rem3A_215, %ne3A_216 : i32
      %lt3A_218 = arith.constant 0 : i32
      %lt3A_219 = arith.cmpi slt, %rem3A_215, %lt3A_218 : i32
      %lt3A_220 = arith.constant 0 : i32
      %lt3A_221 = arith.cmpi slt, %select_n3A_214, %lt3A_220 : i32
      %ne3A_222 = arith.xori %lt3A_219, %lt3A_221 : i1
      %and3A_223 = arith.andi %ne3A_222, %ne3A_217 : i1
      %add3A_224 = arith.addi %rem3A_215, %select_n3A_214 : i32
      %select_n3A_225 = arith.select %and3A_223, %add3A_224, %rem3A_215 : i32
      %dma_wait3A_226 = arith.constant 0 : i32
      %dma_wait3A_227 = arith.constant 3 : i32
      %dma_wait3A_228 = arith.constant 0 : i32
      %dma_wait3A_229 = arith.constant 0 : i32
      %dma_wait3A_230 = tpu.memref_slice %arg8[%select_n3A_225, %dma_wait3A_227, %dma_wait3A_228, %dma_wait3A_229] : memref<2x4x128x32xf32, #tpu.memory_space<vmem>> -> memref<1x1x128x32xf32, #tpu.memory_space<vmem>>
      %dma_wait3A_231 = tpu.memref_squeeze %dma_wait3A_230 : memref<1x1x128x32xf32, #tpu.memory_space<vmem>> -> memref<128x32xf32, #tpu.memory_space<vmem>>
      %dma_wait3A_232 = arith.constant 0 : i32
      %dma_wait3A_233 = tpu.memref_slice %arg6[%dma_wait3A_226, %dma_wait3A_232] : memref<160x128xi32, #tpu.memory_space<vmem>> -> memref<1x128xi32, #tpu.memory_space<vmem>>
      %dma_wait3A_234 = tpu.memref_squeeze %dma_wait3A_233 : memref<1x128xi32, #tpu.memory_space<vmem>> -> memref<128xi32, #tpu.memory_space<vmem>>
      %dma_wait3A_235 = arith.constant 0 : i32
      %dma_wait3A_236 = arith.constant 0 : i32
      %dma_wait3A_237 = tpu.memref_slice %arg9[%dma_wait3A_235, %dma_wait3A_236] : memref<10240x32xf32, #tpu.memory_space<vmem_shared>> -> memref<10240x32xf32, #tpu.memory_space<vmem_shared>>
      tpu.wait_indirect_dma semaphore(%arg11 : memref<!tpu.dma_semaphore, #tpu.memory_space<semaphore_mem>>) src(%dma_wait3A_237 : memref<10240x32xf32, #tpu.memory_space<vmem_shared>>) dst(%dma_wait3A_231 : memref<128x32xf32, #tpu.memory_space<vmem>>)
      %jit3A_238 = arith.constant 2 : i32
      %eq3A_239 = arith.constant 0 : i32
      %eq3A_240 = arith.cmpi eq, %jit3A_238, %eq3A_239 : i32
      %jit3A_241 = arith.constant 1 : i32
      %select_n3A_242 = arith.select %eq3A_240, %jit3A_241, %jit3A_238 : i32
      %rem3A_243 = arith.remsi %scan3A_124, %select_n3A_242 : i32
      %ne3A_244 = arith.constant 0 : i32
      %ne3A_245 = arith.cmpi ne, %rem3A_243, %ne3A_244 : i32
      %lt3A_246 = arith.constant 0 : i32
      %lt3A_247 = arith.cmpi slt, %rem3A_243, %lt3A_246 : i32
      %lt3A_248 = arith.constant 0 : i32
      %lt3A_249 = arith.cmpi slt, %select_n3A_242, %lt3A_248 : i32
      %ne3A_250 = arith.xori %lt3A_247, %lt3A_249 : i1
      %and3A_251 = arith.andi %ne3A_250, %ne3A_245 : i1
      %add3A_252 = arith.addi %rem3A_243, %select_n3A_242 : i32
      %select_n3A_253 = arith.select %and3A_251, %add3A_252, %rem3A_243 : i32
      %mul3A_254 = arith.constant 4 : i32
      %mul3A_255 = arith.muli %scan3A_124, %mul3A_254 : i32
      %add3A_256 = arith.constant 0 : i32
      %add3A_257 = arith.addi %mul3A_255, %add3A_256 : i32
      %dma_start3A_258 = arith.constant 0 : i32
      %dma_start3A_259 = arith.constant 0 : i32
      %dma_start3A_260 = arith.constant 0 : i32
      %dma_start3A_261 = tpu.memref_slice %arg8[%select_n3A_253, %dma_start3A_258, %dma_start3A_259, %dma_start3A_260] : memref<2x4x128x32xf32, #tpu.memory_space<vmem>> -> memref<1x1x128x32xf32, #tpu.memory_space<vmem>>
      %dma_start3A_262 = tpu.memref_squeeze %dma_start3A_261 : memref<1x1x128x32xf32, #tpu.memory_space<vmem>> -> memref<128x32xf32, #tpu.memory_space<vmem>>
      %dma_start3A_263 = arith.constant 0 : i32
      %dma_start3A_264 = tpu.memref_slice %arg7[%add3A_257, %dma_start3A_263] : memref<160x128xi32, #tpu.memory_space<vmem>> -> memref<1x128xi32, #tpu.memory_space<vmem>>
      %dma_start3A_265 = tpu.memref_squeeze %dma_start3A_264 : memref<1x128xi32, #tpu.memory_space<vmem>> -> memref<128xi32, #tpu.memory_space<vmem>>
      %dma_start3A_266 = arith.constant 0 : i32
      %dma_start3A_267 = arith.constant 0 : i32
      %dma_start3A_268 = tpu.memref_slice %arg10[%dma_start3A_266, %dma_start3A_267] : memref<10240x32xf32, #tpu.memory_space<vmem_shared>> -> memref<10240x32xf32, #tpu.memory_space<vmem_shared>>
      tpu.enqueue_indirect_dma source(%dma_start3A_262 : memref<128x32xf32, #tpu.memory_space<vmem>>) target(%dma_start3A_268 : memref<10240x32xf32, #tpu.memory_space<vmem_shared>>) offsets(%dma_start3A_265 : memref<128xi32, #tpu.memory_space<vmem>>) semaphore(%arg12 : memref<!tpu.dma_semaphore, #tpu.memory_space<semaphore_mem>>) {add = true}
      %jit3A_269 = arith.constant 2 : i32
      %eq3A_270 = arith.constant 0 : i32
      %eq3A_271 = arith.cmpi eq, %jit3A_269, %eq3A_270 : i32
      %jit3A_272 = arith.constant 1 : i32
      %select_n3A_273 = arith.select %eq3A_271, %jit3A_272, %jit3A_269 : i32
      %rem3A_274 = arith.remsi %scan3A_124, %select_n3A_273 : i32
      %ne3A_275 = arith.constant 0 : i32
      %ne3A_276 = arith.cmpi ne, %rem3A_274, %ne3A_275 : i32
      %lt3A_277 = arith.constant 0 : i32
      %lt3A_278 = arith.cmpi slt, %rem3A_274, %lt3A_277 : i32
      %lt3A_279 = arith.constant 0 : i32
      %lt3A_280 = arith.cmpi slt, %select_n3A_273, %lt3A_279 : i32
      %ne3A_281 = arith.xori %lt3A_278, %lt3A_280 : i1
      %and3A_282 = arith.andi %ne3A_281, %ne3A_276 : i1
      %add3A_283 = arith.addi %rem3A_274, %select_n3A_273 : i32
      %select_n3A_284 = arith.select %and3A_282, %add3A_283, %rem3A_274 : i32
      %mul3A_285 = arith.constant 4 : i32
      %mul3A_286 = arith.muli %scan3A_124, %mul3A_285 : i32
      %add3A_287 = arith.constant 1 : i32
      %add3A_288 = arith.addi %mul3A_286, %add3A_287 : i32
      %dma_start3A_289 = arith.constant 1 : i32
      %dma_start3A_290 = arith.constant 0 : i32
      %dma_start3A_291 = arith.constant 0 : i32
      %dma_start3A_292 = tpu.memref_slice %arg8[%select_n3A_284, %dma_start3A_289, %dma_start3A_290, %dma_start3A_291] : memref<2x4x128x32xf32, #tpu.memory_space<vmem>> -> memref<1x1x128x32xf32, #tpu.memory_space<vmem>>
      %dma_start3A_293 = tpu.memref_squeeze %dma_start3A_292 : memref<1x1x128x32xf32, #tpu.memory_space<vmem>> -> memref<128x32xf32, #tpu.memory_space<vmem>>
      %dma_start3A_294 = arith.constant 0 : i32
      %dma_start3A_295 = tpu.memref_slice %arg7[%add3A_288, %dma_start3A_294] : memref<160x128xi32, #tpu.memory_space<vmem>> -> memref<1x128xi32, #tpu.memory_space<vmem>>
      %dma_start3A_296 = tpu.memref_squeeze %dma_start3A_295 : memref<1x128xi32, #tpu.memory_space<vmem>> -> memref<128xi32, #tpu.memory_space<vmem>>
      %dma_start3A_297 = arith.constant 0 : i32
      %dma_start3A_298 = arith.constant 0 : i32
      %dma_start3A_299 = tpu.memref_slice %arg10[%dma_start3A_297, %dma_start3A_298] : memref<10240x32xf32, #tpu.memory_space<vmem_shared>> -> memref<10240x32xf32, #tpu.memory_space<vmem_shared>>
      tpu.enqueue_indirect_dma source(%dma_start3A_293 : memref<128x32xf32, #tpu.memory_space<vmem>>) target(%dma_start3A_299 : memref<10240x32xf32, #tpu.memory_space<vmem_shared>>) offsets(%dma_start3A_296 : memref<128xi32, #tpu.memory_space<vmem>>) semaphore(%arg12 : memref<!tpu.dma_semaphore, #tpu.memory_space<semaphore_mem>>) {add = true}
      %jit3A_300 = arith.constant 2 : i32
      %eq3A_301 = arith.constant 0 : i32
      %eq3A_302 = arith.cmpi eq, %jit3A_300, %eq3A_301 : i32
      %jit3A_303 = arith.constant 1 : i32
      %select_n3A_304 = arith.select %eq3A_302, %jit3A_303, %jit3A_300 : i32
      %rem3A_305 = arith.remsi %scan3A_124, %select_n3A_304 : i32
      %ne3A_306 = arith.constant 0 : i32
      %ne3A_307 = arith.cmpi ne, %rem3A_305, %ne3A_306 : i32
      %lt3A_308 = arith.constant 0 : i32
      %lt3A_309 = arith.cmpi slt, %rem3A_305, %lt3A_308 : i32
      %lt3A_310 = arith.constant 0 : i32
      %lt3A_311 = arith.cmpi slt, %select_n3A_304, %lt3A_310 : i32
      %ne3A_312 = arith.xori %lt3A_309, %lt3A_311 : i1
      %and3A_313 = arith.andi %ne3A_312, %ne3A_307 : i1
      %add3A_314 = arith.addi %rem3A_305, %select_n3A_304 : i32
      %select_n3A_315 = arith.select %and3A_313, %add3A_314, %rem3A_305 : i32
      %mul3A_316 = arith.constant 4 : i32
      %mul3A_317 = arith.muli %scan3A_124, %mul3A_316 : i32
      %add3A_318 = arith.constant 2 : i32
      %add3A_319 = arith.addi %mul3A_317, %add3A_318 : i32
      %dma_start3A_320 = arith.constant 2 : i32
      %dma_start3A_321 = arith.constant 0 : i32
      %dma_start3A_322 = arith.constant 0 : i32
      %dma_start3A_323 = tpu.memref_slice %arg8[%select_n3A_315, %dma_start3A_320, %dma_start3A_321, %dma_start3A_322] : memref<2x4x128x32xf32, #tpu.memory_space<vmem>> -> memref<1x1x128x32xf32, #tpu.memory_space<vmem>>
      %dma_start3A_324 = tpu.memref_squeeze %dma_start3A_323 : memref<1x1x128x32xf32, #tpu.memory_space<vmem>> -> memref<128x32xf32, #tpu.memory_space<vmem>>
      %dma_start3A_325 = arith.constant 0 : i32
      %dma_start3A_326 = tpu.memref_slice %arg7[%add3A_319, %dma_start3A_325] : memref<160x128xi32, #tpu.memory_space<vmem>> -> memref<1x128xi32, #tpu.memory_space<vmem>>
      %dma_start3A_327 = tpu.memref_squeeze %dma_start3A_326 : memref<1x128xi32, #tpu.memory_space<vmem>> -> memref<128xi32, #tpu.memory_space<vmem>>
      %dma_start3A_328 = arith.constant 0 : i32
      %dma_start3A_329 = arith.constant 0 : i32
      %dma_start3A_330 = tpu.memref_slice %arg10[%dma_start3A_328, %dma_start3A_329] : memref<10240x32xf32, #tpu.memory_space<vmem_shared>> -> memref<10240x32xf32, #tpu.memory_space<vmem_shared>>
      tpu.enqueue_indirect_dma source(%dma_start3A_324 : memref<128x32xf32, #tpu.memory_space<vmem>>) target(%dma_start3A_330 : memref<10240x32xf32, #tpu.memory_space<vmem_shared>>) offsets(%dma_start3A_327 : memref<128xi32, #tpu.memory_space<vmem>>) semaphore(%arg12 : memref<!tpu.dma_semaphore, #tpu.memory_space<semaphore_mem>>) {add = true}
      %jit3A_331 = arith.constant 2 : i32
      %eq3A_332 = arith.constant 0 : i32
      %eq3A_333 = arith.cmpi eq, %jit3A_331, %eq3A_332 : i32
      %jit3A_334 = arith.constant 1 : i32
      %select_n3A_335 = arith.select %eq3A_333, %jit3A_334, %jit3A_331 : i32
      %rem3A_336 = arith.remsi %scan3A_124, %select_n3A_335 : i32
      %ne3A_337 = arith.constant 0 : i32
      %ne3A_338 = arith.cmpi ne, %rem3A_336, %ne3A_337 : i32
      %lt3A_339 = arith.constant 0 : i32
      %lt3A_340 = arith.cmpi slt, %rem3A_336, %lt3A_339 : i32
      %lt3A_341 = arith.constant 0 : i32
      %lt3A_342 = arith.cmpi slt, %select_n3A_335, %lt3A_341 : i32
      %ne3A_343 = arith.xori %lt3A_340, %lt3A_342 : i1
      %and3A_344 = arith.andi %ne3A_343, %ne3A_338 : i1
      %add3A_345 = arith.addi %rem3A_336, %select_n3A_335 : i32
      %select_n3A_346 = arith.select %and3A_344, %add3A_345, %rem3A_336 : i32
      %mul3A_347 = arith.constant 4 : i32
      %mul3A_348 = arith.muli %scan3A_124, %mul3A_347 : i32
      %add3A_349 = arith.constant 3 : i32
      %add3A_350 = arith.addi %mul3A_348, %add3A_349 : i32
      %dma_start3A_351 = arith.constant 3 : i32
      %dma_start3A_352 = arith.constant 0 : i32
      %dma_start3A_353 = arith.constant 0 : i32
      %dma_start3A_354 = tpu.memref_slice %arg8[%select_n3A_346, %dma_start3A_351, %dma_start3A_352, %dma_start3A_353] : memref<2x4x128x32xf32, #tpu.memory_space<vmem>> -> memref<1x1x128x32xf32, #tpu.memory_space<vmem>>
      %dma_start3A_355 = tpu.memref_squeeze %dma_start3A_354 : memref<1x1x128x32xf32, #tpu.memory_space<vmem>> -> memref<128x32xf32, #tpu.memory_space<vmem>>
      %dma_start3A_356 = arith.constant 0 : i32
      %dma_start3A_357 = tpu.memref_slice %arg7[%add3A_350, %dma_start3A_356] : memref<160x128xi32, #tpu.memory_space<vmem>> -> memref<1x128xi32, #tpu.memory_space<vmem>>
      %dma_start3A_358 = tpu.memref_squeeze %dma_start3A_357 : memref<1x128xi32, #tpu.memory_space<vmem>> -> memref<128xi32, #tpu.memory_space<vmem>>
      %dma_start3A_359 = arith.constant 0 : i32
      %dma_start3A_360 = arith.constant 0 : i32
      %dma_start3A_361 = tpu.memref_slice %arg10[%dma_start3A_359, %dma_start3A_360] : memref<10240x32xf32, #tpu.memory_space<vmem_shared>> -> memref<10240x32xf32, #tpu.memory_space<vmem_shared>>
      tpu.enqueue_indirect_dma source(%dma_start3A_355 : memref<128x32xf32, #tpu.memory_space<vmem>>) target(%dma_start3A_361 : memref<10240x32xf32, #tpu.memory_space<vmem_shared>>) offsets(%dma_start3A_358 : memref<128xi32, #tpu.memory_space<vmem>>) semaphore(%arg12 : memref<!tpu.dma_semaphore, #tpu.memory_space<semaphore_mem>>) {add = true}
    }
    %scan3A_65 = arith.constant 40 : i32
    %dma_wait3A = arith.constant 0 : i32
    %dma_wait3A_66 = arith.constant 0 : i32
    %dma_wait3A_67 = arith.constant 0 : i32
    %dma_wait3A_68 = arith.constant 0 : i32
    %dma_wait3A_69 = arith.constant 0 : i32
    %dma_wait3A_70 = tpu.memref_slice %arg8[%dma_wait3A, %dma_wait3A_66, %dma_wait3A_68, %dma_wait3A_69] : memref<2x4x128x32xf32, #tpu.memory_space<vmem>> -> memref<1x1x128x32xf32, #tpu.memory_space<vmem>>
    %dma_wait3A_71 = tpu.memref_squeeze %dma_wait3A_70 : memref<1x1x128x32xf32, #tpu.memory_space<vmem>> -> memref<128x32xf32, #tpu.memory_space<vmem>>
    %dma_wait3A_72 = arith.constant 0 : i32
    %dma_wait3A_73 = tpu.memref_slice %arg7[%dma_wait3A_67, %dma_wait3A_72] : memref<160x128xi32, #tpu.memory_space<vmem>> -> memref<1x128xi32, #tpu.memory_space<vmem>>
    %dma_wait3A_74 = tpu.memref_squeeze %dma_wait3A_73 : memref<1x128xi32, #tpu.memory_space<vmem>> -> memref<128xi32, #tpu.memory_space<vmem>>
    %dma_wait3A_75 = arith.constant 0 : i32
    %dma_wait3A_76 = arith.constant 0 : i32
    %dma_wait3A_77 = tpu.memref_slice %arg10[%dma_wait3A_75, %dma_wait3A_76] : memref<10240x32xf32, #tpu.memory_space<vmem_shared>> -> memref<10240x32xf32, #tpu.memory_space<vmem_shared>>
    tpu.wait_indirect_dma semaphore(%arg12 : memref<!tpu.dma_semaphore, #tpu.memory_space<semaphore_mem>>) src(%dma_wait3A_71 : memref<128x32xf32, #tpu.memory_space<vmem>>) dst(%dma_wait3A_77 : memref<10240x32xf32, #tpu.memory_space<vmem_shared>>)
    %dma_wait3A_78 = arith.constant 0 : i32
    %dma_wait3A_79 = arith.constant 1 : i32
    %dma_wait3A_80 = arith.constant 0 : i32
    %dma_wait3A_81 = arith.constant 0 : i32
    %dma_wait3A_82 = arith.constant 0 : i32
    %dma_wait3A_83 = tpu.memref_slice %arg8[%dma_wait3A_78, %dma_wait3A_79, %dma_wait3A_81, %dma_wait3A_82] : memref<2x4x128x32xf32, #tpu.memory_space<vmem>> -> memref<1x1x128x32xf32, #tpu.memory_space<vmem>>
    %dma_wait3A_84 = tpu.memref_squeeze %dma_wait3A_83 : memref<1x1x128x32xf32, #tpu.memory_space<vmem>> -> memref<128x32xf32, #tpu.memory_space<vmem>>
    %dma_wait3A_85 = arith.constant 0 : i32
    %dma_wait3A_86 = tpu.memref_slice %arg7[%dma_wait3A_80, %dma_wait3A_85] : memref<160x128xi32, #tpu.memory_space<vmem>> -> memref<1x128xi32, #tpu.memory_space<vmem>>
    %dma_wait3A_87 = tpu.memref_squeeze %dma_wait3A_86 : memref<1x128xi32, #tpu.memory_space<vmem>> -> memref<128xi32, #tpu.memory_space<vmem>>
    %dma_wait3A_88 = arith.constant 0 : i32
    %dma_wait3A_89 = arith.constant 0 : i32
    %dma_wait3A_90 = tpu.memref_slice %arg10[%dma_wait3A_88, %dma_wait3A_89] : memref<10240x32xf32, #tpu.memory_space<vmem_shared>> -> memref<10240x32xf32, #tpu.memory_space<vmem_shared>>
    tpu.wait_indirect_dma semaphore(%arg12 : memref<!tpu.dma_semaphore, #tpu.memory_space<semaphore_mem>>) src(%dma_wait3A_84 : memref<128x32xf32, #tpu.memory_space<vmem>>) dst(%dma_wait3A_90 : memref<10240x32xf32, #tpu.memory_space<vmem_shared>>)
    %dma_wait3A_91 = arith.constant 0 : i32
    %dma_wait3A_92 = arith.constant 2 : i32
    %dma_wait3A_93 = arith.constant 0 : i32
    %dma_wait3A_94 = arith.constant 0 : i32
    %dma_wait3A_95 = arith.constant 0 : i32
    %dma_wait3A_96 = tpu.memref_slice %arg8[%dma_wait3A_91, %dma_wait3A_92, %dma_wait3A_94, %dma_wait3A_95] : memref<2x4x128x32xf32, #tpu.memory_space<vmem>> -> memref<1x1x128x32xf32, #tpu.memory_space<vmem>>
    %dma_wait3A_97 = tpu.memref_squeeze %dma_wait3A_96 : memref<1x1x128x32xf32, #tpu.memory_space<vmem>> -> memref<128x32xf32, #tpu.memory_space<vmem>>
    %dma_wait3A_98 = arith.constant 0 : i32
    %dma_wait3A_99 = tpu.memref_slice %arg7[%dma_wait3A_93, %dma_wait3A_98] : memref<160x128xi32, #tpu.memory_space<vmem>> -> memref<1x128xi32, #tpu.memory_space<vmem>>
    %dma_wait3A_100 = tpu.memref_squeeze %dma_wait3A_99 : memref<1x128xi32, #tpu.memory_space<vmem>> -> memref<128xi32, #tpu.memory_space<vmem>>
    %dma_wait3A_101 = arith.constant 0 : i32
    %dma_wait3A_102 = arith.constant 0 : i32
    %dma_wait3A_103 = tpu.memref_slice %arg10[%dma_wait3A_101, %dma_wait3A_102] : memref<10240x32xf32, #tpu.memory_space<vmem_shared>> -> memref<10240x32xf32, #tpu.memory_space<vmem_shared>>
    tpu.wait_indirect_dma semaphore(%arg12 : memref<!tpu.dma_semaphore, #tpu.memory_space<semaphore_mem>>) src(%dma_wait3A_97 : memref<128x32xf32, #tpu.memory_space<vmem>>) dst(%dma_wait3A_103 : memref<10240x32xf32, #tpu.memory_space<vmem_shared>>)
    %dma_wait3A_104 = arith.constant 0 : i32
    %dma_wait3A_105 = arith.constant 3 : i32
    %dma_wait3A_106 = arith.constant 0 : i32
    %dma_wait3A_107 = arith.constant 0 : i32
    %dma_wait3A_108 = arith.constant 0 : i32
    %dma_wait3A_109 = tpu.memref_slice %arg8[%dma_wait3A_104, %dma_wait3A_105, %dma_wait3A_107, %dma_wait3A_108] : memref<2x4x128x32xf32, #tpu.memory_space<vmem>> -> memref<1x1x128x32xf32, #tpu.memory_space<vmem>>
    %dma_wait3A_110 = tpu.memref_squeeze %dma_wait3A_109 : memref<1x1x128x32xf32, #tpu.memory_space<vmem>> -> memref<128x32xf32, #tpu.memory_space<vmem>>
    %dma_wait3A_111 = arith.constant 0 : i32
    %dma_wait3A_112 = tpu.memref_slice %arg7[%dma_wait3A_106, %dma_wait3A_111] : memref<160x128xi32, #tpu.memory_space<vmem>> -> memref<1x128xi32, #tpu.memory_space<vmem>>
    %dma_wait3A_113 = tpu.memref_squeeze %dma_wait3A_112 : memref<1x128xi32, #tpu.memory_space<vmem>> -> memref<128xi32, #tpu.memory_space<vmem>>
    %dma_wait3A_114 = arith.constant 0 : i32
    %dma_wait3A_115 = arith.constant 0 : i32
    %dma_wait3A_116 = tpu.memref_slice %arg10[%dma_wait3A_114, %dma_wait3A_115] : memref<10240x32xf32, #tpu.memory_space<vmem_shared>> -> memref<10240x32xf32, #tpu.memory_space<vmem_shared>>
    tpu.wait_indirect_dma semaphore(%arg12 : memref<!tpu.dma_semaphore, #tpu.memory_space<semaphore_mem>>) src(%dma_wait3A_110 : memref<128x32xf32, #tpu.memory_space<vmem>>) dst(%dma_wait3A_116 : memref<10240x32xf32, #tpu.memory_space<vmem_shared>>)
    %barrier3A_117 = arith.constant 0 : index
    tpu.barrier barrier_id(%barrier3A_117)
    %mul3A_118 = arith.constant 640 : i32
    %mul3A_119 = arith.muli %arg1, %mul3A_118 : i32
    %mul3A_120 = arith.constant 640 : i32
    %mul3A_121 = arith.muli %arg1, %mul3A_120 : i32
    %mul3A_122 = arith.constant 32 : i32
    %mul3A_123 = arith.muli %arg0, %mul3A_122 : i32
    "tpu.region"() ({
      %run_scoped3A_124 = tpu.sem_alloc : memref<!tpu.dma_semaphore, #tpu.memory_space<semaphore_mem>>
      %dma_start3A_125 = tpu.memref_slice %arg5[%mul3A_121, %mul3A_123] : memref<10240x128xf32, #tpu.memory_space<hbm>> -> memref<640x32xf32, #tpu.memory_space<hbm>>
      %dma_start3A_126 = arith.constant 0 : i32
      %dma_start3A_127 = tpu.memref_slice %arg10[%mul3A_119, %dma_start3A_126] : memref<10240x32xf32, #tpu.memory_space<vmem_shared>> -> memref<640x32xf32, #tpu.memory_space<vmem_shared>>
      tpu.enqueue_dma source(%dma_start3A_127 : memref<640x32xf32, #tpu.memory_space<vmem_shared>>) target(%dma_start3A_125 : memref<640x32xf32, #tpu.memory_space<hbm>>) target_semaphore(%run_scoped3A_124 : memref<!tpu.dma_semaphore, #tpu.memory_space<semaphore_mem>>)
      %dma_wait3A_128 = tpu.memref_slice %arg5[%mul3A_121, %mul3A_123] : memref<10240x128xf32, #tpu.memory_space<hbm>> -> memref<640x32xf32, #tpu.memory_space<hbm>>
      %dma_wait3A_129 = arith.constant 0 : i32
      %dma_wait3A_130 = tpu.memref_slice %arg10[%mul3A_119, %dma_wait3A_129] : memref<10240x32xf32, #tpu.memory_space<vmem_shared>> -> memref<640x32xf32, #tpu.memory_space<vmem_shared>>
      tpu.wait_dma2 semaphore(%run_scoped3A_124 : memref<!tpu.dma_semaphore, #tpu.memory_space<semaphore_mem>>) src(%dma_wait3A_130 : memref<640x32xf32, #tpu.memory_space<vmem_shared>>) dst(%dma_wait3A_128 : memref<640x32xf32, #tpu.memory_space<hbm>>)
      tpu.yield
    }) : () -> ()
    return
  }
}

#map = affine_map<(d0, d1) -> (0, 0)>
#map1 = affine_map<(d0, d1) -> (0, 0, 0, 0)>
module attributes {stable_mosaic.version = 14 : i64} {
  func.func @_edgesum_body(%arg0: i32, %arg1: i32, %arg2: memref<10240x128xf32, #tpu.memory_space<hbm>>, %arg3: memref<2x16x160x128xi32, #tpu.memory_space<hbm>>, %arg4: memref<10240x32xf32, #tpu.memory_space<hbm>>, %arg5: memref<10240x128xf32, #tpu.memory_space<hbm>>, %arg6: memref<160x128xi32, #tpu.memory_space<vmem>>, %arg7: memref<160x128xi32, #tpu.memory_space<vmem>>, %arg8: memref<2x4x128x32xf32, #tpu.memory_space<vmem>>, %arg9: memref<10240x32xf32, #tpu.memory_space<vmem_shared>>, %arg10: memref<10240x32xf32, #tpu.memory_space<vmem_shared>>, %arg11: memref<!tpu.dma_semaphore, #tpu.memory_space<semaphore_mem>>, %arg12: memref<!tpu.dma_semaphore, #tpu.memory_space<semaphore_mem>>) attributes {dimension_semantics = [#tpu.dimension_semantics<core_parallel>, #tpu.dimension_semantics<subcore_parallel>], iteration_bounds = array<i64: 2, 16>, scalar_prefetch = 0 : i64, scratch_operands = 7 : i64, tpu.core_type = #tpu.core_type<sc_vector_subcore>, window_params = [{transform_indices = #map}, {transform_indices = #map1}, {transform_indices = #map}, {transform_indices = #map}]} {
    %run_scoped3A = arith.constant 0 : i32
    "tpu.region"() ({
      %run_scoped3A_124 = tpu.sem_alloc : memref<!tpu.dma_semaphore, #tpu.memory_space<semaphore_mem>>
      %dma_start3A_125 = arith.constant 0 : i32
      %dma_start3A_126 = arith.constant 0 : i32
      %dma_start3A_127 = tpu.memref_slice %arg3[%run_scoped3A, %arg1, %dma_start3A_125, %dma_start3A_126] : memref<2x16x160x128xi32, #tpu.memory_space<hbm>> -> memref<1x1x160x128xi32, #tpu.memory_space<hbm>>
      %dma_start3A_128 = tpu.memref_squeeze %dma_start3A_127 : memref<1x1x160x128xi32, #tpu.memory_space<hbm>> -> memref<160x128xi32, #tpu.memory_space<hbm>>
      %dma_start3A_129 = arith.constant 0 : i32
      %dma_start3A_130 = arith.constant 0 : i32
      %dma_start3A_131 = tpu.memref_slice %arg3[%run_scoped3A, %arg1, %dma_start3A_129, %dma_start3A_130] : memref<2x16x160x128xi32, #tpu.memory_space<hbm>> -> memref<1x1x160x128xi32, #tpu.memory_space<hbm>>
      %dma_start3A_132 = tpu.memref_squeeze %dma_start3A_131 : memref<1x1x160x128xi32, #tpu.memory_space<hbm>> -> memref<160x128xi32, #tpu.memory_space<hbm>>
      tpu.enqueue_dma source(%dma_start3A_132 : memref<160x128xi32, #tpu.memory_space<hbm>>) target(%arg6 : memref<160x128xi32, #tpu.memory_space<vmem>>) target_semaphore(%run_scoped3A_124 : memref<!tpu.dma_semaphore, #tpu.memory_space<semaphore_mem>>)
      %dma_wait3A_133 = arith.constant 0 : i32
      %dma_wait3A_134 = arith.constant 0 : i32
      %dma_wait3A_135 = tpu.memref_slice %arg3[%run_scoped3A, %arg1, %dma_wait3A_133, %dma_wait3A_134] : memref<2x16x160x128xi32, #tpu.memory_space<hbm>> -> memref<1x1x160x128xi32, #tpu.memory_space<hbm>>
      %dma_wait3A_136 = tpu.memref_squeeze %dma_wait3A_135 : memref<1x1x160x128xi32, #tpu.memory_space<hbm>> -> memref<160x128xi32, #tpu.memory_space<hbm>>
      %dma_wait3A_137 = arith.constant 0 : i32
      %dma_wait3A_138 = arith.constant 0 : i32
      %dma_wait3A_139 = tpu.memref_slice %arg3[%run_scoped3A, %arg1, %dma_wait3A_137, %dma_wait3A_138] : memref<2x16x160x128xi32, #tpu.memory_space<hbm>> -> memref<1x1x160x128xi32, #tpu.memory_space<hbm>>
      %dma_wait3A_140 = tpu.memref_squeeze %dma_wait3A_139 : memref<1x1x160x128xi32, #tpu.memory_space<hbm>> -> memref<160x128xi32, #tpu.memory_space<hbm>>
      tpu.wait_dma2 semaphore(%run_scoped3A_124 : memref<!tpu.dma_semaphore, #tpu.memory_space<semaphore_mem>>) src(%dma_wait3A_140 : memref<160x128xi32, #tpu.memory_space<hbm>>) dst(%arg6 : memref<160x128xi32, #tpu.memory_space<vmem>>)
      tpu.yield
    }) : () -> ()
    %run_scoped3A_0 = arith.constant 1 : i32
    "tpu.region"() ({
      %run_scoped3A_124 = tpu.sem_alloc : memref<!tpu.dma_semaphore, #tpu.memory_space<semaphore_mem>>
      %dma_start3A_125 = arith.constant 0 : i32
      %dma_start3A_126 = arith.constant 0 : i32
      %dma_start3A_127 = tpu.memref_slice %arg3[%run_scoped3A_0, %arg1, %dma_start3A_125, %dma_start3A_126] : memref<2x16x160x128xi32, #tpu.memory_space<hbm>> -> memref<1x1x160x128xi32, #tpu.memory_space<hbm>>
      %dma_start3A_128 = tpu.memref_squeeze %dma_start3A_127 : memref<1x1x160x128xi32, #tpu.memory_space<hbm>> -> memref<160x128xi32, #tpu.memory_space<hbm>>
      %dma_start3A_129 = arith.constant 0 : i32
      %dma_start3A_130 = arith.constant 0 : i32
      %dma_start3A_131 = tpu.memref_slice %arg3[%run_scoped3A_0, %arg1, %dma_start3A_129, %dma_start3A_130] : memref<2x16x160x128xi32, #tpu.memory_space<hbm>> -> memref<1x1x160x128xi32, #tpu.memory_space<hbm>>
      %dma_start3A_132 = tpu.memref_squeeze %dma_start3A_131 : memref<1x1x160x128xi32, #tpu.memory_space<hbm>> -> memref<160x128xi32, #tpu.memory_space<hbm>>
      tpu.enqueue_dma source(%dma_start3A_132 : memref<160x128xi32, #tpu.memory_space<hbm>>) target(%arg7 : memref<160x128xi32, #tpu.memory_space<vmem>>) target_semaphore(%run_scoped3A_124 : memref<!tpu.dma_semaphore, #tpu.memory_space<semaphore_mem>>)
      %dma_wait3A_133 = arith.constant 0 : i32
      %dma_wait3A_134 = arith.constant 0 : i32
      %dma_wait3A_135 = tpu.memref_slice %arg3[%run_scoped3A_0, %arg1, %dma_wait3A_133, %dma_wait3A_134] : memref<2x16x160x128xi32, #tpu.memory_space<hbm>> -> memref<1x1x160x128xi32, #tpu.memory_space<hbm>>
      %dma_wait3A_136 = tpu.memref_squeeze %dma_wait3A_135 : memref<1x1x160x128xi32, #tpu.memory_space<hbm>> -> memref<160x128xi32, #tpu.memory_space<hbm>>
      %dma_wait3A_137 = arith.constant 0 : i32
      %dma_wait3A_138 = arith.constant 0 : i32
      %dma_wait3A_139 = tpu.memref_slice %arg3[%run_scoped3A_0, %arg1, %dma_wait3A_137, %dma_wait3A_138] : memref<2x16x160x128xi32, #tpu.memory_space<hbm>> -> memref<1x1x160x128xi32, #tpu.memory_space<hbm>>
      %dma_wait3A_140 = tpu.memref_squeeze %dma_wait3A_139 : memref<1x1x160x128xi32, #tpu.memory_space<hbm>> -> memref<160x128xi32, #tpu.memory_space<hbm>>
      tpu.wait_dma2 semaphore(%run_scoped3A_124 : memref<!tpu.dma_semaphore, #tpu.memory_space<semaphore_mem>>) src(%dma_wait3A_140 : memref<160x128xi32, #tpu.memory_space<hbm>>) dst(%arg7 : memref<160x128xi32, #tpu.memory_space<vmem>>)
      tpu.yield
    }) : () -> ()
    %mul3A = arith.constant 640 : i32
    %mul3A_1 = arith.muli %arg1, %mul3A : i32
    %mul3A_2 = arith.constant 640 : i32
    %mul3A_3 = arith.muli %arg1, %mul3A_2 : i32
    "tpu.region"() ({
      %run_scoped3A_124 = tpu.sem_alloc : memref<!tpu.dma_semaphore, #tpu.memory_space<semaphore_mem>>
      %dma_start3A_125 = arith.constant 0 : i32
      %dma_start3A_126 = tpu.memref_slice %arg10[%mul3A_3, %dma_start3A_125] : memref<10240x32xf32, #tpu.memory_space<vmem_shared>> -> memref<640x32xf32, #tpu.memory_space<vmem_shared>>
      %dma_start3A_127 = arith.constant 0 : i32
      %dma_start3A_128 = tpu.memref_slice %arg4[%mul3A_1, %dma_start3A_127] : memref<10240x32xf32, #tpu.memory_space<hbm>> -> memref<640x32xf32, #tpu.memory_space<hbm>>
      tpu.enqueue_dma source(%dma_start3A_128 : memref<640x32xf32, #tpu.memory_space<hbm>>) target(%dma_start3A_126 : memref<640x32xf32, #tpu.memory_space<vmem_shared>>) target_semaphore(%run_scoped3A_124 : memref<!tpu.dma_semaphore, #tpu.memory_space<semaphore_mem>>)
      %dma_wait3A_129 = arith.constant 0 : i32
      %dma_wait3A_130 = tpu.memref_slice %arg10[%mul3A_3, %dma_wait3A_129] : memref<10240x32xf32, #tpu.memory_space<vmem_shared>> -> memref<640x32xf32, #tpu.memory_space<vmem_shared>>
      %dma_wait3A_131 = arith.constant 0 : i32
      %dma_wait3A_132 = tpu.memref_slice %arg4[%mul3A_1, %dma_wait3A_131] : memref<10240x32xf32, #tpu.memory_space<hbm>> -> memref<640x32xf32, #tpu.memory_space<hbm>>
      tpu.wait_dma2 semaphore(%run_scoped3A_124 : memref<!tpu.dma_semaphore, #tpu.memory_space<semaphore_mem>>) src(%dma_wait3A_132 : memref<640x32xf32, #tpu.memory_space<hbm>>) dst(%dma_wait3A_130 : memref<640x32xf32, #tpu.memory_space<vmem_shared>>)
      tpu.yield
    }) : () -> ()
    %mul3A_4 = arith.constant 640 : i32
    %mul3A_5 = arith.muli %arg1, %mul3A_4 : i32
    %mul3A_6 = arith.constant 32 : i32
    %mul3A_7 = arith.muli %arg0, %mul3A_6 : i32
    %mul3A_8 = arith.constant 640 : i32
    %mul3A_9 = arith.muli %arg1, %mul3A_8 : i32
    "tpu.region"() ({
      %run_scoped3A_124 = tpu.sem_alloc : memref<!tpu.dma_semaphore, #tpu.memory_space<semaphore_mem>>
      %dma_start3A_125 = arith.constant 0 : i32
      %dma_start3A_126 = tpu.memref_slice %arg9[%mul3A_9, %dma_start3A_125] : memref<10240x32xf32, #tpu.memory_space<vmem_shared>> -> memref<640x32xf32, #tpu.memory_space<vmem_shared>>
      %dma_start3A_127 = tpu.memref_slice %arg2[%mul3A_5, %mul3A_7] : memref<10240x128xf32, #tpu.memory_space<hbm>> -> memref<640x32xf32, #tpu.memory_space<hbm>>
      tpu.enqueue_dma source(%dma_start3A_127 : memref<640x32xf32, #tpu.memory_space<hbm>>) target(%dma_start3A_126 : memref<640x32xf32, #tpu.memory_space<vmem_shared>>) target_semaphore(%run_scoped3A_124 : memref<!tpu.dma_semaphore, #tpu.memory_space<semaphore_mem>>)
      %dma_wait3A_128 = arith.constant 0 : i32
      %dma_wait3A_129 = tpu.memref_slice %arg9[%mul3A_9, %dma_wait3A_128] : memref<10240x32xf32, #tpu.memory_space<vmem_shared>> -> memref<640x32xf32, #tpu.memory_space<vmem_shared>>
      %dma_wait3A_130 = tpu.memref_slice %arg2[%mul3A_5, %mul3A_7] : memref<10240x128xf32, #tpu.memory_space<hbm>> -> memref<640x32xf32, #tpu.memory_space<hbm>>
      tpu.wait_dma2 semaphore(%run_scoped3A_124 : memref<!tpu.dma_semaphore, #tpu.memory_space<semaphore_mem>>) src(%dma_wait3A_130 : memref<640x32xf32, #tpu.memory_space<hbm>>) dst(%dma_wait3A_129 : memref<640x32xf32, #tpu.memory_space<vmem_shared>>)
      tpu.yield
    }) : () -> ()
    %barrier3A = arith.constant 0 : index
    tpu.barrier barrier_id(%barrier3A)
    %dma_start3A = arith.constant 0 : i32
    %dma_start3A_10 = arith.constant 0 : i32
    %dma_start3A_11 = arith.constant 0 : i32
    %dma_start3A_12 = arith.constant 0 : i32
    %dma_start3A_13 = arith.constant 0 : i32
    %dma_start3A_14 = tpu.memref_slice %arg8[%dma_start3A_10, %dma_start3A_11, %dma_start3A_12, %dma_start3A_13] : memref<2x4x128x32xf32, #tpu.memory_space<vmem>> -> memref<1x1x128x32xf32, #tpu.memory_space<vmem>>
    %dma_start3A_15 = tpu.memref_squeeze %dma_start3A_14 : memref<1x1x128x32xf32, #tpu.memory_space<vmem>> -> memref<128x32xf32, #tpu.memory_space<vmem>>
    %dma_start3A_16 = arith.constant 0 : i32
    %dma_start3A_17 = tpu.memref_slice %arg6[%dma_start3A, %dma_start3A_16] : memref<160x128xi32, #tpu.memory_space<vmem>> -> memref<1x128xi32, #tpu.memory_space<vmem>>
    %dma_start3A_18 = tpu.memref_squeeze %dma_start3A_17 : memref<1x128xi32, #tpu.memory_space<vmem>> -> memref<128xi32, #tpu.memory_space<vmem>>
    %dma_start3A_19 = arith.constant 0 : i32
    %dma_start3A_20 = arith.constant 0 : i32
    %dma_start3A_21 = tpu.memref_slice %arg9[%dma_start3A_19, %dma_start3A_20] : memref<10240x32xf32, #tpu.memory_space<vmem_shared>> -> memref<10240x32xf32, #tpu.memory_space<vmem_shared>>
    tpu.enqueue_indirect_dma source(%dma_start3A_21 : memref<10240x32xf32, #tpu.memory_space<vmem_shared>>) target(%dma_start3A_15 : memref<128x32xf32, #tpu.memory_space<vmem>>) offsets(%dma_start3A_18 : memref<128xi32, #tpu.memory_space<vmem>>) semaphore(%arg11 : memref<!tpu.dma_semaphore, #tpu.memory_space<semaphore_mem>>)
    %dma_start3A_22 = arith.constant 1 : i32
    %dma_start3A_23 = arith.constant 0 : i32
    %dma_start3A_24 = arith.constant 1 : i32
    %dma_start3A_25 = arith.constant 0 : i32
    %dma_start3A_26 = arith.constant 0 : i32
    %dma_start3A_27 = tpu.memref_slice %arg8[%dma_start3A_23, %dma_start3A_24, %dma_start3A_25, %dma_start3A_26] : memref<2x4x128x32xf32, #tpu.memory_space<vmem>> -> memref<1x1x128x32xf32, #tpu.memory_space<vmem>>
    %dma_start3A_28 = tpu.memref_squeeze %dma_start3A_27 : memref<1x1x128x32xf32, #tpu.memory_space<vmem>> -> memref<128x32xf32, #tpu.memory_space<vmem>>
    %dma_start3A_29 = arith.constant 0 : i32
    %dma_start3A_30 = tpu.memref_slice %arg6[%dma_start3A_22, %dma_start3A_29] : memref<160x128xi32, #tpu.memory_space<vmem>> -> memref<1x128xi32, #tpu.memory_space<vmem>>
    %dma_start3A_31 = tpu.memref_squeeze %dma_start3A_30 : memref<1x128xi32, #tpu.memory_space<vmem>> -> memref<128xi32, #tpu.memory_space<vmem>>
    %dma_start3A_32 = arith.constant 0 : i32
    %dma_start3A_33 = arith.constant 0 : i32
    %dma_start3A_34 = tpu.memref_slice %arg9[%dma_start3A_32, %dma_start3A_33] : memref<10240x32xf32, #tpu.memory_space<vmem_shared>> -> memref<10240x32xf32, #tpu.memory_space<vmem_shared>>
    tpu.enqueue_indirect_dma source(%dma_start3A_34 : memref<10240x32xf32, #tpu.memory_space<vmem_shared>>) target(%dma_start3A_28 : memref<128x32xf32, #tpu.memory_space<vmem>>) offsets(%dma_start3A_31 : memref<128xi32, #tpu.memory_space<vmem>>) semaphore(%arg11 : memref<!tpu.dma_semaphore, #tpu.memory_space<semaphore_mem>>)
    %dma_start3A_35 = arith.constant 2 : i32
    %dma_start3A_36 = arith.constant 0 : i32
    %dma_start3A_37 = arith.constant 2 : i32
    %dma_start3A_38 = arith.constant 0 : i32
    %dma_start3A_39 = arith.constant 0 : i32
    %dma_start3A_40 = tpu.memref_slice %arg8[%dma_start3A_36, %dma_start3A_37, %dma_start3A_38, %dma_start3A_39] : memref<2x4x128x32xf32, #tpu.memory_space<vmem>> -> memref<1x1x128x32xf32, #tpu.memory_space<vmem>>
    %dma_start3A_41 = tpu.memref_squeeze %dma_start3A_40 : memref<1x1x128x32xf32, #tpu.memory_space<vmem>> -> memref<128x32xf32, #tpu.memory_space<vmem>>
    %dma_start3A_42 = arith.constant 0 : i32
    %dma_start3A_43 = tpu.memref_slice %arg6[%dma_start3A_35, %dma_start3A_42] : memref<160x128xi32, #tpu.memory_space<vmem>> -> memref<1x128xi32, #tpu.memory_space<vmem>>
    %dma_start3A_44 = tpu.memref_squeeze %dma_start3A_43 : memref<1x128xi32, #tpu.memory_space<vmem>> -> memref<128xi32, #tpu.memory_space<vmem>>
    %dma_start3A_45 = arith.constant 0 : i32
    %dma_start3A_46 = arith.constant 0 : i32
    %dma_start3A_47 = tpu.memref_slice %arg9[%dma_start3A_45, %dma_start3A_46] : memref<10240x32xf32, #tpu.memory_space<vmem_shared>> -> memref<10240x32xf32, #tpu.memory_space<vmem_shared>>
    tpu.enqueue_indirect_dma source(%dma_start3A_47 : memref<10240x32xf32, #tpu.memory_space<vmem_shared>>) target(%dma_start3A_41 : memref<128x32xf32, #tpu.memory_space<vmem>>) offsets(%dma_start3A_44 : memref<128xi32, #tpu.memory_space<vmem>>) semaphore(%arg11 : memref<!tpu.dma_semaphore, #tpu.memory_space<semaphore_mem>>)
    %dma_start3A_48 = arith.constant 3 : i32
    %dma_start3A_49 = arith.constant 0 : i32
    %dma_start3A_50 = arith.constant 3 : i32
    %dma_start3A_51 = arith.constant 0 : i32
    %dma_start3A_52 = arith.constant 0 : i32
    %dma_start3A_53 = tpu.memref_slice %arg8[%dma_start3A_49, %dma_start3A_50, %dma_start3A_51, %dma_start3A_52] : memref<2x4x128x32xf32, #tpu.memory_space<vmem>> -> memref<1x1x128x32xf32, #tpu.memory_space<vmem>>
    %dma_start3A_54 = tpu.memref_squeeze %dma_start3A_53 : memref<1x1x128x32xf32, #tpu.memory_space<vmem>> -> memref<128x32xf32, #tpu.memory_space<vmem>>
    %dma_start3A_55 = arith.constant 0 : i32
    %dma_start3A_56 = tpu.memref_slice %arg6[%dma_start3A_48, %dma_start3A_55] : memref<160x128xi32, #tpu.memory_space<vmem>> -> memref<1x128xi32, #tpu.memory_space<vmem>>
    %dma_start3A_57 = tpu.memref_squeeze %dma_start3A_56 : memref<1x128xi32, #tpu.memory_space<vmem>> -> memref<128xi32, #tpu.memory_space<vmem>>
    %dma_start3A_58 = arith.constant 0 : i32
    %dma_start3A_59 = arith.constant 0 : i32
    %dma_start3A_60 = tpu.memref_slice %arg9[%dma_start3A_58, %dma_start3A_59] : memref<10240x32xf32, #tpu.memory_space<vmem_shared>> -> memref<10240x32xf32, #tpu.memory_space<vmem_shared>>
    tpu.enqueue_indirect_dma source(%dma_start3A_60 : memref<10240x32xf32, #tpu.memory_space<vmem_shared>>) target(%dma_start3A_54 : memref<128x32xf32, #tpu.memory_space<vmem>>) offsets(%dma_start3A_57 : memref<128xi32, #tpu.memory_space<vmem>>) semaphore(%arg11 : memref<!tpu.dma_semaphore, #tpu.memory_space<semaphore_mem>>)
    %scan3A = arith.constant 0 : i32
    %scan3A_61 = arith.constant 0 : i32
    %scan3A_62 = arith.constant 40 : i32
    %scan3A_63 = arith.addi %scan3A_61, %scan3A_62 : i32
    %scan3A_64 = arith.constant 1 : i32
    scf.for %scan3A_124 = %scan3A_61 to %scan3A_63 step %scan3A_64  : i32 {
      %add3A = arith.constant 1 : i32
      %add3A_125 = arith.addi %scan3A_124, %add3A : i32
      %gt3A = arith.constant 0 : i32
      %gt3A_126 = arith.cmpi sgt, %scan3A_124, %gt3A : i32
      %convert_element_type3A = arith.extui %gt3A_126 : i1 to i32
      %cond3A = arith.constant 0 : i32
      %cond3A_127 = arith.cmpi ne, %convert_element_type3A, %cond3A : i32
      scf.if %cond3A_127 {
        %dma_wait3A_362 = arith.constant 0 : i32
        %dma_wait3A_363 = arith.constant 0 : i32
        %dma_wait3A_364 = arith.constant 0 : i32
        %dma_wait3A_365 = arith.constant 0 : i32
        %dma_wait3A_366 = arith.constant 0 : i32
        %dma_wait3A_367 = tpu.memref_slice %arg8[%dma_wait3A_362, %dma_wait3A_363, %dma_wait3A_365, %dma_wait3A_366] : memref<2x4x128x32xf32, #tpu.memory_space<vmem>> -> memref<1x1x128x32xf32, #tpu.memory_space<vmem>>
        %dma_wait3A_368 = tpu.memref_squeeze %dma_wait3A_367 : memref<1x1x128x32xf32, #tpu.memory_space<vmem>> -> memref<128x32xf32, #tpu.memory_space<vmem>>
        %dma_wait3A_369 = arith.constant 0 : i32
        %dma_wait3A_370 = tpu.memref_slice %arg7[%dma_wait3A_364, %dma_wait3A_369] : memref<160x128xi32, #tpu.memory_space<vmem>> -> memref<1x128xi32, #tpu.memory_space<vmem>>
        %dma_wait3A_371 = tpu.memref_squeeze %dma_wait3A_370 : memref<1x128xi32, #tpu.memory_space<vmem>> -> memref<128xi32, #tpu.memory_space<vmem>>
        %dma_wait3A_372 = arith.constant 0 : i32
        %dma_wait3A_373 = arith.constant 0 : i32
        %dma_wait3A_374 = tpu.memref_slice %arg10[%dma_wait3A_372, %dma_wait3A_373] : memref<10240x32xf32, #tpu.memory_space<vmem_shared>> -> memref<10240x32xf32, #tpu.memory_space<vmem_shared>>
        tpu.wait_indirect_dma semaphore(%arg12 : memref<!tpu.dma_semaphore, #tpu.memory_space<semaphore_mem>>) src(%dma_wait3A_368 : memref<128x32xf32, #tpu.memory_space<vmem>>) dst(%dma_wait3A_374 : memref<10240x32xf32, #tpu.memory_space<vmem_shared>>)
        %dma_wait3A_375 = arith.constant 0 : i32
        %dma_wait3A_376 = arith.constant 1 : i32
        %dma_wait3A_377 = arith.constant 0 : i32
        %dma_wait3A_378 = arith.constant 0 : i32
        %dma_wait3A_379 = arith.constant 0 : i32
        %dma_wait3A_380 = tpu.memref_slice %arg8[%dma_wait3A_375, %dma_wait3A_376, %dma_wait3A_378, %dma_wait3A_379] : memref<2x4x128x32xf32, #tpu.memory_space<vmem>> -> memref<1x1x128x32xf32, #tpu.memory_space<vmem>>
        %dma_wait3A_381 = tpu.memref_squeeze %dma_wait3A_380 : memref<1x1x128x32xf32, #tpu.memory_space<vmem>> -> memref<128x32xf32, #tpu.memory_space<vmem>>
        %dma_wait3A_382 = arith.constant 0 : i32
        %dma_wait3A_383 = tpu.memref_slice %arg7[%dma_wait3A_377, %dma_wait3A_382] : memref<160x128xi32, #tpu.memory_space<vmem>> -> memref<1x128xi32, #tpu.memory_space<vmem>>
        %dma_wait3A_384 = tpu.memref_squeeze %dma_wait3A_383 : memref<1x128xi32, #tpu.memory_space<vmem>> -> memref<128xi32, #tpu.memory_space<vmem>>
        %dma_wait3A_385 = arith.constant 0 : i32
        %dma_wait3A_386 = arith.constant 0 : i32
        %dma_wait3A_387 = tpu.memref_slice %arg10[%dma_wait3A_385, %dma_wait3A_386] : memref<10240x32xf32, #tpu.memory_space<vmem_shared>> -> memref<10240x32xf32, #tpu.memory_space<vmem_shared>>
        tpu.wait_indirect_dma semaphore(%arg12 : memref<!tpu.dma_semaphore, #tpu.memory_space<semaphore_mem>>) src(%dma_wait3A_381 : memref<128x32xf32, #tpu.memory_space<vmem>>) dst(%dma_wait3A_387 : memref<10240x32xf32, #tpu.memory_space<vmem_shared>>)
        %dma_wait3A_388 = arith.constant 0 : i32
        %dma_wait3A_389 = arith.constant 2 : i32
        %dma_wait3A_390 = arith.constant 0 : i32
        %dma_wait3A_391 = arith.constant 0 : i32
        %dma_wait3A_392 = arith.constant 0 : i32
        %dma_wait3A_393 = tpu.memref_slice %arg8[%dma_wait3A_388, %dma_wait3A_389, %dma_wait3A_391, %dma_wait3A_392] : memref<2x4x128x32xf32, #tpu.memory_space<vmem>> -> memref<1x1x128x32xf32, #tpu.memory_space<vmem>>
        %dma_wait3A_394 = tpu.memref_squeeze %dma_wait3A_393 : memref<1x1x128x32xf32, #tpu.memory_space<vmem>> -> memref<128x32xf32, #tpu.memory_space<vmem>>
        %dma_wait3A_395 = arith.constant 0 : i32
        %dma_wait3A_396 = tpu.memref_slice %arg7[%dma_wait3A_390, %dma_wait3A_395] : memref<160x128xi32, #tpu.memory_space<vmem>> -> memref<1x128xi32, #tpu.memory_space<vmem>>
        %dma_wait3A_397 = tpu.memref_squeeze %dma_wait3A_396 : memref<1x128xi32, #tpu.memory_space<vmem>> -> memref<128xi32, #tpu.memory_space<vmem>>
        %dma_wait3A_398 = arith.constant 0 : i32
        %dma_wait3A_399 = arith.constant 0 : i32
        %dma_wait3A_400 = tpu.memref_slice %arg10[%dma_wait3A_398, %dma_wait3A_399] : memref<10240x32xf32, #tpu.memory_space<vmem_shared>> -> memref<10240x32xf32, #tpu.memory_space<vmem_shared>>
        tpu.wait_indirect_dma semaphore(%arg12 : memref<!tpu.dma_semaphore, #tpu.memory_space<semaphore_mem>>) src(%dma_wait3A_394 : memref<128x32xf32, #tpu.memory_space<vmem>>) dst(%dma_wait3A_400 : memref<10240x32xf32, #tpu.memory_space<vmem_shared>>)
        %dma_wait3A_401 = arith.constant 0 : i32
        %dma_wait3A_402 = arith.constant 3 : i32
        %dma_wait3A_403 = arith.constant 0 : i32
        %dma_wait3A_404 = arith.constant 0 : i32
        %dma_wait3A_405 = arith.constant 0 : i32
        %dma_wait3A_406 = tpu.memref_slice %arg8[%dma_wait3A_401, %dma_wait3A_402, %dma_wait3A_404, %dma_wait3A_405] : memref<2x4x128x32xf32, #tpu.memory_space<vmem>> -> memref<1x1x128x32xf32, #tpu.memory_space<vmem>>
        %dma_wait3A_407 = tpu.memref_squeeze %dma_wait3A_406 : memref<1x1x128x32xf32, #tpu.memory_space<vmem>> -> memref<128x32xf32, #tpu.memory_space<vmem>>
        %dma_wait3A_408 = arith.constant 0 : i32
        %dma_wait3A_409 = tpu.memref_slice %arg7[%dma_wait3A_403, %dma_wait3A_408] : memref<160x128xi32, #tpu.memory_space<vmem>> -> memref<1x128xi32, #tpu.memory_space<vmem>>
        %dma_wait3A_410 = tpu.memref_squeeze %dma_wait3A_409 : memref<1x128xi32, #tpu.memory_space<vmem>> -> memref<128xi32, #tpu.memory_space<vmem>>
        %dma_wait3A_411 = arith.constant 0 : i32
        %dma_wait3A_412 = arith.constant 0 : i32
        %dma_wait3A_413 = tpu.memref_slice %arg10[%dma_wait3A_411, %dma_wait3A_412] : memref<10240x32xf32, #tpu.memory_space<vmem_shared>> -> memref<10240x32xf32, #tpu.memory_space<vmem_shared>>
        tpu.wait_indirect_dma semaphore(%arg12 : memref<!tpu.dma_semaphore, #tpu.memory_space<semaphore_mem>>) src(%dma_wait3A_407 : memref<128x32xf32, #tpu.memory_space<vmem>>) dst(%dma_wait3A_413 : memref<10240x32xf32, #tpu.memory_space<vmem_shared>>)
      } else {
      }
      %lt3A = arith.constant 40 : i32
      %lt3A_128 = arith.cmpi slt, %add3A_125, %lt3A : i32
      %convert_element_type3A_129 = arith.extui %lt3A_128 : i1 to i32
      %cond3A_130 = arith.constant 0 : i32
      %cond3A_131 = arith.cmpi ne, %convert_element_type3A_129, %cond3A_130 : i32
      scf.if %cond3A_131 {
        %jit3A_362 = arith.constant 2 : i32
        %eq3A_363 = arith.constant 0 : i32
        %eq3A_364 = arith.cmpi eq, %jit3A_362, %eq3A_363 : i32
        %jit3A_365 = arith.constant 1 : i32
        %select_n3A_366 = arith.select %eq3A_364, %jit3A_365, %jit3A_362 : i32
        %rem3A_367 = arith.remsi %add3A_125, %select_n3A_366 : i32
        %ne3A_368 = arith.constant 0 : i32
        %ne3A_369 = arith.cmpi ne, %rem3A_367, %ne3A_368 : i32
        %lt3A_370 = arith.constant 0 : i32
        %lt3A_371 = arith.cmpi slt, %rem3A_367, %lt3A_370 : i32
        %lt3A_372 = arith.constant 0 : i32
        %lt3A_373 = arith.cmpi slt, %select_n3A_366, %lt3A_372 : i32
        %ne3A_374 = arith.xori %lt3A_371, %lt3A_373 : i1
        %and3A_375 = arith.andi %ne3A_374, %ne3A_369 : i1
        %add3A_376 = arith.addi %rem3A_367, %select_n3A_366 : i32
        %select_n3A_377 = arith.select %and3A_375, %add3A_376, %rem3A_367 : i32
        %mul3A_378 = arith.constant 4 : i32
        %mul3A_379 = arith.muli %add3A_125, %mul3A_378 : i32
        %add3A_380 = arith.constant 0 : i32
        %add3A_381 = arith.addi %mul3A_379, %add3A_380 : i32
        %dma_start3A_382 = arith.constant 0 : i32
        %dma_start3A_383 = arith.constant 0 : i32
        %dma_start3A_384 = arith.constant 0 : i32
        %dma_start3A_385 = tpu.memref_slice %arg8[%select_n3A_377, %dma_start3A_382, %dma_start3A_383, %dma_start3A_384] : memref<2x4x128x32xf32, #tpu.memory_space<vmem>> -> memref<1x1x128x32xf32, #tpu.memory_space<vmem>>
        %dma_start3A_386 = tpu.memref_squeeze %dma_start3A_385 : memref<1x1x128x32xf32, #tpu.memory_space<vmem>> -> memref<128x32xf32, #tpu.memory_space<vmem>>
        %dma_start3A_387 = arith.constant 0 : i32
        %dma_start3A_388 = tpu.memref_slice %arg6[%add3A_381, %dma_start3A_387] : memref<160x128xi32, #tpu.memory_space<vmem>> -> memref<1x128xi32, #tpu.memory_space<vmem>>
        %dma_start3A_389 = tpu.memref_squeeze %dma_start3A_388 : memref<1x128xi32, #tpu.memory_space<vmem>> -> memref<128xi32, #tpu.memory_space<vmem>>
        %dma_start3A_390 = arith.constant 0 : i32
        %dma_start3A_391 = arith.constant 0 : i32
        %dma_start3A_392 = tpu.memref_slice %arg9[%dma_start3A_390, %dma_start3A_391] : memref<10240x32xf32, #tpu.memory_space<vmem_shared>> -> memref<10240x32xf32, #tpu.memory_space<vmem_shared>>
        tpu.enqueue_indirect_dma source(%dma_start3A_392 : memref<10240x32xf32, #tpu.memory_space<vmem_shared>>) target(%dma_start3A_386 : memref<128x32xf32, #tpu.memory_space<vmem>>) offsets(%dma_start3A_389 : memref<128xi32, #tpu.memory_space<vmem>>) semaphore(%arg11 : memref<!tpu.dma_semaphore, #tpu.memory_space<semaphore_mem>>)
        %mul3A_393 = arith.constant 4 : i32
        %mul3A_394 = arith.muli %add3A_125, %mul3A_393 : i32
        %add3A_395 = arith.constant 1 : i32
        %add3A_396 = arith.addi %mul3A_394, %add3A_395 : i32
        %dma_start3A_397 = arith.constant 1 : i32
        %dma_start3A_398 = arith.constant 0 : i32
        %dma_start3A_399 = arith.constant 0 : i32
        %dma_start3A_400 = tpu.memref_slice %arg8[%select_n3A_377, %dma_start3A_397, %dma_start3A_398, %dma_start3A_399] : memref<2x4x128x32xf32, #tpu.memory_space<vmem>> -> memref<1x1x128x32xf32, #tpu.memory_space<vmem>>
        %dma_start3A_401 = tpu.memref_squeeze %dma_start3A_400 : memref<1x1x128x32xf32, #tpu.memory_space<vmem>> -> memref<128x32xf32, #tpu.memory_space<vmem>>
        %dma_start3A_402 = arith.constant 0 : i32
        %dma_start3A_403 = tpu.memref_slice %arg6[%add3A_396, %dma_start3A_402] : memref<160x128xi32, #tpu.memory_space<vmem>> -> memref<1x128xi32, #tpu.memory_space<vmem>>
        %dma_start3A_404 = tpu.memref_squeeze %dma_start3A_403 : memref<1x128xi32, #tpu.memory_space<vmem>> -> memref<128xi32, #tpu.memory_space<vmem>>
        %dma_start3A_405 = arith.constant 0 : i32
        %dma_start3A_406 = arith.constant 0 : i32
        %dma_start3A_407 = tpu.memref_slice %arg9[%dma_start3A_405, %dma_start3A_406] : memref<10240x32xf32, #tpu.memory_space<vmem_shared>> -> memref<10240x32xf32, #tpu.memory_space<vmem_shared>>
        tpu.enqueue_indirect_dma source(%dma_start3A_407 : memref<10240x32xf32, #tpu.memory_space<vmem_shared>>) target(%dma_start3A_401 : memref<128x32xf32, #tpu.memory_space<vmem>>) offsets(%dma_start3A_404 : memref<128xi32, #tpu.memory_space<vmem>>) semaphore(%arg11 : memref<!tpu.dma_semaphore, #tpu.memory_space<semaphore_mem>>)
        %mul3A_408 = arith.constant 4 : i32
        %mul3A_409 = arith.muli %add3A_125, %mul3A_408 : i32
        %add3A_410 = arith.constant 2 : i32
        %add3A_411 = arith.addi %mul3A_409, %add3A_410 : i32
        %dma_start3A_412 = arith.constant 2 : i32
        %dma_start3A_413 = arith.constant 0 : i32
        %dma_start3A_414 = arith.constant 0 : i32
        %dma_start3A_415 = tpu.memref_slice %arg8[%select_n3A_377, %dma_start3A_412, %dma_start3A_413, %dma_start3A_414] : memref<2x4x128x32xf32, #tpu.memory_space<vmem>> -> memref<1x1x128x32xf32, #tpu.memory_space<vmem>>
        %dma_start3A_416 = tpu.memref_squeeze %dma_start3A_415 : memref<1x1x128x32xf32, #tpu.memory_space<vmem>> -> memref<128x32xf32, #tpu.memory_space<vmem>>
        %dma_start3A_417 = arith.constant 0 : i32
        %dma_start3A_418 = tpu.memref_slice %arg6[%add3A_411, %dma_start3A_417] : memref<160x128xi32, #tpu.memory_space<vmem>> -> memref<1x128xi32, #tpu.memory_space<vmem>>
        %dma_start3A_419 = tpu.memref_squeeze %dma_start3A_418 : memref<1x128xi32, #tpu.memory_space<vmem>> -> memref<128xi32, #tpu.memory_space<vmem>>
        %dma_start3A_420 = arith.constant 0 : i32
        %dma_start3A_421 = arith.constant 0 : i32
        %dma_start3A_422 = tpu.memref_slice %arg9[%dma_start3A_420, %dma_start3A_421] : memref<10240x32xf32, #tpu.memory_space<vmem_shared>> -> memref<10240x32xf32, #tpu.memory_space<vmem_shared>>
        tpu.enqueue_indirect_dma source(%dma_start3A_422 : memref<10240x32xf32, #tpu.memory_space<vmem_shared>>) target(%dma_start3A_416 : memref<128x32xf32, #tpu.memory_space<vmem>>) offsets(%dma_start3A_419 : memref<128xi32, #tpu.memory_space<vmem>>) semaphore(%arg11 : memref<!tpu.dma_semaphore, #tpu.memory_space<semaphore_mem>>)
        %mul3A_423 = arith.constant 4 : i32
        %mul3A_424 = arith.muli %add3A_125, %mul3A_423 : i32
        %add3A_425 = arith.constant 3 : i32
        %add3A_426 = arith.addi %mul3A_424, %add3A_425 : i32
        %dma_start3A_427 = arith.constant 3 : i32
        %dma_start3A_428 = arith.constant 0 : i32
        %dma_start3A_429 = arith.constant 0 : i32
        %dma_start3A_430 = tpu.memref_slice %arg8[%select_n3A_377, %dma_start3A_427, %dma_start3A_428, %dma_start3A_429] : memref<2x4x128x32xf32, #tpu.memory_space<vmem>> -> memref<1x1x128x32xf32, #tpu.memory_space<vmem>>
        %dma_start3A_431 = tpu.memref_squeeze %dma_start3A_430 : memref<1x1x128x32xf32, #tpu.memory_space<vmem>> -> memref<128x32xf32, #tpu.memory_space<vmem>>
        %dma_start3A_432 = arith.constant 0 : i32
        %dma_start3A_433 = tpu.memref_slice %arg6[%add3A_426, %dma_start3A_432] : memref<160x128xi32, #tpu.memory_space<vmem>> -> memref<1x128xi32, #tpu.memory_space<vmem>>
        %dma_start3A_434 = tpu.memref_squeeze %dma_start3A_433 : memref<1x128xi32, #tpu.memory_space<vmem>> -> memref<128xi32, #tpu.memory_space<vmem>>
        %dma_start3A_435 = arith.constant 0 : i32
        %dma_start3A_436 = arith.constant 0 : i32
        %dma_start3A_437 = tpu.memref_slice %arg9[%dma_start3A_435, %dma_start3A_436] : memref<10240x32xf32, #tpu.memory_space<vmem_shared>> -> memref<10240x32xf32, #tpu.memory_space<vmem_shared>>
        tpu.enqueue_indirect_dma source(%dma_start3A_437 : memref<10240x32xf32, #tpu.memory_space<vmem_shared>>) target(%dma_start3A_431 : memref<128x32xf32, #tpu.memory_space<vmem>>) offsets(%dma_start3A_434 : memref<128xi32, #tpu.memory_space<vmem>>) semaphore(%arg11 : memref<!tpu.dma_semaphore, #tpu.memory_space<semaphore_mem>>)
      } else {
      }
      %jit3A = arith.constant 2 : i32
      %eq3A = arith.constant 0 : i32
      %eq3A_132 = arith.cmpi eq, %jit3A, %eq3A : i32
      %jit3A_133 = arith.constant 1 : i32
      %select_n3A = arith.select %eq3A_132, %jit3A_133, %jit3A : i32
      %rem3A = arith.remsi %scan3A_124, %select_n3A : i32
      %ne3A = arith.constant 0 : i32
      %ne3A_134 = arith.cmpi ne, %rem3A, %ne3A : i32
      %lt3A_135 = arith.constant 0 : i32
      %lt3A_136 = arith.cmpi slt, %rem3A, %lt3A_135 : i32
      %lt3A_137 = arith.constant 0 : i32
      %lt3A_138 = arith.cmpi slt, %select_n3A, %lt3A_137 : i32
      %ne3A_139 = arith.xori %lt3A_136, %lt3A_138 : i1
      %and3A = arith.andi %ne3A_139, %ne3A_134 : i1
      %add3A_140 = arith.addi %rem3A, %select_n3A : i32
      %select_n3A_141 = arith.select %and3A, %add3A_140, %rem3A : i32
      %dma_wait3A_142 = arith.constant 0 : i32
      %dma_wait3A_143 = arith.constant 0 : i32
      %dma_wait3A_144 = arith.constant 0 : i32
      %dma_wait3A_145 = arith.constant 0 : i32
      %dma_wait3A_146 = tpu.memref_slice %arg8[%select_n3A_141, %dma_wait3A_143, %dma_wait3A_144, %dma_wait3A_145] : memref<2x4x128x32xf32, #tpu.memory_space<vmem>> -> memref<1x1x128x32xf32, #tpu.memory_space<vmem>>
      %dma_wait3A_147 = tpu.memref_squeeze %dma_wait3A_146 : memref<1x1x128x32xf32, #tpu.memory_space<vmem>> -> memref<128x32xf32, #tpu.memory_space<vmem>>
      %dma_wait3A_148 = arith.constant 0 : i32
      %dma_wait3A_149 = tpu.memref_slice %arg6[%dma_wait3A_142, %dma_wait3A_148] : memref<160x128xi32, #tpu.memory_space<vmem>> -> memref<1x128xi32, #tpu.memory_space<vmem>>
      %dma_wait3A_150 = tpu.memref_squeeze %dma_wait3A_149 : memref<1x128xi32, #tpu.memory_space<vmem>> -> memref<128xi32, #tpu.memory_space<vmem>>
      %dma_wait3A_151 = arith.constant 0 : i32
      %dma_wait3A_152 = arith.constant 0 : i32
      %dma_wait3A_153 = tpu.memref_slice %arg9[%dma_wait3A_151, %dma_wait3A_152] : memref<10240x32xf32, #tpu.memory_space<vmem_shared>> -> memref<10240x32xf32, #tpu.memory_space<vmem_shared>>
      tpu.wait_indirect_dma semaphore(%arg11 : memref<!tpu.dma_semaphore, #tpu.memory_space<semaphore_mem>>) src(%dma_wait3A_153 : memref<10240x32xf32, #tpu.memory_space<vmem_shared>>) dst(%dma_wait3A_147 : memref<128x32xf32, #tpu.memory_space<vmem>>)
      %jit3A_154 = arith.constant 2 : i32
      %eq3A_155 = arith.constant 0 : i32
      %eq3A_156 = arith.cmpi eq, %jit3A_154, %eq3A_155 : i32
      %jit3A_157 = arith.constant 1 : i32
      %select_n3A_158 = arith.select %eq3A_156, %jit3A_157, %jit3A_154 : i32
      %rem3A_159 = arith.remsi %scan3A_124, %select_n3A_158 : i32
      %ne3A_160 = arith.constant 0 : i32
      %ne3A_161 = arith.cmpi ne, %rem3A_159, %ne3A_160 : i32
      %lt3A_162 = arith.constant 0 : i32
      %lt3A_163 = arith.cmpi slt, %rem3A_159, %lt3A_162 : i32
      %lt3A_164 = arith.constant 0 : i32
      %lt3A_165 = arith.cmpi slt, %select_n3A_158, %lt3A_164 : i32
      %ne3A_166 = arith.xori %lt3A_163, %lt3A_165 : i1
      %and3A_167 = arith.andi %ne3A_166, %ne3A_161 : i1
      %add3A_168 = arith.addi %rem3A_159, %select_n3A_158 : i32
      %select_n3A_169 = arith.select %and3A_167, %add3A_168, %rem3A_159 : i32
      %dma_wait3A_170 = arith.constant 0 : i32
      %dma_wait3A_171 = arith.constant 1 : i32
      %dma_wait3A_172 = arith.constant 0 : i32
      %dma_wait3A_173 = arith.constant 0 : i32
      %dma_wait3A_174 = tpu.memref_slice %arg8[%select_n3A_169, %dma_wait3A_171, %dma_wait3A_172, %dma_wait3A_173] : memref<2x4x128x32xf32, #tpu.memory_space<vmem>> -> memref<1x1x128x32xf32, #tpu.memory_space<vmem>>
      %dma_wait3A_175 = tpu.memref_squeeze %dma_wait3A_174 : memref<1x1x128x32xf32, #tpu.memory_space<vmem>> -> memref<128x32xf32, #tpu.memory_space<vmem>>
      %dma_wait3A_176 = arith.constant 0 : i32
      %dma_wait3A_177 = tpu.memref_slice %arg6[%dma_wait3A_170, %dma_wait3A_176] : memref<160x128xi32, #tpu.memory_space<vmem>> -> memref<1x128xi32, #tpu.memory_space<vmem>>
      %dma_wait3A_178 = tpu.memref_squeeze %dma_wait3A_177 : memref<1x128xi32, #tpu.memory_space<vmem>> -> memref<128xi32, #tpu.memory_space<vmem>>
      %dma_wait3A_179 = arith.constant 0 : i32
      %dma_wait3A_180 = arith.constant 0 : i32
      %dma_wait3A_181 = tpu.memref_slice %arg9[%dma_wait3A_179, %dma_wait3A_180] : memref<10240x32xf32, #tpu.memory_space<vmem_shared>> -> memref<10240x32xf32, #tpu.memory_space<vmem_shared>>
      tpu.wait_indirect_dma semaphore(%arg11 : memref<!tpu.dma_semaphore, #tpu.memory_space<semaphore_mem>>) src(%dma_wait3A_181 : memref<10240x32xf32, #tpu.memory_space<vmem_shared>>) dst(%dma_wait3A_175 : memref<128x32xf32, #tpu.memory_space<vmem>>)
      %jit3A_182 = arith.constant 2 : i32
      %eq3A_183 = arith.constant 0 : i32
      %eq3A_184 = arith.cmpi eq, %jit3A_182, %eq3A_183 : i32
      %jit3A_185 = arith.constant 1 : i32
      %select_n3A_186 = arith.select %eq3A_184, %jit3A_185, %jit3A_182 : i32
      %rem3A_187 = arith.remsi %scan3A_124, %select_n3A_186 : i32
      %ne3A_188 = arith.constant 0 : i32
      %ne3A_189 = arith.cmpi ne, %rem3A_187, %ne3A_188 : i32
      %lt3A_190 = arith.constant 0 : i32
      %lt3A_191 = arith.cmpi slt, %rem3A_187, %lt3A_190 : i32
      %lt3A_192 = arith.constant 0 : i32
      %lt3A_193 = arith.cmpi slt, %select_n3A_186, %lt3A_192 : i32
      %ne3A_194 = arith.xori %lt3A_191, %lt3A_193 : i1
      %and3A_195 = arith.andi %ne3A_194, %ne3A_189 : i1
      %add3A_196 = arith.addi %rem3A_187, %select_n3A_186 : i32
      %select_n3A_197 = arith.select %and3A_195, %add3A_196, %rem3A_187 : i32
      %dma_wait3A_198 = arith.constant 0 : i32
      %dma_wait3A_199 = arith.constant 2 : i32
      %dma_wait3A_200 = arith.constant 0 : i32
      %dma_wait3A_201 = arith.constant 0 : i32
      %dma_wait3A_202 = tpu.memref_slice %arg8[%select_n3A_197, %dma_wait3A_199, %dma_wait3A_200, %dma_wait3A_201] : memref<2x4x128x32xf32, #tpu.memory_space<vmem>> -> memref<1x1x128x32xf32, #tpu.memory_space<vmem>>
      %dma_wait3A_203 = tpu.memref_squeeze %dma_wait3A_202 : memref<1x1x128x32xf32, #tpu.memory_space<vmem>> -> memref<128x32xf32, #tpu.memory_space<vmem>>
      %dma_wait3A_204 = arith.constant 0 : i32
      %dma_wait3A_205 = tpu.memref_slice %arg6[%dma_wait3A_198, %dma_wait3A_204] : memref<160x128xi32, #tpu.memory_space<vmem>> -> memref<1x128xi32, #tpu.memory_space<vmem>>
      %dma_wait3A_206 = tpu.memref_squeeze %dma_wait3A_205 : memref<1x128xi32, #tpu.memory_space<vmem>> -> memref<128xi32, #tpu.memory_space<vmem>>
      %dma_wait3A_207 = arith.constant 0 : i32
      %dma_wait3A_208 = arith.constant 0 : i32
      %dma_wait3A_209 = tpu.memref_slice %arg9[%dma_wait3A_207, %dma_wait3A_208] : memref<10240x32xf32, #tpu.memory_space<vmem_shared>> -> memref<10240x32xf32, #tpu.memory_space<vmem_shared>>
      tpu.wait_indirect_dma semaphore(%arg11 : memref<!tpu.dma_semaphore, #tpu.memory_space<semaphore_mem>>) src(%dma_wait3A_209 : memref<10240x32xf32, #tpu.memory_space<vmem_shared>>) dst(%dma_wait3A_203 : memref<128x32xf32, #tpu.memory_space<vmem>>)
      %jit3A_210 = arith.constant 2 : i32
      %eq3A_211 = arith.constant 0 : i32
      %eq3A_212 = arith.cmpi eq, %jit3A_210, %eq3A_211 : i32
      %jit3A_213 = arith.constant 1 : i32
      %select_n3A_214 = arith.select %eq3A_212, %jit3A_213, %jit3A_210 : i32
      %rem3A_215 = arith.remsi %scan3A_124, %select_n3A_214 : i32
      %ne3A_216 = arith.constant 0 : i32
      %ne3A_217 = arith.cmpi ne, %rem3A_215, %ne3A_216 : i32
      %lt3A_218 = arith.constant 0 : i32
      %lt3A_219 = arith.cmpi slt, %rem3A_215, %lt3A_218 : i32
      %lt3A_220 = arith.constant 0 : i32
      %lt3A_221 = arith.cmpi slt, %select_n3A_214, %lt3A_220 : i32
      %ne3A_222 = arith.xori %lt3A_219, %lt3A_221 : i1
      %and3A_223 = arith.andi %ne3A_222, %ne3A_217 : i1
      %add3A_224 = arith.addi %rem3A_215, %select_n3A_214 : i32
      %select_n3A_225 = arith.select %and3A_223, %add3A_224, %rem3A_215 : i32
      %dma_wait3A_226 = arith.constant 0 : i32
      %dma_wait3A_227 = arith.constant 3 : i32
      %dma_wait3A_228 = arith.constant 0 : i32
      %dma_wait3A_229 = arith.constant 0 : i32
      %dma_wait3A_230 = tpu.memref_slice %arg8[%select_n3A_225, %dma_wait3A_227, %dma_wait3A_228, %dma_wait3A_229] : memref<2x4x128x32xf32, #tpu.memory_space<vmem>> -> memref<1x1x128x32xf32, #tpu.memory_space<vmem>>
      %dma_wait3A_231 = tpu.memref_squeeze %dma_wait3A_230 : memref<1x1x128x32xf32, #tpu.memory_space<vmem>> -> memref<128x32xf32, #tpu.memory_space<vmem>>
      %dma_wait3A_232 = arith.constant 0 : i32
      %dma_wait3A_233 = tpu.memref_slice %arg6[%dma_wait3A_226, %dma_wait3A_232] : memref<160x128xi32, #tpu.memory_space<vmem>> -> memref<1x128xi32, #tpu.memory_space<vmem>>
      %dma_wait3A_234 = tpu.memref_squeeze %dma_wait3A_233 : memref<1x128xi32, #tpu.memory_space<vmem>> -> memref<128xi32, #tpu.memory_space<vmem>>
      %dma_wait3A_235 = arith.constant 0 : i32
      %dma_wait3A_236 = arith.constant 0 : i32
      %dma_wait3A_237 = tpu.memref_slice %arg9[%dma_wait3A_235, %dma_wait3A_236] : memref<10240x32xf32, #tpu.memory_space<vmem_shared>> -> memref<10240x32xf32, #tpu.memory_space<vmem_shared>>
      tpu.wait_indirect_dma semaphore(%arg11 : memref<!tpu.dma_semaphore, #tpu.memory_space<semaphore_mem>>) src(%dma_wait3A_237 : memref<10240x32xf32, #tpu.memory_space<vmem_shared>>) dst(%dma_wait3A_231 : memref<128x32xf32, #tpu.memory_space<vmem>>)
      %jit3A_238 = arith.constant 2 : i32
      %eq3A_239 = arith.constant 0 : i32
      %eq3A_240 = arith.cmpi eq, %jit3A_238, %eq3A_239 : i32
      %jit3A_241 = arith.constant 1 : i32
      %select_n3A_242 = arith.select %eq3A_240, %jit3A_241, %jit3A_238 : i32
      %rem3A_243 = arith.remsi %scan3A_124, %select_n3A_242 : i32
      %ne3A_244 = arith.constant 0 : i32
      %ne3A_245 = arith.cmpi ne, %rem3A_243, %ne3A_244 : i32
      %lt3A_246 = arith.constant 0 : i32
      %lt3A_247 = arith.cmpi slt, %rem3A_243, %lt3A_246 : i32
      %lt3A_248 = arith.constant 0 : i32
      %lt3A_249 = arith.cmpi slt, %select_n3A_242, %lt3A_248 : i32
      %ne3A_250 = arith.xori %lt3A_247, %lt3A_249 : i1
      %and3A_251 = arith.andi %ne3A_250, %ne3A_245 : i1
      %add3A_252 = arith.addi %rem3A_243, %select_n3A_242 : i32
      %select_n3A_253 = arith.select %and3A_251, %add3A_252, %rem3A_243 : i32
      %mul3A_254 = arith.constant 4 : i32
      %mul3A_255 = arith.muli %scan3A_124, %mul3A_254 : i32
      %add3A_256 = arith.constant 0 : i32
      %add3A_257 = arith.addi %mul3A_255, %add3A_256 : i32
      %dma_start3A_258 = arith.constant 0 : i32
      %dma_start3A_259 = arith.constant 0 : i32
      %dma_start3A_260 = arith.constant 0 : i32
      %dma_start3A_261 = tpu.memref_slice %arg8[%select_n3A_253, %dma_start3A_258, %dma_start3A_259, %dma_start3A_260] : memref<2x4x128x32xf32, #tpu.memory_space<vmem>> -> memref<1x1x128x32xf32, #tpu.memory_space<vmem>>
      %dma_start3A_262 = tpu.memref_squeeze %dma_start3A_261 : memref<1x1x128x32xf32, #tpu.memory_space<vmem>> -> memref<128x32xf32, #tpu.memory_space<vmem>>
      %dma_start3A_263 = arith.constant 0 : i32
      %dma_start3A_264 = tpu.memref_slice %arg7[%add3A_257, %dma_start3A_263] : memref<160x128xi32, #tpu.memory_space<vmem>> -> memref<1x128xi32, #tpu.memory_space<vmem>>
      %dma_start3A_265 = tpu.memref_squeeze %dma_start3A_264 : memref<1x128xi32, #tpu.memory_space<vmem>> -> memref<128xi32, #tpu.memory_space<vmem>>
      %dma_start3A_266 = arith.constant 0 : i32
      %dma_start3A_267 = arith.constant 0 : i32
      %dma_start3A_268 = tpu.memref_slice %arg10[%dma_start3A_266, %dma_start3A_267] : memref<10240x32xf32, #tpu.memory_space<vmem_shared>> -> memref<10240x32xf32, #tpu.memory_space<vmem_shared>>
      tpu.enqueue_indirect_dma source(%dma_start3A_262 : memref<128x32xf32, #tpu.memory_space<vmem>>) target(%dma_start3A_268 : memref<10240x32xf32, #tpu.memory_space<vmem_shared>>) offsets(%dma_start3A_265 : memref<128xi32, #tpu.memory_space<vmem>>) semaphore(%arg12 : memref<!tpu.dma_semaphore, #tpu.memory_space<semaphore_mem>>) {add = true}
      %jit3A_269 = arith.constant 2 : i32
      %eq3A_270 = arith.constant 0 : i32
      %eq3A_271 = arith.cmpi eq, %jit3A_269, %eq3A_270 : i32
      %jit3A_272 = arith.constant 1 : i32
      %select_n3A_273 = arith.select %eq3A_271, %jit3A_272, %jit3A_269 : i32
      %rem3A_274 = arith.remsi %scan3A_124, %select_n3A_273 : i32
      %ne3A_275 = arith.constant 0 : i32
      %ne3A_276 = arith.cmpi ne, %rem3A_274, %ne3A_275 : i32
      %lt3A_277 = arith.constant 0 : i32
      %lt3A_278 = arith.cmpi slt, %rem3A_274, %lt3A_277 : i32
      %lt3A_279 = arith.constant 0 : i32
      %lt3A_280 = arith.cmpi slt, %select_n3A_273, %lt3A_279 : i32
      %ne3A_281 = arith.xori %lt3A_278, %lt3A_280 : i1
      %and3A_282 = arith.andi %ne3A_281, %ne3A_276 : i1
      %add3A_283 = arith.addi %rem3A_274, %select_n3A_273 : i32
      %select_n3A_284 = arith.select %and3A_282, %add3A_283, %rem3A_274 : i32
      %mul3A_285 = arith.constant 4 : i32
      %mul3A_286 = arith.muli %scan3A_124, %mul3A_285 : i32
      %add3A_287 = arith.constant 1 : i32
      %add3A_288 = arith.addi %mul3A_286, %add3A_287 : i32
      %dma_start3A_289 = arith.constant 1 : i32
      %dma_start3A_290 = arith.constant 0 : i32
      %dma_start3A_291 = arith.constant 0 : i32
      %dma_start3A_292 = tpu.memref_slice %arg8[%select_n3A_284, %dma_start3A_289, %dma_start3A_290, %dma_start3A_291] : memref<2x4x128x32xf32, #tpu.memory_space<vmem>> -> memref<1x1x128x32xf32, #tpu.memory_space<vmem>>
      %dma_start3A_293 = tpu.memref_squeeze %dma_start3A_292 : memref<1x1x128x32xf32, #tpu.memory_space<vmem>> -> memref<128x32xf32, #tpu.memory_space<vmem>>
      %dma_start3A_294 = arith.constant 0 : i32
      %dma_start3A_295 = tpu.memref_slice %arg7[%add3A_288, %dma_start3A_294] : memref<160x128xi32, #tpu.memory_space<vmem>> -> memref<1x128xi32, #tpu.memory_space<vmem>>
      %dma_start3A_296 = tpu.memref_squeeze %dma_start3A_295 : memref<1x128xi32, #tpu.memory_space<vmem>> -> memref<128xi32, #tpu.memory_space<vmem>>
      %dma_start3A_297 = arith.constant 0 : i32
      %dma_start3A_298 = arith.constant 0 : i32
      %dma_start3A_299 = tpu.memref_slice %arg10[%dma_start3A_297, %dma_start3A_298] : memref<10240x32xf32, #tpu.memory_space<vmem_shared>> -> memref<10240x32xf32, #tpu.memory_space<vmem_shared>>
      tpu.enqueue_indirect_dma source(%dma_start3A_293 : memref<128x32xf32, #tpu.memory_space<vmem>>) target(%dma_start3A_299 : memref<10240x32xf32, #tpu.memory_space<vmem_shared>>) offsets(%dma_start3A_296 : memref<128xi32, #tpu.memory_space<vmem>>) semaphore(%arg12 : memref<!tpu.dma_semaphore, #tpu.memory_space<semaphore_mem>>) {add = true}
      %jit3A_300 = arith.constant 2 : i32
      %eq3A_301 = arith.constant 0 : i32
      %eq3A_302 = arith.cmpi eq, %jit3A_300, %eq3A_301 : i32
      %jit3A_303 = arith.constant 1 : i32
      %select_n3A_304 = arith.select %eq3A_302, %jit3A_303, %jit3A_300 : i32
      %rem3A_305 = arith.remsi %scan3A_124, %select_n3A_304 : i32
      %ne3A_306 = arith.constant 0 : i32
      %ne3A_307 = arith.cmpi ne, %rem3A_305, %ne3A_306 : i32
      %lt3A_308 = arith.constant 0 : i32
      %lt3A_309 = arith.cmpi slt, %rem3A_305, %lt3A_308 : i32
      %lt3A_310 = arith.constant 0 : i32
      %lt3A_311 = arith.cmpi slt, %select_n3A_304, %lt3A_310 : i32
      %ne3A_312 = arith.xori %lt3A_309, %lt3A_311 : i1
      %and3A_313 = arith.andi %ne3A_312, %ne3A_307 : i1
      %add3A_314 = arith.addi %rem3A_305, %select_n3A_304 : i32
      %select_n3A_315 = arith.select %and3A_313, %add3A_314, %rem3A_305 : i32
      %mul3A_316 = arith.constant 4 : i32
      %mul3A_317 = arith.muli %scan3A_124, %mul3A_316 : i32
      %add3A_318 = arith.constant 2 : i32
      %add3A_319 = arith.addi %mul3A_317, %add3A_318 : i32
      %dma_start3A_320 = arith.constant 2 : i32
      %dma_start3A_321 = arith.constant 0 : i32
      %dma_start3A_322 = arith.constant 0 : i32
      %dma_start3A_323 = tpu.memref_slice %arg8[%select_n3A_315, %dma_start3A_320, %dma_start3A_321, %dma_start3A_322] : memref<2x4x128x32xf32, #tpu.memory_space<vmem>> -> memref<1x1x128x32xf32, #tpu.memory_space<vmem>>
      %dma_start3A_324 = tpu.memref_squeeze %dma_start3A_323 : memref<1x1x128x32xf32, #tpu.memory_space<vmem>> -> memref<128x32xf32, #tpu.memory_space<vmem>>
      %dma_start3A_325 = arith.constant 0 : i32
      %dma_start3A_326 = tpu.memref_slice %arg7[%add3A_319, %dma_start3A_325] : memref<160x128xi32, #tpu.memory_space<vmem>> -> memref<1x128xi32, #tpu.memory_space<vmem>>
      %dma_start3A_327 = tpu.memref_squeeze %dma_start3A_326 : memref<1x128xi32, #tpu.memory_space<vmem>> -> memref<128xi32, #tpu.memory_space<vmem>>
      %dma_start3A_328 = arith.constant 0 : i32
      %dma_start3A_329 = arith.constant 0 : i32
      %dma_start3A_330 = tpu.memref_slice %arg10[%dma_start3A_328, %dma_start3A_329] : memref<10240x32xf32, #tpu.memory_space<vmem_shared>> -> memref<10240x32xf32, #tpu.memory_space<vmem_shared>>
      tpu.enqueue_indirect_dma source(%dma_start3A_324 : memref<128x32xf32, #tpu.memory_space<vmem>>) target(%dma_start3A_330 : memref<10240x32xf32, #tpu.memory_space<vmem_shared>>) offsets(%dma_start3A_327 : memref<128xi32, #tpu.memory_space<vmem>>) semaphore(%arg12 : memref<!tpu.dma_semaphore, #tpu.memory_space<semaphore_mem>>) {add = true}
      %jit3A_331 = arith.constant 2 : i32
      %eq3A_332 = arith.constant 0 : i32
      %eq3A_333 = arith.cmpi eq, %jit3A_331, %eq3A_332 : i32
      %jit3A_334 = arith.constant 1 : i32
      %select_n3A_335 = arith.select %eq3A_333, %jit3A_334, %jit3A_331 : i32
      %rem3A_336 = arith.remsi %scan3A_124, %select_n3A_335 : i32
      %ne3A_337 = arith.constant 0 : i32
      %ne3A_338 = arith.cmpi ne, %rem3A_336, %ne3A_337 : i32
      %lt3A_339 = arith.constant 0 : i32
      %lt3A_340 = arith.cmpi slt, %rem3A_336, %lt3A_339 : i32
      %lt3A_341 = arith.constant 0 : i32
      %lt3A_342 = arith.cmpi slt, %select_n3A_335, %lt3A_341 : i32
      %ne3A_343 = arith.xori %lt3A_340, %lt3A_342 : i1
      %and3A_344 = arith.andi %ne3A_343, %ne3A_338 : i1
      %add3A_345 = arith.addi %rem3A_336, %select_n3A_335 : i32
      %select_n3A_346 = arith.select %and3A_344, %add3A_345, %rem3A_336 : i32
      %mul3A_347 = arith.constant 4 : i32
      %mul3A_348 = arith.muli %scan3A_124, %mul3A_347 : i32
      %add3A_349 = arith.constant 3 : i32
      %add3A_350 = arith.addi %mul3A_348, %add3A_349 : i32
      %dma_start3A_351 = arith.constant 3 : i32
      %dma_start3A_352 = arith.constant 0 : i32
      %dma_start3A_353 = arith.constant 0 : i32
      %dma_start3A_354 = tpu.memref_slice %arg8[%select_n3A_346, %dma_start3A_351, %dma_start3A_352, %dma_start3A_353] : memref<2x4x128x32xf32, #tpu.memory_space<vmem>> -> memref<1x1x128x32xf32, #tpu.memory_space<vmem>>
      %dma_start3A_355 = tpu.memref_squeeze %dma_start3A_354 : memref<1x1x128x32xf32, #tpu.memory_space<vmem>> -> memref<128x32xf32, #tpu.memory_space<vmem>>
      %dma_start3A_356 = arith.constant 0 : i32
      %dma_start3A_357 = tpu.memref_slice %arg7[%add3A_350, %dma_start3A_356] : memref<160x128xi32, #tpu.memory_space<vmem>> -> memref<1x128xi32, #tpu.memory_space<vmem>>
      %dma_start3A_358 = tpu.memref_squeeze %dma_start3A_357 : memref<1x128xi32, #tpu.memory_space<vmem>> -> memref<128xi32, #tpu.memory_space<vmem>>
      %dma_start3A_359 = arith.constant 0 : i32
      %dma_start3A_360 = arith.constant 0 : i32
      %dma_start3A_361 = tpu.memref_slice %arg10[%dma_start3A_359, %dma_start3A_360] : memref<10240x32xf32, #tpu.memory_space<vmem_shared>> -> memref<10240x32xf32, #tpu.memory_space<vmem_shared>>
      tpu.enqueue_indirect_dma source(%dma_start3A_355 : memref<128x32xf32, #tpu.memory_space<vmem>>) target(%dma_start3A_361 : memref<10240x32xf32, #tpu.memory_space<vmem_shared>>) offsets(%dma_start3A_358 : memref<128xi32, #tpu.memory_space<vmem>>) semaphore(%arg12 : memref<!tpu.dma_semaphore, #tpu.memory_space<semaphore_mem>>) {add = true}
    }
    %scan3A_65 = arith.constant 40 : i32
    %dma_wait3A = arith.constant 0 : i32
    %dma_wait3A_66 = arith.constant 0 : i32
    %dma_wait3A_67 = arith.constant 0 : i32
    %dma_wait3A_68 = arith.constant 0 : i32
    %dma_wait3A_69 = arith.constant 0 : i32
    %dma_wait3A_70 = tpu.memref_slice %arg8[%dma_wait3A, %dma_wait3A_66, %dma_wait3A_68, %dma_wait3A_69] : memref<2x4x128x32xf32, #tpu.memory_space<vmem>> -> memref<1x1x128x32xf32, #tpu.memory_space<vmem>>
    %dma_wait3A_71 = tpu.memref_squeeze %dma_wait3A_70 : memref<1x1x128x32xf32, #tpu.memory_space<vmem>> -> memref<128x32xf32, #tpu.memory_space<vmem>>
    %dma_wait3A_72 = arith.constant 0 : i32
    %dma_wait3A_73 = tpu.memref_slice %arg7[%dma_wait3A_67, %dma_wait3A_72] : memref<160x128xi32, #tpu.memory_space<vmem>> -> memref<1x128xi32, #tpu.memory_space<vmem>>
    %dma_wait3A_74 = tpu.memref_squeeze %dma_wait3A_73 : memref<1x128xi32, #tpu.memory_space<vmem>> -> memref<128xi32, #tpu.memory_space<vmem>>
    %dma_wait3A_75 = arith.constant 0 : i32
    %dma_wait3A_76 = arith.constant 0 : i32
    %dma_wait3A_77 = tpu.memref_slice %arg10[%dma_wait3A_75, %dma_wait3A_76] : memref<10240x32xf32, #tpu.memory_space<vmem_shared>> -> memref<10240x32xf32, #tpu.memory_space<vmem_shared>>
    tpu.wait_indirect_dma semaphore(%arg12 : memref<!tpu.dma_semaphore, #tpu.memory_space<semaphore_mem>>) src(%dma_wait3A_71 : memref<128x32xf32, #tpu.memory_space<vmem>>) dst(%dma_wait3A_77 : memref<10240x32xf32, #tpu.memory_space<vmem_shared>>)
    %dma_wait3A_78 = arith.constant 0 : i32
    %dma_wait3A_79 = arith.constant 1 : i32
    %dma_wait3A_80 = arith.constant 0 : i32
    %dma_wait3A_81 = arith.constant 0 : i32
    %dma_wait3A_82 = arith.constant 0 : i32
    %dma_wait3A_83 = tpu.memref_slice %arg8[%dma_wait3A_78, %dma_wait3A_79, %dma_wait3A_81, %dma_wait3A_82] : memref<2x4x128x32xf32, #tpu.memory_space<vmem>> -> memref<1x1x128x32xf32, #tpu.memory_space<vmem>>
    %dma_wait3A_84 = tpu.memref_squeeze %dma_wait3A_83 : memref<1x1x128x32xf32, #tpu.memory_space<vmem>> -> memref<128x32xf32, #tpu.memory_space<vmem>>
    %dma_wait3A_85 = arith.constant 0 : i32
    %dma_wait3A_86 = tpu.memref_slice %arg7[%dma_wait3A_80, %dma_wait3A_85] : memref<160x128xi32, #tpu.memory_space<vmem>> -> memref<1x128xi32, #tpu.memory_space<vmem>>
    %dma_wait3A_87 = tpu.memref_squeeze %dma_wait3A_86 : memref<1x128xi32, #tpu.memory_space<vmem>> -> memref<128xi32, #tpu.memory_space<vmem>>
    %dma_wait3A_88 = arith.constant 0 : i32
    %dma_wait3A_89 = arith.constant 0 : i32
    %dma_wait3A_90 = tpu.memref_slice %arg10[%dma_wait3A_88, %dma_wait3A_89] : memref<10240x32xf32, #tpu.memory_space<vmem_shared>> -> memref<10240x32xf32, #tpu.memory_space<vmem_shared>>
    tpu.wait_indirect_dma semaphore(%arg12 : memref<!tpu.dma_semaphore, #tpu.memory_space<semaphore_mem>>) src(%dma_wait3A_84 : memref<128x32xf32, #tpu.memory_space<vmem>>) dst(%dma_wait3A_90 : memref<10240x32xf32, #tpu.memory_space<vmem_shared>>)
    %dma_wait3A_91 = arith.constant 0 : i32
    %dma_wait3A_92 = arith.constant 2 : i32
    %dma_wait3A_93 = arith.constant 0 : i32
    %dma_wait3A_94 = arith.constant 0 : i32
    %dma_wait3A_95 = arith.constant 0 : i32
    %dma_wait3A_96 = tpu.memref_slice %arg8[%dma_wait3A_91, %dma_wait3A_92, %dma_wait3A_94, %dma_wait3A_95] : memref<2x4x128x32xf32, #tpu.memory_space<vmem>> -> memref<1x1x128x32xf32, #tpu.memory_space<vmem>>
    %dma_wait3A_97 = tpu.memref_squeeze %dma_wait3A_96 : memref<1x1x128x32xf32, #tpu.memory_space<vmem>> -> memref<128x32xf32, #tpu.memory_space<vmem>>
    %dma_wait3A_98 = arith.constant 0 : i32
    %dma_wait3A_99 = tpu.memref_slice %arg7[%dma_wait3A_93, %dma_wait3A_98] : memref<160x128xi32, #tpu.memory_space<vmem>> -> memref<1x128xi32, #tpu.memory_space<vmem>>
    %dma_wait3A_100 = tpu.memref_squeeze %dma_wait3A_99 : memref<1x128xi32, #tpu.memory_space<vmem>> -> memref<128xi32, #tpu.memory_space<vmem>>
    %dma_wait3A_101 = arith.constant 0 : i32
    %dma_wait3A_102 = arith.constant 0 : i32
    %dma_wait3A_103 = tpu.memref_slice %arg10[%dma_wait3A_101, %dma_wait3A_102] : memref<10240x32xf32, #tpu.memory_space<vmem_shared>> -> memref<10240x32xf32, #tpu.memory_space<vmem_shared>>
    tpu.wait_indirect_dma semaphore(%arg12 : memref<!tpu.dma_semaphore, #tpu.memory_space<semaphore_mem>>) src(%dma_wait3A_97 : memref<128x32xf32, #tpu.memory_space<vmem>>) dst(%dma_wait3A_103 : memref<10240x32xf32, #tpu.memory_space<vmem_shared>>)
    %dma_wait3A_104 = arith.constant 0 : i32
    %dma_wait3A_105 = arith.constant 3 : i32
    %dma_wait3A_106 = arith.constant 0 : i32
    %dma_wait3A_107 = arith.constant 0 : i32
    %dma_wait3A_108 = arith.constant 0 : i32
    %dma_wait3A_109 = tpu.memref_slice %arg8[%dma_wait3A_104, %dma_wait3A_105, %dma_wait3A_107, %dma_wait3A_108] : memref<2x4x128x32xf32, #tpu.memory_space<vmem>> -> memref<1x1x128x32xf32, #tpu.memory_space<vmem>>
    %dma_wait3A_110 = tpu.memref_squeeze %dma_wait3A_109 : memref<1x1x128x32xf32, #tpu.memory_space<vmem>> -> memref<128x32xf32, #tpu.memory_space<vmem>>
    %dma_wait3A_111 = arith.constant 0 : i32
    %dma_wait3A_112 = tpu.memref_slice %arg7[%dma_wait3A_106, %dma_wait3A_111] : memref<160x128xi32, #tpu.memory_space<vmem>> -> memref<1x128xi32, #tpu.memory_space<vmem>>
    %dma_wait3A_113 = tpu.memref_squeeze %dma_wait3A_112 : memref<1x128xi32, #tpu.memory_space<vmem>> -> memref<128xi32, #tpu.memory_space<vmem>>
    %dma_wait3A_114 = arith.constant 0 : i32
    %dma_wait3A_115 = arith.constant 0 : i32
    %dma_wait3A_116 = tpu.memref_slice %arg10[%dma_wait3A_114, %dma_wait3A_115] : memref<10240x32xf32, #tpu.memory_space<vmem_shared>> -> memref<10240x32xf32, #tpu.memory_space<vmem_shared>>
    tpu.wait_indirect_dma semaphore(%arg12 : memref<!tpu.dma_semaphore, #tpu.memory_space<semaphore_mem>>) src(%dma_wait3A_110 : memref<128x32xf32, #tpu.memory_space<vmem>>) dst(%dma_wait3A_116 : memref<10240x32xf32, #tpu.memory_space<vmem_shared>>)
    %barrier3A_117 = arith.constant 0 : index
    tpu.barrier barrier_id(%barrier3A_117)
    %mul3A_118 = arith.constant 640 : i32
    %mul3A_119 = arith.muli %arg1, %mul3A_118 : i32
    %mul3A_120 = arith.constant 640 : i32
    %mul3A_121 = arith.muli %arg1, %mul3A_120 : i32
    %mul3A_122 = arith.constant 32 : i32
    %mul3A_123 = arith.muli %arg0, %mul3A_122 : i32
    "tpu.region"() ({
      %run_scoped3A_124 = tpu.sem_alloc : memref<!tpu.dma_semaphore, #tpu.memory_space<semaphore_mem>>
      %dma_start3A_125 = tpu.memref_slice %arg5[%mul3A_121, %mul3A_123] : memref<10240x128xf32, #tpu.memory_space<hbm>> -> memref<640x32xf32, #tpu.memory_space<hbm>>
      %dma_start3A_126 = arith.constant 0 : i32
      %dma_start3A_127 = tpu.memref_slice %arg10[%mul3A_119, %dma_start3A_126] : memref<10240x32xf32, #tpu.memory_space<vmem_shared>> -> memref<640x32xf32, #tpu.memory_space<vmem_shared>>
      tpu.enqueue_dma source(%dma_start3A_127 : memref<640x32xf32, #tpu.memory_space<vmem_shared>>) target(%dma_start3A_125 : memref<640x32xf32, #tpu.memory_space<hbm>>) target_semaphore(%run_scoped3A_124 : memref<!tpu.dma_semaphore, #tpu.memory_space<semaphore_mem>>)
      %dma_wait3A_128 = tpu.memref_slice %arg5[%mul3A_121, %mul3A_123] : memref<10240x128xf32, #tpu.memory_space<hbm>> -> memref<640x32xf32, #tpu.memory_space<hbm>>
      %dma_wait3A_129 = arith.constant 0 : i32
      %dma_wait3A_130 = tpu.memref_slice %arg10[%mul3A_119, %dma_wait3A_129] : memref<10240x32xf32, #tpu.memory_space<vmem_shared>> -> memref<640x32xf32, #tpu.memory_space<vmem_shared>>
      tpu.wait_dma2 semaphore(%run_scoped3A_124 : memref<!tpu.dma_semaphore, #tpu.memory_space<semaphore_mem>>) src(%dma_wait3A_130 : memref<640x32xf32, #tpu.memory_space<vmem_shared>>) dst(%dma_wait3A_128 : memref<640x32xf32, #tpu.memory_space<hbm>>)
      tpu.yield
    }) : () -> ()
    return
  }
}

module attributes {stable_mosaic.version = 14 : i64} {
  func.func @_tc_matmul1_body(%arg0: i32, %arg1: memref<2048x128xf32, #tpu.memory_space<vmem>>, %arg2: memref<128x64xf32, #tpu.memory_space<vmem>>, %arg3: memref<2048x64xf32, #tpu.memory_space<vmem>>) attributes {dimension_semantics = [#tpu.dimension_semantics<arbitrary>], iteration_bounds = array<i64: 5>, scalar_prefetch = 0 : i64, scratch_operands = 0 : i64, tpu.core_type = #tpu.core_type<tc>, window_params = [{transform_indices = @transform_0, window_bounds = array<i64: 2048, 128>}, {pipeline_mode = #tpu.pipeline_mode<synchronous>, transform_indices = @transform_1, window_bounds = array<i64: 128, 64>}, {transform_indices = @transform_2, window_bounds = array<i64: 2048, 64>}]} {
    %get3A = arith.constant 0 : index
    %get3A_0 = arith.constant 0 : index
    %get3A_1 = vector.load %arg1[%get3A, %get3A_0] : memref<2048x128xf32, #tpu.memory_space<vmem>>, vector<2048x128xf32>
    %get3A_2 = arith.constant 0 : index
    %get3A_3 = arith.constant 0 : index
    %get3A_4 = vector.load %arg2[%get3A_2, %get3A_3] : memref<128x64xf32, #tpu.memory_space<vmem>>, vector<128x64xf32>
    %dot_general3A = arith.constant dense<0.000000e+00> : vector<2048x64xf32>
    %dot_general3A_5 = tpu.matmul %get3A_1, %get3A_4, %dot_general3A {dimension_numbers = #tpu.dot_dimension_numbers<[1], [0], [0], [1], [0, 0, 1, 1], [], []>, transpose_lhs_hint = false} : vector<2048x128xf32>, vector<128x64xf32>, vector<2048x64xf32> -> vector<2048x64xf32>
    %swap3A = arith.constant 0 : index
    %swap3A_6 = arith.constant 0 : index
    %swap3A_7 = vector.load %arg3[%swap3A, %swap3A_6] : memref<2048x64xf32, #tpu.memory_space<vmem>>, vector<2048x64xf32>
    tpu.vector_store %arg3[%swap3A, %swap3A_6], %dot_general3A_5 {strides = array<i32>} : memref<2048x64xf32, #tpu.memory_space<vmem>>, vector<2048x64xf32>,
    return
  }
  func.func @transform_0(%arg0: i32) -> (i32, i32) {
    %c0_i32 = arith.constant 0 : i32
    %c0_i32_0 = arith.constant 0 : i32
    return %arg0, %c0_i32 : i32, i32
  }
  func.func @transform_1(%arg0: i32) -> (i32, i32) {
    %c0_i32 = arith.constant 0 : i32
    %c0_i32_0 = arith.constant 0 : i32
    %c0_i32_1 = arith.constant 0 : i32
    return %c0_i32, %c0_i32_0 : i32, i32
  }
  func.func @transform_2(%arg0: i32) -> (i32, i32) {
    %c0_i32 = arith.constant 0 : i32
    %c0_i32_0 = arith.constant 0 : i32
    return %arg0, %c0_i32 : i32, i32
  }
}

module attributes {stable_mosaic.version = 14 : i64} {
  func.func @_tc_scale_body(%arg0: i32, %arg1: memref<2048x64xf32, #tpu.memory_space<vmem>>, %arg2: memref<2x2048x8xf32, #tpu.memory_space<vmem>>, %arg3: memref<2048x128xf32, #tpu.memory_space<vmem>>, %arg4: memref<2048x8xf32, #tpu.memory_space<vmem>>) attributes {dimension_semantics = [#tpu.dimension_semantics<arbitrary>], iteration_bounds = array<i64: 5>, scalar_prefetch = 0 : i64, scratch_operands = 0 : i64, tpu.core_type = #tpu.core_type<tc>, window_params = [{transform_indices = @transform_0, window_bounds = array<i64: 2048, 64>}, {transform_indices = @transform_1, window_bounds = array<i64: 2, 2048, 8>}, {transform_indices = @transform_2, window_bounds = array<i64: 2048, 128>}, {transform_indices = @transform_3, window_bounds = array<i64: 2048, 8>}]} {
    %get3A = arith.constant 0 : index
    %get3A_0 = arith.constant 0 : index
    %get3A_1 = arith.constant 0 : index
    %get3A_2 = vector.load %arg2[%get3A, %get3A_0, %get3A_1] : memref<2x2048x8xf32, #tpu.memory_space<vmem>>, vector<1x2048x8xf32>
    %get3A_3 = vector.shape_cast %get3A_2 : vector<1x2048x8xf32> to vector<2048x8xf32>
    %get3A_4 = arith.constant 1 : index
    %get3A_5 = arith.constant 0 : index
    %get3A_6 = arith.constant 0 : index
    %get3A_7 = vector.load %arg2[%get3A_4, %get3A_5, %get3A_6] : memref<2x2048x8xf32, #tpu.memory_space<vmem>>, vector<1x2048x8xf32>
    %get3A_8 = vector.shape_cast %get3A_7 : vector<1x2048x8xf32> to vector<2048x8xf32>
    %add3A = arith.addf %get3A_3, %get3A_8 : vector<2048x8xf32>
    %add3A_9 = arith.constant 1.000000e+00 : f32
    %add3A_10 = vector.broadcast %add3A_9 : f32 to vector<2048x8xf32>
    %add3A_11 = arith.addf %add3A, %add3A_10 : vector<2048x8xf32>
    %slice3A = vector.extract_strided_slice %add3A_11 {offsets = [0, 0], sizes = [2048, 1], strides = [1, 1]} : vector<2048x8xf32> to vector<2048x1xf32>
    %iota3A = tpu.iota {dimensions = array<i32: 0>} : vector<2048x1xi32>
    %mul3A = arith.constant 2048 : i32
    %mul3A_12 = arith.muli %arg0, %mul3A : i32
    %add3A_13 = vector.broadcast %mul3A_12 : i32 to vector<2048x1xi32>
    %add3A_14 = arith.addi %iota3A, %add3A_13 : vector<2048x1xi32>
    %lt3A = arith.constant 10000 : i32
    %lt3A_15 = vector.broadcast %lt3A : i32 to vector<2048x1xi32>
    %lt3A_16 = arith.cmpi slt, %add3A_14, %lt3A_15 : vector<2048x1xi32>
    %rsqrt3A = math.rsqrt %slice3A : vector<2048x1xf32>
    %jit3A = arith.constant 0.000000e+00 : f32
    %broadcast_in_dim3A = vector.broadcast %jit3A : f32 to vector<2048x1xf32>
    %select_n3A = arith.select %lt3A_16, %rsqrt3A, %broadcast_in_dim3A : vector<2048x1xi1>, vector<2048x1xf32>
    %get3A_17 = arith.constant 0 : index
    %get3A_18 = arith.constant 0 : index
    %get3A_19 = vector.load %arg1[%get3A_17, %get3A_18] : memref<2048x64xf32, #tpu.memory_space<vmem>>, vector<2048x64xf32>
    %mul3A_20 = vector.broadcast %select_n3A : vector<2048x1xf32> to vector<2048x64xf32>
    %mul3A_21 = arith.mulf %get3A_19, %mul3A_20 : vector<2048x64xf32>
    %broadcast_in_dim3A_22 = arith.constant 0.000000e+00 : f32
    %broadcast_in_dim3A_23 = vector.broadcast %broadcast_in_dim3A_22 : f32 to vector<2048x64xf32>
    %concatenate3A = tpu.concatenate %mul3A_21, %broadcast_in_dim3A_23 in 1 : vector<2048x64xf32>, vector<2048x64xf32> -> vector<2048x128xf32>
    %swap3A = arith.constant 0 : index
    %swap3A_24 = arith.constant 0 : index
    %swap3A_25 = vector.load %arg3[%swap3A, %swap3A_24] : memref<2048x128xf32, #tpu.memory_space<vmem>>, vector<2048x128xf32>
    tpu.vector_store %arg3[%swap3A, %swap3A_24], %concatenate3A {strides = array<i32>} : memref<2048x128xf32, #tpu.memory_space<vmem>>, vector<2048x128xf32>,
    %swap3A_26 = arith.constant 0 : index
    %swap3A_27 = arith.constant 0 : index
    %swap3A_28 = vector.load %arg4[%swap3A_26, %swap3A_27] : memref<2048x8xf32, #tpu.memory_space<vmem>>, vector<2048x8xf32>
    tpu.vector_store %arg4[%swap3A_26, %swap3A_27], %add3A_11 {strides = array<i32>} : memref<2048x8xf32, #tpu.memory_space<vmem>>, vector<2048x8xf32>,
    return
  }
  func.func @transform_0(%arg0: i32) -> (i32, i32) {
    %c0_i32 = arith.constant 0 : i32
    %c0_i32_0 = arith.constant 0 : i32
    return %arg0, %c0_i32 : i32, i32
  }
  func.func @transform_1(%arg0: i32) -> (i32, i32, i32) {
    %c0_i32 = arith.constant 0 : i32
    %c0_i32_0 = arith.constant 0 : i32
    %c0_i32_1 = arith.constant 0 : i32
    return %c0_i32, %arg0, %c0_i32_0 : i32, i32, i32
  }
  func.func @transform_2(%arg0: i32) -> (i32, i32) {
    %c0_i32 = arith.constant 0 : i32
    %c0_i32_0 = arith.constant 0 : i32
    return %arg0, %c0_i32 : i32, i32
  }
  func.func @transform_3(%arg0: i32) -> (i32, i32) {
    %c0_i32 = arith.constant 0 : i32
    %c0_i32_0 = arith.constant 0 : i32
    return %arg0, %c0_i32 : i32, i32
  }
}

module attributes {stable_mosaic.version = 14 : i64} {
  func.func @_tc_mid_body(%arg0: i32, %arg1: memref<2048x128xf32, #tpu.memory_space<vmem>>, %arg2: memref<2048x64xf32, #tpu.memory_space<vmem>>, %arg3: memref<2048x8xf32, #tpu.memory_space<vmem>>, %arg4: memref<1x64xf32, #tpu.memory_space<vmem>>, %arg5: memref<64x64xf32, #tpu.memory_space<vmem>>, %arg6: memref<2048x64xf32, #tpu.memory_space<vmem>>, %arg7: memref<2048x128xf32, #tpu.memory_space<vmem>>) attributes {dimension_semantics = [#tpu.dimension_semantics<arbitrary>], iteration_bounds = array<i64: 5>, scalar_prefetch = 0 : i64, scratch_operands = 0 : i64, tpu.core_type = #tpu.core_type<tc>, window_params = [{transform_indices = @transform_0, window_bounds = array<i64: 2048, 128>}, {transform_indices = @transform_1, window_bounds = array<i64: 2048, 64>}, {transform_indices = @transform_2, window_bounds = array<i64: 2048, 8>}, {pipeline_mode = #tpu.pipeline_mode<synchronous>, transform_indices = @transform_3, window_bounds = array<i64: 1, 64>}, {pipeline_mode = #tpu.pipeline_mode<synchronous>, transform_indices = @transform_4, window_bounds = array<i64: 64, 64>}, {transform_indices = @transform_5, window_bounds = array<i64: 2048, 64>}, {transform_indices = @transform_6, window_bounds = array<i64: 2048, 128>}]} {
    %get3A = arith.constant 0 : index
    %get3A_0 = arith.constant 0 : index
    %get3A_1 = vector.load %arg3[%get3A, %get3A_0] : memref<2048x8xf32, #tpu.memory_space<vmem>>, vector<2048x1xf32>
    %iota3A = tpu.iota {dimensions = array<i32: 0>} : vector<2048x1xi32>
    %mul3A = arith.constant 2048 : i32
    %mul3A_2 = arith.muli %arg0, %mul3A : i32
    %add3A = vector.broadcast %mul3A_2 : i32 to vector<2048x1xi32>
    %add3A_3 = arith.addi %iota3A, %add3A : vector<2048x1xi32>
    %lt3A = arith.constant 10000 : i32
    %lt3A_4 = vector.broadcast %lt3A : i32 to vector<2048x1xi32>
    %lt3A_5 = arith.cmpi slt, %add3A_3, %lt3A_4 : vector<2048x1xi32>
    %rsqrt3A = math.rsqrt %get3A_1 : vector<2048x1xf32>
    %jit3A = arith.constant 0.000000e+00 : f32
    %broadcast_in_dim3A = vector.broadcast %jit3A : f32 to vector<2048x1xf32>
    %select_n3A = arith.select %lt3A_5, %rsqrt3A, %broadcast_in_dim3A : vector<2048x1xi1>, vector<2048x1xf32>
    %get3A_6 = arith.constant 0 : index
    %get3A_7 = arith.constant 0 : index
    %get3A_8 = vector.load %arg1[%get3A_6, %get3A_7] : memref<2048x128xf32, #tpu.memory_space<vmem>>, vector<2048x64xf32>
    %mul3A_9 = vector.broadcast %select_n3A : vector<2048x1xf32> to vector<2048x64xf32>
    %mul3A_10 = arith.mulf %mul3A_9, %get3A_8 : vector<2048x64xf32>
    %mul3A_11 = arith.mulf %select_n3A, %select_n3A : vector<2048x1xf32>
    %get3A_12 = arith.constant 0 : index
    %get3A_13 = arith.constant 0 : index
    %get3A_14 = vector.load %arg2[%get3A_12, %get3A_13] : memref<2048x64xf32, #tpu.memory_space<vmem>>, vector<2048x64xf32>
    %mul3A_15 = vector.broadcast %mul3A_11 : vector<2048x1xf32> to vector<2048x64xf32>
    %mul3A_16 = arith.mulf %mul3A_15, %get3A_14 : vector<2048x64xf32>
    %add3A_17 = arith.addf %mul3A_10, %mul3A_16 : vector<2048x64xf32>
    %get3A_18 = arith.constant 0 : index
    %get3A_19 = arith.constant 0 : index
    %get3A_20 = vector.load %arg4[%get3A_18, %get3A_19] : memref<1x64xf32, #tpu.memory_space<vmem>>, vector<1x64xf32>
    %add3A_21 = vector.broadcast %get3A_20 : vector<1x64xf32> to vector<2048x64xf32>
    %add3A_22 = arith.addf %add3A_17, %add3A_21 : vector<2048x64xf32>
    %max3A = arith.constant 0.000000e+00 : f32
    %max3A_23 = vector.broadcast %max3A : f32 to vector<2048x64xf32>
    %max3A_24 = arith.maximumf %add3A_22, %max3A_23 : vector<2048x64xf32>
    %get3A_25 = arith.constant 0 : index
    %get3A_26 = arith.constant 0 : index
    %get3A_27 = vector.load %arg5[%get3A_25, %get3A_26] : memref<64x64xf32, #tpu.memory_space<vmem>>, vector<64x64xf32>
    %dot_general3A = arith.constant dense<0.000000e+00> : vector<2048x64xf32>
    %dot_general3A_28 = tpu.matmul %max3A_24, %get3A_27, %dot_general3A {dimension_numbers = #tpu.dot_dimension_numbers<[1], [0], [0], [1], [0, 0, 1, 1], [], []>, transpose_lhs_hint = false} : vector<2048x64xf32>, vector<64x64xf32>, vector<2048x64xf32> -> vector<2048x64xf32>
    %swap3A = arith.constant 0 : index
    %swap3A_29 = arith.constant 0 : index
    %swap3A_30 = vector.load %arg6[%swap3A, %swap3A_29] : memref<2048x64xf32, #tpu.memory_space<vmem>>, vector<2048x64xf32>
    tpu.vector_store %arg6[%swap3A, %swap3A_29], %dot_general3A_28 {strides = array<i32>} : memref<2048x64xf32, #tpu.memory_space<vmem>>, vector<2048x64xf32>,
    %mul3A_31 = vector.broadcast %select_n3A : vector<2048x1xf32> to vector<2048x64xf32>
    %mul3A_32 = arith.mulf %dot_general3A_28, %mul3A_31 : vector<2048x64xf32>
    %broadcast_in_dim3A_33 = arith.constant 0.000000e+00 : f32
    %broadcast_in_dim3A_34 = vector.broadcast %broadcast_in_dim3A_33 : f32 to vector<2048x64xf32>
    %concatenate3A = tpu.concatenate %mul3A_32, %broadcast_in_dim3A_34 in 1 : vector<2048x64xf32>, vector<2048x64xf32> -> vector<2048x128xf32>
    %swap3A_35 = arith.constant 0 : index
    %swap3A_36 = arith.constant 0 : index
    %swap3A_37 = vector.load %arg7[%swap3A_35, %swap3A_36] : memref<2048x128xf32, #tpu.memory_space<vmem>>, vector<2048x128xf32>
    tpu.vector_store %arg7[%swap3A_35, %swap3A_36], %concatenate3A {strides = array<i32>} : memref<2048x128xf32, #tpu.memory_space<vmem>>, vector<2048x128xf32>,
    return
  }
  func.func @transform_0(%arg0: i32) -> (i32, i32) {
    %c0_i32 = arith.constant 0 : i32
    %c0_i32_0 = arith.constant 0 : i32
    return %arg0, %c0_i32 : i32, i32
  }
  func.func @transform_1(%arg0: i32) -> (i32, i32) {
    %c0_i32 = arith.constant 0 : i32
    %c0_i32_0 = arith.constant 0 : i32
    return %arg0, %c0_i32 : i32, i32
  }
  func.func @transform_2(%arg0: i32) -> (i32, i32) {
    %c0_i32 = arith.constant 0 : i32
    %c0_i32_0 = arith.constant 0 : i32
    return %arg0, %c0_i32 : i32, i32
  }
  func.func @transform_3(%arg0: i32) -> (i32, i32) {
    %c0_i32 = arith.constant 0 : i32
    %c0_i32_0 = arith.constant 0 : i32
    %c0_i32_1 = arith.constant 0 : i32
    return %c0_i32, %c0_i32_0 : i32, i32
  }
  func.func @transform_4(%arg0: i32) -> (i32, i32) {
    %c0_i32 = arith.constant 0 : i32
    %c0_i32_0 = arith.constant 0 : i32
    %c0_i32_1 = arith.constant 0 : i32
    return %c0_i32, %c0_i32_0 : i32, i32
  }
  func.func @transform_5(%arg0: i32) -> (i32, i32) {
    %c0_i32 = arith.constant 0 : i32
    %c0_i32_0 = arith.constant 0 : i32
    return %arg0, %c0_i32 : i32, i32
  }
  func.func @transform_6(%arg0: i32) -> (i32, i32) {
    %c0_i32 = arith.constant 0 : i32
    %c0_i32_0 = arith.constant 0 : i32
    return %arg0, %c0_i32 : i32, i32
  }
}

module attributes {stable_mosaic.version = 14 : i64} {
  func.func @_tc_last_body(%arg0: i32, %arg1: memref<1000x128xf32, #tpu.memory_space<vmem>>, %arg2: memref<1000x64xf32, #tpu.memory_space<vmem>>, %arg3: memref<1000x8xf32, #tpu.memory_space<vmem>>, %arg4: memref<1x64xf32, #tpu.memory_space<vmem>>, %arg5: memref<1000x40xf32, #tpu.memory_space<vmem>>) attributes {dimension_semantics = [#tpu.dimension_semantics<arbitrary>], iteration_bounds = array<i64: 10>, scalar_prefetch = 0 : i64, scratch_operands = 0 : i64, tpu.core_type = #tpu.core_type<tc>, window_params = [{transform_indices = @transform_0, window_bounds = array<i64: 1000, 128>}, {transform_indices = @transform_1, window_bounds = array<i64: 1000, 64>}, {transform_indices = @transform_2, window_bounds = array<i64: 1000, 8>}, {pipeline_mode = #tpu.pipeline_mode<synchronous>, transform_indices = @transform_3, window_bounds = array<i64: 1, 64>}, {transform_indices = @transform_4, window_bounds = array<i64: 1000, 40>}]} {
    %get3A = arith.constant 0 : index
    %get3A_0 = arith.constant 0 : index
    %get3A_1 = vector.load %arg3[%get3A, %get3A_0] : memref<1000x8xf32, #tpu.memory_space<vmem>>, vector<1000x1xf32>
    %rsqrt3A = math.rsqrt %get3A_1 : vector<1000x1xf32>
    %get3A_2 = arith.constant 0 : index
    %get3A_3 = arith.constant 0 : index
    %get3A_4 = vector.load %arg1[%get3A_2, %get3A_3] : memref<1000x128xf32, #tpu.memory_space<vmem>>, vector<1000x40xf32>
    %mul3A = vector.broadcast %rsqrt3A : vector<1000x1xf32> to vector<1000x40xf32>
    %mul3A_5 = arith.mulf %mul3A, %get3A_4 : vector<1000x40xf32>
    %mul3A_6 = arith.mulf %rsqrt3A, %rsqrt3A : vector<1000x1xf32>
    %get3A_7 = arith.constant 0 : index
    %get3A_8 = arith.constant 0 : index
    %get3A_9 = vector.load %arg2[%get3A_7, %get3A_8] : memref<1000x64xf32, #tpu.memory_space<vmem>>, vector<1000x40xf32>
    %mul3A_10 = vector.broadcast %mul3A_6 : vector<1000x1xf32> to vector<1000x40xf32>
    %mul3A_11 = arith.mulf %mul3A_10, %get3A_9 : vector<1000x40xf32>
    %add3A = arith.addf %mul3A_5, %mul3A_11 : vector<1000x40xf32>
    %get3A_12 = arith.constant 0 : index
    %get3A_13 = arith.constant 0 : index
    %get3A_14 = vector.load %arg4[%get3A_12, %get3A_13] : memref<1x64xf32, #tpu.memory_space<vmem>>, vector<1x40xf32>
    %add3A_15 = vector.broadcast %get3A_14 : vector<1x40xf32> to vector<1000x40xf32>
    %add3A_16 = arith.addf %add3A, %add3A_15 : vector<1000x40xf32>
    %swap3A = arith.constant 0 : index
    %swap3A_17 = arith.constant 0 : index
    %swap3A_18 = vector.load %arg5[%swap3A, %swap3A_17] : memref<1000x40xf32, #tpu.memory_space<vmem>>, vector<1000x40xf32>
    tpu.vector_store %arg5[%swap3A, %swap3A_17], %add3A_16 {strides = array<i32>} : memref<1000x40xf32, #tpu.memory_space<vmem>>, vector<1000x40xf32>,
    return
  }
  func.func @transform_0(%arg0: i32) -> (i32, i32) {
    %c0_i32 = arith.constant 0 : i32
    %c0_i32_0 = arith.constant 0 : i32
    return %arg0, %c0_i32 : i32, i32
  }
  func.func @transform_1(%arg0: i32) -> (i32, i32) {
    %c0_i32 = arith.constant 0 : i32
    %c0_i32_0 = arith.constant 0 : i32
    return %arg0, %c0_i32 : i32, i32
  }
  func.func @transform_2(%arg0: i32) -> (i32, i32) {
    %c0_i32 = arith.constant 0 : i32
    %c0_i32_0 = arith.constant 0 : i32
    return %arg0, %c0_i32 : i32, i32
  }
  func.func @transform_3(%arg0: i32) -> (i32, i32) {
    %c0_i32 = arith.constant 0 : i32
    %c0_i32_0 = arith.constant 0 : i32
    %c0_i32_1 = arith.constant 0 : i32
    return %c0_i32, %c0_i32_0 : i32, i32
  }
  func.func @transform_4(%arg0: i32) -> (i32, i32) {
    %c0_i32 = arith.constant 0 : i32
    %c0_i32_0 = arith.constant 0 : i32
    return %arg0, %c0_i32 : i32, i32
  }
}

</mosaic_0001>

<sc_bundles>
// kernel: kernel.11.cloned.1.call-start
scs
__scs_entry_jumppad:
0x0: {  	(pc) =	sbr.rel $0x88, $3  }
0x1: {  	(tag) =	ssettag $0x0;
	lr =	simm.s32 $0x1  }
0x2: {  	[smem:$0x3F99] =	sst lr;
	_ =	strace $0xD0000000  }
0x3: {  	_ = 	snop  }
0x4: {  	_ = 	snop  }
0x5: {  	_ = 	snop  }
0x6: {  	_ = 	snop  }
0x7: {  	_ = 	snop  }
__scs_overlays_trampoline_lowered:
0x8: {  	[smem:$0x3FA8] =	sst s0  }
0x9: {  	[smem:$0x3FA9] =	sst s1  }
0xa: {  	[smem:$0x3FAA] =	sst s2  }
0xb: {  	[smem:$0x3FAB] =	sst s3  }
0xc: {  	[smem:$0x3FAC] =	sst s4  }
0xd: {  	[smem:$0x3FAD] =	sst s5  }
0xe: {  	[smem:$0x3FAE] =	sst s6  }
0xf: {  	[smem:$0x3FAF] =	sst s7  }
0x10: {  	[smem:$0x3FB0] =	sst s8  }
0x11: {  	[smem:$0x3FB1] =	sst s9;
	s0 =	simm.s32 @!p0 $0x0  }
0x12: {  	s1 =	sld [smem:$0x3F97];
	s0 =	simm.s32 @p0 $0x1  }
0x13: {  	[smem:$0x3FB2] =	sst s0;
	s0 =	simm.s32 @!p1 $0x0  }
0x14: {  	s2 =	sld [smem:$0x3F96];
	s0 =	simm.s32 @p1 $0x1  }
0x15: {  	[smem:$0x3FB3] =	sst s0;
	s0 =	simm.s32 @!p2 $0x0  }
0x16: {  	s3 =	sld [smem:$0x3FDB];
	s0 =	simm.s32 @p2 $0x1  }
0x17: {  	s4 =	simm.s32 $0x1BF5;
	[smem:$0x3FB5] =	sst s0  }
0x18: {  	s0 =	sld [smem:$0x3F98];
	_ =	swait.ge [sflag:s4], $0x0  }
0x19: {  	s7 =	sld [smem:$0x3F99]  }
0x1a: {  	s8 =	sadd.s32 $0xFFFFE003, lr  }
0x1b: {  	s9 =	sadd.s32 $0xFFFFFEF7, lr;
	s5 =	simm.s32 $0xFFFFFFFF;
	p2 =	slt.u32 s8, $0xFFFFF086  }
0x1c: {  	p1 =	slt.u32 s9, $0xF7A;
	s5 =	simm.s32 @!p2 $0x0  }
0x1d: {  	s5 =	simm.s32 @p1 $0x1;
	p0 =	seq.s32 s7, s2  }
0x1e: {  	s7 =	smul.u32 @!p0 $0xF7A, s2;
	p2 =	seq.s32 @!p0 s5, $0x0  }
0x1f: {  	s9 =	smul.u32 $0xF7A, s1;
	s8 =	simm.s32 @!p0 $0x1BF5;
	p2 =	por !p2, p0  }
0x20: {  	[sflag:s8] =	ssyncset.s32 @!p0 $0xFFFFF086;
	s6 =	sadd.s32 @!p0 s3, s7;
	s7 =	simm.s32 @!p0 $0x108  }
0x21: {  	s3 =	sadd.s32 s3, s9;
	s6 =	sadd.s32 @!p0 $0x88, s6;
	s7 =	simm.s32 @p2 $0x1082  }
0x22: {  	[simem:s7], [sflag:s8] =	dma.local @!p0 [hbm:s6], $0xF7A  }
0x23: {  	s9 =	sor.u32 $0xD0000000, s2;
	s6 =	simm.s32 $0x108;
	_ =	swait.ge @!p0 [sflag:s8], $0x0  }
0x24: {  	s3 =	sadd.s32 $0x88, s3;
	s6 =	simm.s32 @!p1 $0x1082;
	[sflag:s4] =	ssyncset.s32 $0xFFFFF086  }
0x25: {  	[simem:s6], [sflag:s4] =	dma.local [hbm:s3], $0xF7A  }
0x26: {  	[smem:$0x3F99] =	sst s1;
	(tag) =	ssettag s2;
	_ =	strace s9  }
0x27: {  	s1 =	sld [smem:$0x3FA9]  }
0x28: {  	s2 =	sld [smem:$0x3FAA]  }
0x29: {  	s4 =	sld [smem:$0x3FAC]  }
0x2a: {  	p0 =	seq.s32 s5, $0x0;
	s5 =	sld [smem:$0x3FAD]  }
0x2b: {  	s6 =	sld [smem:$0x3FAE]  }
0x2c: {  	s7 =	sld [smem:$0x3FAF]  }
0x2d: {  	s3 =	simm.s32 $0x108;
	s8 =	sld [smem:$0x3FB0]  }
0x2e: {  	s3 =	simm.s32 @!p0 $0x1082;
	s9 =	sld [smem:$0x3FB1]  }
0x2f: {  	lr =	sadd.s32 s0, s3;
	s0 =	sld [smem:$0x3FA8]  }
0x30: {  	s3 =	sld [smem:$0x3FAB]  }
0x31: {  	[smem:$0x3FB4] =	sst s10  }
0x32: {  	s10 =	sld [smem:$0x3FB2];
	_ =	sdelay $0x3  }
0x33: {  	p0 =	seq.s32 s10, $0x1;
	s10 =	sld [smem:$0x3FB4];
	_ =	sdelay $0x3  }
0x34: {  	[smem:$0x3FB4] =	sst s10  }
0x35: {  	s10 =	sld [smem:$0x3FB3];
	_ =	sdelay $0x3  }
0x36: {  	p1 =	seq.s32 s10, $0x1;
	s10 =	sld [smem:$0x3FB4];
	_ =	sdelay $0x3  }
0x37: {  	[smem:$0x3FB4] =	sst s10  }
0x38: {  	s10 =	sld [smem:$0x3FB5]  }
0x39: {  	_ = 	snop;
	(pc) =	sbr.ind lr, $3  }
0x3a: {  	_ = 	snop  }
0x3b: {  	_ = 	snop  }
0x3c: {  	p2 =	seq.s32 s10, $0x1;
	s10 =	sld [smem:$0x3FB4]  }
0x3d: {  	_ =	shalt  }
0x3e: {  	_ =	shalt  }
0x3f: {  	_ =	shalt  }
0x40: {  	_ =	shalt  }
0x41: {  	_ =	shalt  }
0x42: {  	_ =	shalt  }
0x43: {  	_ =	shalt  }
0x44: {  	_ =	shalt  }
0x45: {  	_ =	shalt  }
0x46: {  	_ =	shalt  }
0x47: {  	_ =	shalt  }
0x48: {  	_ =	shalt  }
0x49: {  	_ =	shalt  }
0x4a: {  	_ =	shalt  }
0x4b: {  	_ =	shalt  }
0x4c: {  	_ =	shalt  }
0x4d: {  	_ =	shalt  }
0x4e: {  	_ =	shalt  }
0x4f: {  	_ =	shalt  }
0x50: {  	_ =	shalt  }
0x51: {  	_ =	shalt  }
0x52: {  	_ =	shalt  }
0x53: {  	_ =	shalt  }
0x54: {  	_ =	shalt  }
0x55: {  	_ =	shalt  }
0x56: {  	_ =	shalt  }
0x57: {  	_ =	shalt  }
0x58: {  	_ =	shalt  }
0x59: {  	_ =	shalt  }
0x5a: {  	_ =	shalt  }
0x5b: {  	_ =	shalt  }
0x5c: {  	_ =	shalt  }
0x5d: {  	_ =	shalt  }
0x5e: {  	_ =	shalt  }
0x5f: {  	_ =	shalt  }
0x60: {  	_ =	shalt  }
0x61: {  	_ =	shalt  }
0x62: {  	_ =	shalt  }
0x63: {  	_ =	shalt  }
0x64: {  	_ =	shalt  }
0x65: {  	_ =	shalt  }
0x66: {  	_ =	shalt  }
0x67: {  	_ =	shalt  }
0x68: {  	_ =	shalt  }
0x69: {  	_ =	shalt  }
0x6a: {  	_ =	shalt  }
0x6b: {  	_ =	shalt  }
0x6c: {  	_ =	shalt  }
0x6d: {  	_ =	shalt  }
0x6e: {  	_ =	shalt  }
0x6f: {  	_ =	shalt  }
0x70: {  	_ =	shalt  }
0x71: {  	_ =	shalt  }
0x72: {  	_ =	shalt  }
0x73: {  	_ =	shalt  }
0x74: {  	_ =	shalt  }
0x75: {  	_ =	shalt  }
0x76: {  	_ =	shalt  }
0x77: {  	_ =	shalt  }
0x78: {  	_ =	shalt  }
0x79: {  	_ =	shalt  }
0x7a: {  	_ =	shalt  }
0x7b: {  	_ =	shalt  }
0x7c: {  	_ =	shalt  }
0x7d: {  	_ =	shalt  }
0x7e: {  	_ =	shalt  }
0x7f: {  	_ =	shalt  }
0x80: {  	_ =	shalt  }
0x81: {  	_ =	shalt  }
0x82: {  	_ =	shalt  }
0x83: {  	_ =	shalt  }
0x84: {  	_ =	shalt  }
0x85: {  	_ =	shalt  }
0x86: {  	_ =	shalt  }
0x87: {  	_ =	shalt  }
.Lfunc_end0:
.L_simem_size_0:
called_computation_lowered:
.L_overlay_start_0:
0x88: {  	s2 =	sld [smem:$0x3FD9]  }
0x89: {  	s3 =	sld [smem:$0x3FFE];
	_ =	sdelay $0x1  }
0x8a: {  	s1 =	srdreg.scid  }
0x8b: {  	s0 =	sand.u32 $0x1, s1  }
0x8c: {  	s17 =	sshll.u32 s0, $0xA;
	s2 =	sadd.s32 s3, s2  }
0x8d: {  	s2 =	sadd.s32 s2, s17  }
0x8e: {  	[smem:$0x3FC0] =	sst s2  }
0x8f: {  	_ = 	snop  }
0x90: {  	s2 =	sld [smem:$0x3FD0];
	(tm) =	ssettm $0x1  }
0x91: {  	s18 =	sld [smem:$0x3FFB];
	_ =	sdelay $0x3  }
0x92: {  	_ =	strace s18  }
0x93: {  	s3 =	sld [smem:$0x3FFC];
	_ =	sdelay $0x3  }
0x94: {  	_ =	strace s3  }
0x95: {  	s3 =	sld [smem:$0x3FFD];
	_ =	sdelay $0x3  }
0x96: {  	_ =	strace s3  }
0x97: {  	_ =	strace $0x8FFFFFFF  }
0x98: {  	s19 =	sld [smem:$0x3FDB];
	_ =	sdelay $0x1  }
0x99: {  	s4 =	simm.s32 $_scs_section_size  }
0x9a: {  	s5 =	simm.s32 $_size__tile_overlayer_lowered;
	s6 =	simm.s32 $_tile_overlayer_lowered  }
0x9b: {  	s22 =	simm.s32 $0x1BFF;
	s21 =	sshll.u32 s6, $0x1;
	s3 =	sadd.s32 s4, s19  }
0x9c: {  	s7 =	simm.s32 $0x0;
	s20 =	sshll.u32 s5, $0x1;
	s5 =	sadd.s32 s21, s3  }
0x9d: {  	[timem:s7], [sflag:s22] =	dma.local [hbm:s5], s20  }
0x9e: {  	_ =	swait.ge [sflag:s22], s20  }
0x9f: {  	s4 =	ssub.s32 $0x0, s20;
	[sflag:s22] =	ssyncset.done $0x0  }
0xa0: {  	[sflag:s22] =	ssyncadd.s32 s4;
	_ =	sdelay $0x1  }
0xa1: {  	s23 =	simm.s32 $0x1B8B  }
0xa2: {  	_ =	swait.ge [sflag:s23], $0x1  }
0xa3: {  	[sflag:s23] =	ssyncset.done $0x0  }
0xa4: {  	s25 =	simm.s32 $0x1B8E;
	s24 =	sld [smem:$0x3FFE];
	[sflag:s23] =	ssyncadd.s32 $0xFFFFFFFF  }
0xa5: {  	s26 =	simm.s32 $execute0_lowered;
	[smem:$0x3FD2] =	sst s25  }
0xa6: {  	s5 =	sshll.u32 s26, $0x1;
	_ =	strace $0x80000046;
	[dreg:$0x1] =	wrdreg $0xFFFFFFFF  }
0xa7: {  	s28 =	simm.s32 $_size_execute0_lowered;
	s3 =	sadd.s32 s3, s5;
	[dreg:$0x0] =	wrdreg $0x0  }
0xa8: {  	s5 =	sshll.u32 s28, $0x1;
	[dreg:$0x2] =	wrdreg s3  }
0xa9: {  	[dreg:$0x3] =	wrdreg s5  }
0xaa: {  	[dreg:$0x4] =	wrdreg $0xC0  }
0xab: {  	_ =	task [dreg:s7], $0x5FFFF  }
0xac: {  	[dreg:$0x1] =	wrdreg $0xFFFFFFFF  }
0xad: {  	[dreg:$0x0] =	wrdreg $0x60  }
0xae: {  	[dreg:$0x2] =	wrdreg s24  }
0xaf: {  	[dreg:$0x3] =	wrdreg s2  }
0xb0: {  	[dreg:$0x4] =	wrdreg $0x2C000  }
0xb1: {  	[dreg:$0x5] =	wrdreg $0x9  }
0xb2: {  	_ =	task.clear_ibuf [dreg:s7], $0x6FFFF;
	_ =	strace $0x90000046  }
0xb3: {  	s29 =	simm.s32 $0x9;
	_ =	strace $0x80000048  }
0xb4: {  	_ =	swait.ge [sflag:s29], $0x1  }
0xb5: {  	[sflag:s29] =	ssyncadd.s32 $0xFFFFFFFF  }
0xb6: {  	_ =	strace $0x90000048  }
0xb7: {  	_ =	sfence  }
0xb8: {  	s30 =	sld [smem:$0x0];
	_ =	sdelay $0x2  }
0xb9: {  	s31 =	sshll.u32 s1, $0xD;
	s1 =	sshrl.u32 s1, $0x2  }
0xba: {  	s3 =	sand.u32 $0x4000, s31;
	s1 =	sadd.s32 s1, s30  }
0xbb: {  	s0 =	sor.u32 s3, s0;
	s1 =	sshll.u32 s1, $0x11  }
0xbc: {  	s0 =	sor.u32 s1, s0  }
0xbd: {  	s0 =	sadd.s32 $0x8F2B, s0  }
0xbe: {  	[sflag:s0] =	ssyncadd.remote.s32 $0x1  }
0xbf: {  	_ =	sfence.sel $0xFFFF  }
0xc0: {  	[dreg:$0x0] =	wrdreg $0xFFFFFFFF;
	(pc) =	sbr.abs _section_cstart, $3  }
0xc1: {  	[dreg:$0x1] =	wrdreg $0xFFFFFFFF  }
0xc2: {  	_ =	task.clear_ibuf [dreg:s7], $0x2FFFF;
	_ =	strace $0x9FFFFFFF  }
0xc3: {  	(tm) =	ssettm $0x7FFFFFFF  }
tec
execute0_lowered:
.L_overlay_start_1:
0x0: {  	(tag) =	ssettag $0x1  }
0x1: {  	s5 =	rddreg [dreg:$0x0]  }
0x2: {  	s1 =	srdreg.scid;
	s7 =	rddreg [dreg:$0x1]  }
0x3: {  	s0 =	stileid.u32;
	s2 =	rddreg [dreg:$0x2]  }
0x4: {  	s13 =	simm.s32 $0x80;
	s14 =	simm.s32 $0x0;
	s28 =	smul.u32 $0x5000, s0  }
0x5: {  	s4 =	sand.u32 $0x1, s1;
	s1 =	rddreg [dreg:$0x3];
	s8 =	smul.u32 $0x1400, s0  }
0x6: {  	s31 =	sshll.u32 s0, $0x6;
	s3 =	smul.u32 $0x2800, s4;
	s10 =	ssub.s32 $0x2, s4  }
0x7: {  	s11 =	smul.u32 $0x14000, s4;
	s4 =	sadd.s32 $0x17C00, s5;
	s9 =	sshrl.u32 s8, $0x3  }
0x8: {  	s29 =	sshrl.u32 s10, $0x1;
	s12 =	sadd.s32 s8, s2;
	s6 =	sadd.s32 s3, s28  }
0x9: {  	s3 =	simm.s32 $0x0;
	s9 =	sadd.s32 s9, s5;
	s10 =	ssub.s32 s10, s29  }
0xa: {  	s11 =	sadd.s32 s8, s11;
	s12 =	sshrl.u32 s12, $0x3;
	s6 =	sadd.s32 $0x50000, s6  }
0xb: {  	[smem:$0x7FF] =	sst s3;
	s30 =	sshrl.u32 s11, $0x3;
	s8 =	smax.u32 s10, $0x1  }
0xc: {  	s10 =	simm.s32 $0x2800;
	s11 =	sor.u32 $0x1C01, s31;
	s6 =	sshrl.u32 s6, $0x3  }
0xd: {  	_ =	strace $0x80000047;
	s7 =	sadd.s32 s7, s30;
	s6 =	sadd.s32 s6, s5  }
0xe: {  	s5 =	sadd.s32 $0x3C00, s6;
	s6 =	sadd.s32 $0x17E00, s9;
	s9 =	simm.s32 $0x1  }
.LBB2_1:
0xf: {  	[tilespmem:s3], [sflag:$0x1] =	stream.linear.gather [hbm4b:s5+s3], $0x2800, $0x38;
	[tilespmem:$0x4000] =	vst v63  }
0x10: {  	_ =	swait.ge [sflag:s9], $0x2800  }
0x11: {  	[sflag:s9] =	ssyncset.done $0x0  }
0x12: {  	[sflag:s9] =	ssyncadd.s32 $0xFFFFD800  }
0x13: {  	[tilespmem:s10], [sflag:$0x1] =	stream.linear.gather [hbm4b:s4+s3], $0x400, $0x38;
	[tilespmem:$0x4000] =	vst v63  }
0x14: {  	_ =	swait.ge [sflag:s9], $0x400  }
0x15: {  	[sflag:s9] =	ssyncset.done $0x0  }
0x16: {  	[sflag:s9] =	ssyncadd.s32 $0xFFFFFC00  }
0x17: {  	[spmem:s12], [sflag:s11] =	dma.local [hbm:s6], $0x280  }
0x18: {  	_ =	swait.ge [sflag:s9], $0x280  }
0x19: {  	[sflag:s9] =	ssyncset.done $0x0  }
0x1a: {  	[sflag:s9] =	ssyncadd.s32 $0xFFFFFD80  }
0x1b: {  	s15 =	simm.s32 $0x0;
	[bflag:$0x0] =	sbarrier.arrive $0xFFFF  }
0x1c: {  	[spmem:s2] =	stream.indirect.scatter.add.f32 [tilespmem:s10], [sflag:$0x1], $0x8, s15, s13, $0xb8;
	[tilespmem:$0x4000] =	vst v63  }
0x1d: {  	_ =	swait.ge [sflag:s9], $0x400  }
0x1e: {  	s15 =	simm.s32 $0x200;
	[sflag:s9] =	ssyncset.done $0x0  }
.LBB2_2:
0x1f: {  	s16 =	sshra.s32 s15, $0x2;
	[sflag:s9] =	ssyncadd.s32 $0xFFFFFC00;
	p0 =	sne.s32 s15, $0x9E00  }
0x20: {  	[spmem:s2] =	stream.indirect.scatter.add.f32 [tilespmem:s10], [sflag:$0x1], $0x8, s16, s13, $0xb8;
	[tilespmem:$0x4000] =	vst v63  }
.Ltmp0:
0x21: {  	_ = 	snop;
	(pc) =	sbr.rel @p0 .LBB2_2-.Ltmp0, $4  }
0x22: {  	_ = 	snop  }
0x23: {  	s15 =	sadd.s32 $0x200, s15  }
0x24: {  	_ =	swait.ge [sflag:s9], $0x400  }
0x25: {  	[sflag:s9] =	ssyncset.done $0x0  }
0x26: {  	s14 =	sadd.s32 $0x1, s14  }
0x27: {  	[sflag:s9] =	ssyncadd.s32 $0xFFFFFC00;
	p0 =	sne.s32 s14, s8  }
.Ltmp1:
0x28: {  	[bflag:$0x0] =	sbarrier.arrive $0xFFFF;
	(pc) =	sbr.rel @p0 .LBB2_1-.Ltmp1, $4  }
0x29: {  	[hbm:s7], [sflag:s11] =	dma.local [spmem:s12], $0x280  }
0x2a: {  	_ =	swait.ge [sflag:s9], $0x280  }
0x2b: {  	[sflag:s9] =	ssyncset.done $0x0  }
0x2c: {  	[sflag:s9] =	ssyncadd.s32 $0xFFFFFD80  }
0x2d: {  	_ =	sfence.sel $0x180000  }
0x2e: {  	[bflag:$0x0] =	sbarrier.arrive $0xFFFF  }
0x2f: {  	p0 =	sne.s32 s0, $0x0;
	_ =	strace $0x90000047  }
0x30: {  	s0 =	sadd.s32 @!p0 $0x100000, s1;
	[bflag:$0x2] =	sbarrier.arrive $0xFFFF  }
0x31: {  	[sflag:s0] =	ssyncadd.tile.s32 @!p0 $0x1;
	_ =	shalt  }
.Lfunc_end2:
_tile_overlayer_lowered:
.L_overlay_start_2:
0x32: {  	(tag) =	ssettag $0x2  }
0x33: {  	s0 =	rddreg [dreg:$0x0];
	s2 =	stileid.u32  }
0x34: {  	s1 =	rddreg [dreg:$0x1];
	p0 =	sne.s32 s2, $0x0  }
0x35: {  	s3 =	rddreg [dreg:$0x2];
	[bflag:$0x3] =	sbarrier.arrive $0xFFFF;
	s2 =	simm.s32 @!p0 $0x1C01  }
0x36: {  	[timem:s3], [sflag:s2] =	dma.local @!p0 [hbm:s0], s1  }
0x37: {  	s0 =	simm.s32 @!p0 $0x1  }
0x38: {  	_ =	swait.ge @!p0 [sflag:s0], s1  }
0x39: {  	s1 =	ssub.s32 @!p0 $0x0, s1;
	[sflag:s0] =	ssyncset.done @!p0 $0x0  }
0x3a: {  	[sflag:s0] =	ssyncadd.s32 @!p0 s1  }
0x3b: {  	[bflag:$0x3] =	sbarrier.arrive $0xFFFF  }
0x3c: {  	_ =	shalt  }

// kernel: kernel.14.cloned.1.call-start
scs
__scs_entry_jumppad:
0x0: {  	(pc) =	sbr.rel $0x88, $3  }
0x1: {  	(tag) =	ssettag $0x0;
	lr =	simm.s32 $0x1  }
0x2: {  	[smem:$0x3F99] =	sst lr;
	_ =	strace $0xD0000000  }
0x3: {  	_ = 	snop  }
0x4: {  	_ = 	snop  }
0x5: {  	_ = 	snop  }
0x6: {  	_ = 	snop  }
0x7: {  	_ = 	snop  }
__scs_overlays_trampoline_lowered:
0x8: {  	[smem:$0x3FA8] =	sst s0  }
0x9: {  	[smem:$0x3FA9] =	sst s1  }
0xa: {  	[smem:$0x3FAA] =	sst s2  }
0xb: {  	[smem:$0x3FAB] =	sst s3  }
0xc: {  	[smem:$0x3FAC] =	sst s4  }
0xd: {  	[smem:$0x3FAD] =	sst s5  }
0xe: {  	[smem:$0x3FAE] =	sst s6  }
0xf: {  	[smem:$0x3FAF] =	sst s7  }
0x10: {  	[smem:$0x3FB0] =	sst s8  }
0x11: {  	[smem:$0x3FB1] =	sst s9;
	s0 =	simm.s32 @!p0 $0x0  }
0x12: {  	s1 =	sld [smem:$0x3F97];
	s0 =	simm.s32 @p0 $0x1  }
0x13: {  	[smem:$0x3FB2] =	sst s0;
	s0 =	simm.s32 @!p1 $0x0  }
0x14: {  	s2 =	sld [smem:$0x3F96];
	s0 =	simm.s32 @p1 $0x1  }
0x15: {  	[smem:$0x3FB3] =	sst s0;
	s0 =	simm.s32 @!p2 $0x0  }
0x16: {  	s3 =	sld [smem:$0x3FDB];
	s0 =	simm.s32 @p2 $0x1  }
0x17: {  	s4 =	simm.s32 $0x1BF5;
	[smem:$0x3FB5] =	sst s0  }
0x18: {  	s0 =	sld [smem:$0x3F98];
	_ =	swait.ge [sflag:s4], $0x0  }
0x19: {  	s7 =	sld [smem:$0x3F99]  }
0x1a: {  	s8 =	sadd.s32 $0xFFFFE003, lr  }
0x1b: {  	s9 =	sadd.s32 $0xFFFFFEF7, lr;
	s5 =	simm.s32 $0xFFFFFFFF;
	p2 =	slt.u32 s8, $0xFFFFF086  }
0x1c: {  	p1 =	slt.u32 s9, $0xF7A;
	s5 =	simm.s32 @!p2 $0x0  }
0x1d: {  	s5 =	simm.s32 @p1 $0x1;
	p0 =	seq.s32 s7, s2  }
0x1e: {  	s7 =	smul.u32 @!p0 $0xF7A, s2;
	p2 =	seq.s32 @!p0 s5, $0x0  }
0x1f: {  	s9 =	smul.u32 $0xF7A, s1;
	s8 =	simm.s32 @!p0 $0x1BF5;
	p2 =	por !p2, p0  }
0x20: {  	[sflag:s8] =	ssyncset.s32 @!p0 $0xFFFFF086;
	s6 =	sadd.s32 @!p0 s3, s7;
	s7 =	simm.s32 @!p0 $0x108  }
0x21: {  	s3 =	sadd.s32 s3, s9;
	s6 =	sadd.s32 @!p0 $0x88, s6;
	s7 =	simm.s32 @p2 $0x1082  }
0x22: {  	[simem:s7], [sflag:s8] =	dma.local @!p0 [hbm:s6], $0xF7A  }
0x23: {  	s9 =	sor.u32 $0xD0000000, s2;
	s6 =	simm.s32 $0x108;
	_ =	swait.ge @!p0 [sflag:s8], $0x0  }
0x24: {  	s3 =	sadd.s32 $0x88, s3;
	s6 =	simm.s32 @!p1 $0x1082;
	[sflag:s4] =	ssyncset.s32 $0xFFFFF086  }
0x25: {  	[simem:s6], [sflag:s4] =	dma.local [hbm:s3], $0xF7A  }
0x26: {  	[smem:$0x3F99] =	sst s1;
	(tag) =	ssettag s2;
	_ =	strace s9  }
0x27: {  	s1 =	sld [smem:$0x3FA9]  }
0x28: {  	s2 =	sld [smem:$0x3FAA]  }
0x29: {  	s4 =	sld [smem:$0x3FAC]  }
0x2a: {  	p0 =	seq.s32 s5, $0x0;
	s5 =	sld [smem:$0x3FAD]  }
0x2b: {  	s6 =	sld [smem:$0x3FAE]  }
0x2c: {  	s7 =	sld [smem:$0x3FAF]  }
0x2d: {  	s3 =	simm.s32 $0x108;
	s8 =	sld [smem:$0x3FB0]  }
0x2e: {  	s3 =	simm.s32 @!p0 $0x1082;
	s9 =	sld [smem:$0x3FB1]  }
0x2f: {  	lr =	sadd.s32 s0, s3;
	s0 =	sld [smem:$0x3FA8]  }
0x30: {  	s3 =	sld [smem:$0x3FAB]  }
0x31: {  	[smem:$0x3FB4] =	sst s10  }
0x32: {  	s10 =	sld [smem:$0x3FB2];
	_ =	sdelay $0x3  }
0x33: {  	p0 =	seq.s32 s10, $0x1;
	s10 =	sld [smem:$0x3FB4];
	_ =	sdelay $0x3  }
0x34: {  	[smem:$0x3FB4] =	sst s10  }
0x35: {  	s10 =	sld [smem:$0x3FB3];
	_ =	sdelay $0x3  }
0x36: {  	p1 =	seq.s32 s10, $0x1;
	s10 =	sld [smem:$0x3FB4];
	_ =	sdelay $0x3  }
0x37: {  	[smem:$0x3FB4] =	sst s10  }
0x38: {  	s10 =	sld [smem:$0x3FB5]  }
0x39: {  	_ = 	snop;
	(pc) =	sbr.ind lr, $3  }
0x3a: {  	_ = 	snop  }
0x3b: {  	_ = 	snop  }
0x3c: {  	p2 =	seq.s32 s10, $0x1;
	s10 =	sld [smem:$0x3FB4]  }
0x3d: {  	_ =	shalt  }
0x3e: {  	_ =	shalt  }
0x3f: {  	_ =	shalt  }
0x40: {  	_ =	shalt  }
0x41: {  	_ =	shalt  }
0x42: {  	_ =	shalt  }
0x43: {  	_ =	shalt  }
0x44: {  	_ =	shalt  }
0x45: {  	_ =	shalt  }
0x46: {  	_ =	shalt  }
0x47: {  	_ =	shalt  }
0x48: {  	_ =	shalt  }
0x49: {  	_ =	shalt  }
0x4a: {  	_ =	shalt  }
0x4b: {  	_ =	shalt  }
0x4c: {  	_ =	shalt  }
0x4d: {  	_ =	shalt  }
0x4e: {  	_ =	shalt  }
0x4f: {  	_ =	shalt  }
0x50: {  	_ =	shalt  }
0x51: {  	_ =	shalt  }
0x52: {  	_ =	shalt  }
0x53: {  	_ =	shalt  }
0x54: {  	_ =	shalt  }
0x55: {  	_ =	shalt  }
0x56: {  	_ =	shalt  }
0x57: {  	_ =	shalt  }
0x58: {  	_ =	shalt  }
0x59: {  	_ =	shalt  }
0x5a: {  	_ =	shalt  }
0x5b: {  	_ =	shalt  }
0x5c: {  	_ =	shalt  }
0x5d: {  	_ =	shalt  }
0x5e: {  	_ =	shalt  }
0x5f: {  	_ =	shalt  }
0x60: {  	_ =	shalt  }
0x61: {  	_ =	shalt  }
0x62: {  	_ =	shalt  }
0x63: {  	_ =	shalt  }
0x64: {  	_ =	shalt  }
0x65: {  	_ =	shalt  }
0x66: {  	_ =	shalt  }
0x67: {  	_ =	shalt  }
0x68: {  	_ =	shalt  }
0x69: {  	_ =	shalt  }
0x6a: {  	_ =	shalt  }
0x6b: {  	_ =	shalt  }
0x6c: {  	_ =	shalt  }
0x6d: {  	_ =	shalt  }
0x6e: {  	_ =	shalt  }
0x6f: {  	_ =	shalt  }
0x70: {  	_ =	shalt  }
0x71: {  	_ =	shalt  }
0x72: {  	_ =	shalt  }
0x73: {  	_ =	shalt  }
0x74: {  	_ =	shalt  }
0x75: {  	_ =	shalt  }
0x76: {  	_ =	shalt  }
0x77: {  	_ =	shalt  }
0x78: {  	_ =	shalt  }
0x79: {  	_ =	shalt  }
0x7a: {  	_ =	shalt  }
0x7b: {  	_ =	shalt  }
0x7c: {  	_ =	shalt  }
0x7d: {  	_ =	shalt  }
0x7e: {  	_ =	shalt  }
0x7f: {  	_ =	shalt  }
0x80: {  	_ =	shalt  }
0x81: {  	_ =	shalt  }
0x82: {  	_ =	shalt  }
0x83: {  	_ =	shalt  }
0x84: {  	_ =	shalt  }
0x85: {  	_ =	shalt  }
0x86: {  	_ =	shalt  }
0x87: {  	_ =	shalt  }
.Lfunc_end0:
.L_simem_size_0:
called_computation.1_lowered:
.L_overlay_start_0:
0x88: {  	s2 =	sld [smem:$0x3FD9]  }
0x89: {  	s3 =	sld [smem:$0x3FFE];
	_ =	sdelay $0x1  }
0x8a: {  	s1 =	srdreg.scid  }
0x8b: {  	s0 =	sand.u32 $0x1, s1  }
0x8c: {  	s17 =	sshll.u32 s0, $0xA;
	s2 =	sadd.s32 s3, s2  }
0x8d: {  	s2 =	sadd.s32 s2, s17  }
0x8e: {  	[smem:$0x3FC0] =	sst s2  }
0x8f: {  	_ = 	snop  }
0x90: {  	s2 =	sld [smem:$0x3FD0];
	(tm) =	ssettm $0x1  }
0x91: {  	s18 =	sld [smem:$0x3FFB];
	_ =	sdelay $0x3  }
0x92: {  	_ =	strace s18  }
0x93: {  	s3 =	sld [smem:$0x3FFC];
	_ =	sdelay $0x3  }
0x94: {  	_ =	strace s3  }
0x95: {  	s3 =	sld [smem:$0x3FFD];
	_ =	sdelay $0x3  }
0x96: {  	_ =	strace s3  }
0x97: {  	_ =	strace $0x8FFFFFFF  }
0x98: {  	s19 =	sld [smem:$0x3FDB];
	_ =	sdelay $0x1  }
0x99: {  	s4 =	simm.s32 $_scs_section_size  }
0x9a: {  	s5 =	simm.s32 $_size__tile_overlayer_lowered;
	s6 =	simm.s32 $_tile_overlayer_lowered  }
0x9b: {  	s22 =	simm.s32 $0x1BFF;
	s21 =	sshll.u32 s6, $0x1;
	s3 =	sadd.s32 s4, s19  }
0x9c: {  	s7 =	simm.s32 $0x0;
	s20 =	sshll.u32 s5, $0x1;
	s5 =	sadd.s32 s21, s3  }
0x9d: {  	[timem:s7], [sflag:s22] =	dma.local [hbm:s5], s20  }
0x9e: {  	_ =	swait.ge [sflag:s22], s20  }
0x9f: {  	s4 =	ssub.s32 $0x0, s20;
	[sflag:s22] =	ssyncset.done $0x0  }
0xa0: {  	[sflag:s22] =	ssyncadd.s32 s4;
	_ =	sdelay $0x1  }
0xa1: {  	s23 =	simm.s32 $0x1B8B  }
0xa2: {  	_ =	swait.ge [sflag:s23], $0x1  }
0xa3: {  	[sflag:s23] =	ssyncset.done $0x0  }
0xa4: {  	s25 =	simm.s32 $0x1B8E;
	s24 =	sld [smem:$0x3FFE];
	[sflag:s23] =	ssyncadd.s32 $0xFFFFFFFF  }
0xa5: {  	s26 =	simm.s32 $execute0_lowered;
	[smem:$0x3FD2] =	sst s25  }
0xa6: {  	s5 =	sshll.u32 s26, $0x1;
	_ =	strace $0x80000049;
	[dreg:$0x1] =	wrdreg $0xFFFFFFFF  }
0xa7: {  	s28 =	simm.s32 $_size_execute0_lowered;
	s3 =	sadd.s32 s3, s5;
	[dreg:$0x0] =	wrdreg $0x0  }
0xa8: {  	s5 =	sshll.u32 s28, $0x1;
	[dreg:$0x2] =	wrdreg s3  }
0xa9: {  	[dreg:$0x3] =	wrdreg s5  }
0xaa: {  	[dreg:$0x4] =	wrdreg $0xC0  }
0xab: {  	_ =	task [dreg:s7], $0x5FFFF  }
0xac: {  	[dreg:$0x1] =	wrdreg $0xFFFFFFFF  }
0xad: {  	[dreg:$0x0] =	wrdreg $0x60  }
0xae: {  	[dreg:$0x2] =	wrdreg s24  }
0xaf: {  	[dreg:$0x3] =	wrdreg s2  }
0xb0: {  	[dreg:$0x4] =	wrdreg $0x170000  }
0xb1: {  	[dreg:$0x5] =	wrdreg $0x120000  }
0xb2: {  	[dreg:$0x6] =	wrdreg $0x9  }
0xb3: {  	_ =	task.clear_ibuf [dreg:s7], $0x7FFFF;
	_ =	strace $0x90000049  }
0xb4: {  	s29 =	simm.s32 $0x9;
	_ =	strace $0x8000004B  }
0xb5: {  	_ =	swait.ge [sflag:s29], $0x1  }
0xb6: {  	[sflag:s29] =	ssyncadd.s32 $0xFFFFFFFF  }
0xb7: {  	_ =	strace $0x9000004B  }
0xb8: {  	_ =	sfence  }
0xb9: {  	s30 =	sld [smem:$0x0];
	_ =	sdelay $0x2  }
0xba: {  	s31 =	sshll.u32 s1, $0xD;
	s1 =	sshrl.u32 s1, $0x2  }
0xbb: {  	s3 =	sand.u32 $0x4000, s31;
	s1 =	sadd.s32 s1, s30  }
0xbc: {  	s0 =	sor.u32 s3, s0;
	s1 =	sshll.u32 s1, $0x11  }
0xbd: {  	s0 =	sor.u32 s1, s0  }
0xbe: {  	s0 =	sadd.s32 $0x8F2B, s0  }
0xbf: {  	[sflag:s0] =	ssyncadd.remote.s32 $0x1  }
0xc0: {  	_ =	sfence.sel $0xFFFF  }
0xc1: {  	[dreg:$0x0] =	wrdreg $0xFFFFFFFF;
	(pc) =	sbr.abs _section_cstart, $3  }
0xc2: {  	[dreg:$0x1] =	wrdreg $0xFFFFFFFF  }
0xc3: {  	_ =	task.clear_ibuf [dreg:s7], $0x2FFFF;
	_ =	strace $0x9FFFFFFF  }
0xc4: {  	(tm) =	ssettm $0x7FFFFFFF  }
0xc5: {  	_ =	shalt  }
tec
execute0_lowered:
.L_overlay_start_1:
0x0: {  	(tag) =	ssettag $0x1  }
0x1: {  	s0 =	rddreg [dreg:$0x0]  }
0x2: {  	s1 =	rddreg [dreg:$0x1]  }
0x3: {  	s2 =	rddreg [dreg:$0x2]  }
0x4: {  	s3 =	rddreg [dreg:$0x3]  }
0x5: {  	s13 =	stileid.u32;
	s5 =	srdreg.scid;
	s4 =	simm.s32 $0x0  }
0x6: {  	s11 =	simm.s32 $0x3;
	s12 =	simm.s32 $0x5000;
	s16 =	simm.s32 $0x1  }
0x7: {  	s17 =	simm.s32 $0x4;
	s18 =	simm.s32 $0x10;
	s19 =	simm.s32 $0x80  }
0x8: {  	s20 =	simm.s32 $0xA000;
	s21 =	simm.s32 $0xB000;
	s28 =	simm.s32 $0xE000  }
0x9: {  	s30 =	simm.s32 $0xF000;
	s31 =	simm.s32 $0x2;
	s6 =	smul.u32 $0x14000, s13  }
0xa: {  	s5 =	sand.u32 $0x1, s5;
	[smem:$0x7FF] =	sst s4;
	s8 =	smul.u32 $0x5000, s13  }
0xb: {  	s29 =	sshll.u32 s13, $0x6;
	s7 =	sshll.u32 s5, $0x5;
	_ =	strace $0x8000004A  }
0xc: {  	s5 =	ssub.s32 $0x2, s5;
	s13 =	sor.u32 $0x1C03, s29;
	s6 =	sor.u32 s7, s6  }
0xd: {  	s22 =	sshrl.u32 s8, $0x3;
	s23 =	sshrl.u32 s5, $0x1;
	s14 =	sadd.s32 s8, s2  }
0xe: {  	s26 =	sadd.s32 s8, s3;
	s6 =	sshrl.u32 s6, $0x3;
	s9 =	sadd.s32 s22, s0  }
0xf: {  	s5 =	ssub.s32 s5, s23;
	s1 =	sadd.s32 s1, s22;
	s14 =	sshrl.u32 s14, $0x3  }
0x10: {  	s15 =	sshrl.u32 s26, $0x3;
	s23 =	simm.s32 $0xC000;
	s22 =	simm.s32 $0x11000  }
0x11: {  	s0 =	sadd.s32 s6, s0;
	s24 =	sadd.s32 $0x3C00, s9;
	[dreg:$0x7] =	wrdreg s1  }
0x12: {  	s25 =	sadd.s32 $0xDC00, s9;
	s10 =	smax.u32 s5, $0x1;
	[dreg:$0x5] =	wrdreg s24  }
0x13: {  	s1 =	simm.s32 $0x0;
	[dreg:$0x6] =	wrdreg s25;
	s8 =	sadd.s32 $0x17C00, s0  }
0x14: {  	s9 =	sadd.s32 $0x67C00, s0;
	s25 =	simm.s32 $0xD000;
	s0 =	simm.s32 $0x10000  }
.LBB2_1:
0x15: {  	s5 =	rddreg [dreg:$0x5]  }
0x16: {  	[tilespmem:s4], [sflag:$0x3] =	stream.linear.gather [hbm4b:s5+s4], $0x5000, $0x38;
	[tilespmem:$0x1C000] =	vst v63  }
0x17: {  	_ =	swait.ge [sflag:s11], $0x5000  }
0x18: {  	[sflag:s11] =	ssyncset.done $0x0  }
0x19: {  	s6 =	rddreg [dreg:$0x6];
	[sflag:s11] =	ssyncadd.s32 $0xFFFFB000  }
0x1a: {  	[tilespmem:s12], [sflag:$0x3] =	stream.linear.gather [hbm4b:s6+s4], $0x5000, $0x38;
	[tilespmem:$0x1C000] =	vst v63  }
0x1b: {  	_ =	swait.ge [sflag:s11], $0x5000  }
0x1c: {  	[sflag:s11] =	ssyncset.done $0x0  }
0x1d: {  	s7 =	rddreg [dreg:$0x7];
	[sflag:s11] =	ssyncadd.s32 $0xFFFFB000  }
0x1e: {  	[spmem:s14], [sflag:s13] =	dma.local [hbm:s7], $0xA00  }
0x1f: {  	_ =	swait.ge [sflag:s11], $0xA00  }
0x20: {  	[sflag:s11] =	ssyncset.done $0x0  }
0x21: {  	[sflag:s11] =	ssyncadd.s32 $0xFFFFF600  }
0x22: {  	[spmem:s15@s17], [sflag:s13] =	dma.strided [hbm:s8@s18], $0xA00, s16, $0x4   }
0x23: {  	_ =	swait.ge [sflag:s11], $0xA00  }
0x24: {  	[sflag:s11] =	ssyncset.done $0x0  }
0x25: {  	[sflag:s11] =	ssyncadd.s32 $0xFFFFF600  }
0x26: {  	[bflag:$0x0] =	sbarrier.arrive $0xFFFF  }
0x27: {  	[tilespmem:s20], [sflag:$0x1] =	stream.indirect.gather [spmem:s3], $0x20, s4, s19, $0xb8;
	[tilespmem:$0x1C000] =	vst v63  }
0x28: {  	_ = 	snop  }
0x29: {  	[tilespmem:s21], [sflag:$0x1] =	stream.indirect.gather [spmem:s3], $0x20, s19, s19, $0xb8;
	[tilespmem:$0x1C000] =	vst v63  }
0x2a: {  	s24 =	simm.s32 $0x100  }
0x2b: {  	[tilespmem:s23], [sflag:$0x1] =	stream.indirect.gather [spmem:s3], $0x20, s24, s19, $0xb8;
	[tilespmem:$0x1C000] =	vst v63  }
0x2c: {  	s26 =	simm.s32 $0x180  }
0x2d: {  	[tilespmem:s25], [sflag:$0x1] =	stream.indirect.gather [spmem:s3], $0x20, s26, s19, $0xb8;
	[tilespmem:$0x1C000] =	vst v63  }
0x2e: {  	s6 =	simm.s32 $0x200  }
0x2f: {  	[tilespmem:s28], [sflag:$0x1] =	stream.indirect.gather [spmem:s3], $0x20, s6, s19, $0xb8;
	[tilespmem:$0x1C000] =	vst v63  }
0x30: {  	s7 =	simm.s32 $0x280  }
0x31: {  	[tilespmem:s30], [sflag:$0x1] =	stream.indirect.gather [spmem:s3], $0x20, s7, s19, $0xb8;
	[tilespmem:$0x1C000] =	vst v63  }
0x32: {  	s24 =	simm.s32 $0x300  }
0x33: {  	[tilespmem:s0], [sflag:$0x1] =	stream.indirect.gather [spmem:s3], $0x20, s24, s19, $0xb8;
	[tilespmem:$0x1C000] =	vst v63  }
0x34: {  	s26 =	simm.s32 $0x380  }
0x35: {  	[tilespmem:s22], [sflag:$0x1] =	stream.indirect.gather [spmem:s3], $0x20, s26, s19, $0xb8;
	[tilespmem:$0x1C000] =	vst v63  }
0x36: {  	_ =	swait.ge [sflag:s16], $0x1000  }
0x37: {  	[sflag:s16] =	ssyncset.done $0x0  }
0x38: {  	[sflag:s16] =	ssyncadd.s32 $0xFFFFF000  }
0x39: {  	_ =	swait.ge [sflag:s16], $0x1000  }
0x3a: {  	[sflag:s16] =	ssyncset.done $0x0  }
0x3b: {  	[sflag:s16] =	ssyncadd.s32 $0xFFFFF000  }
0x3c: {  	_ =	swait.ge [sflag:s16], $0x1000  }
0x3d: {  	[sflag:s16] =	ssyncset.done $0x0  }
0x3e: {  	[sflag:s16] =	ssyncadd.s32 $0xFFFFF000  }
0x3f: {  	_ =	swait.ge [sflag:s16], $0x1000  }
0x40: {  	[sflag:s16] =	ssyncset.done $0x0  }
0x41: {  	[sflag:s16] =	ssyncadd.s32 $0xFFFFF000  }
0x42: {  	[spmem:s2] =	stream.indirect.scatter.add.f32 [tilespmem:s20], [sflag:$0x2], $0x20, s12, s19, $0xb8;
	[tilespmem:$0x1C000] =	vst v63  }
0x43: {  	s6 =	simm.s32 $0x5080  }
0x44: {  	[spmem:s2] =	stream.indirect.scatter.add.f32 [tilespmem:s21], [sflag:$0x2], $0x20, s6, s19, $0xb8;
	[tilespmem:$0x1C000] =	vst v63  }
0x45: {  	s7 =	simm.s32 $0x5100  }
0x46: {  	[spmem:s2] =	stream.indirect.scatter.add.f32 [tilespmem:s23], [sflag:$0x2], $0x20, s7, s19, $0xb8;
	[tilespmem:$0x1C000] =	vst v63  }
0x47: {  	s24 =	simm.s32 $0x5180  }
0x48: {  	[spmem:s2] =	stream.indirect.scatter.add.f32 [tilespmem:s25], [sflag:$0x2], $0x20, s24, s19, $0xb8;
	[tilespmem:$0x1C000] =	vst v63  }
0x49: {  	_ =	swait.ge [sflag:s31], $0x1000  }
0x4a: {  	[sflag:s31] =	ssyncset.done $0x0  }
0x4b: {  	[sflag:s31] =	ssyncadd.s32 $0xFFFFF000  }
0x4c: {  	_ =	swait.ge [sflag:s31], $0x1000  }
0x4d: {  	[sflag:s31] =	ssyncset.done $0x0  }
0x4e: {  	[sflag:s31] =	ssyncadd.s32 $0xFFFFF000  }
0x4f: {  	_ =	swait.ge [sflag:s31], $0x1000  }
0x50: {  	[sflag:s31] =	ssyncset.done $0x0  }
0x51: {  	[sflag:s31] =	ssyncadd.s32 $0xFFFFF000  }
0x52: {  	s26 =	simm.s32 $0x8000;
	_ =	swait.ge [sflag:s31], $0x1000  }
0x53: {  	s5 =	sand.u32 $0x4000, s26;
	[sflag:s31] =	ssyncset.done $0x0  }
0x54: {  	s26 =	simm.s32 $0x400;
	s24 =	sor.u32 $0xA000, s5;
	[sflag:s31] =	ssyncadd.s32 $0xFFFFF000  }
0x55: {  	[tilespmem:s24], [sflag:$0x1] =	stream.indirect.gather [spmem:s3], $0x20, s26, s19, $0xb8;
	[tilespmem:$0x1C000] =	vst v63  }
0x56: {  	s6 =	sor.u32 $0xB000, s5;
	s7 =	simm.s32 $0x480  }
0x57: {  	[tilespmem:s6], [sflag:$0x1] =	stream.indirect.gather [spmem:s3], $0x20, s7, s19, $0xb8;
	[tilespmem:$0x1C000] =	vst v63  }
0x58: {  	s26 =	sadd.s32 $0xC000, s5;
	s6 =	simm.s32 $0x500  }
0x59: {  	[tilespmem:s26], [sflag:$0x1] =	stream.indirect.gather [spmem:s3], $0x20, s6, s19, $0xb8;
	[tilespmem:$0x1C000] =	vst v63  }
0x5a: {  	s5 =	sadd.s32 $0xD000, s5;
	s7 =	simm.s32 $0x580  }
0x5b: {  	[tilespmem:s5], [sflag:$0x1] =	stream.indirect.gather [spmem:s3], $0x20, s7, s19, $0xb8;
	[tilespmem:$0x1C000] =	vst v63  }
0x5c: {  	_ =	swait.ge [sflag:s16], $0x1000  }
0x5d: {  	[sflag:s16] =	ssyncset.done $0x0  }
0x5e: {  	[sflag:s16] =	ssyncadd.s32 $0xFFFFF000  }
0x5f: {  	_ =	swait.ge [sflag:s16], $0x1000  }
0x60: {  	[sflag:s16] =	ssyncset.done $0x0  }
0x61: {  	[sflag:s16] =	ssyncadd.s32 $0xFFFFF000  }
0x62: {  	_ =	swait.ge [sflag:s16], $0x1000  }
0x63: {  	[sflag:s16] =	ssyncset.done $0x0  }
0x64: {  	[sflag:s16] =	ssyncadd.s32 $0xFFFFF000  }
0x65: {  	s29 =	simm.s32 $0x5380;
	s26 =	simm.s32 $0x4000;
	_ =	swait.ge [sflag:s16], $0x1000  }
0x66: {  	s24 =	simm.s32 $0x800;
	s5 =	sand.u32 $0x4000, s26;
	[sflag:s16] =	ssyncset.done $0x0  }
0x67: {  	s7 =	simm.s32 $0x5200;
	s6 =	sor.u32 $0xA000, s5;
	[sflag:s16] =	ssyncadd.s32 $0xFFFFF000  }
0x68: {  	[spmem:s2] =	stream.indirect.scatter.add.f32 [tilespmem:s6], [sflag:$0x2], $0x20, s7, s19, $0xb8;
	[tilespmem:$0x1C000] =	vst v63  }
0x69: {  	s26 =	simm.s32 $0xC000;
	s6 =	sor.u32 $0xB000, s5;
	s7 =	simm.s32 $0x5280  }
0x6a: {  	[spmem:s2] =	stream.indirect.scatter.add.f32 [tilespmem:s6], [sflag:$0x2], $0x20, s7, s19, $0xb8;
	[tilespmem:$0x1C000] =	vst v63  }
0x6b: {  	s6 =	sadd.s32 $0xC000, s5;
	s7 =	simm.s32 $0x5300;
	s5 =	sadd.s32 $0xD000, s5  }
0x6c: {  	[spmem:s2] =	stream.indirect.scatter.add.f32 [tilespmem:s6], [sflag:$0x2], $0x20, s7, s19, $0xb8;
	[tilespmem:$0x1C000] =	vst v63  }
.LBB2_2:
0x6d: {  	[spmem:s2] =	stream.indirect.scatter.add.f32 [tilespmem:s5], [sflag:$0x2], $0x20, s29, s19, $0xb8;
	[tilespmem:$0x1C000] =	vst v63  }
0x6e: {  	s5 =	smov.u32 s24  }
0x6f: {  	p0 =	sne.s32 s24, $0x12800;
	s24 =	sadd.s32 $0x800, s24;
	_ =	swait.ge [sflag:s31], $0x1000  }
0x70: {  	[sflag:s31] =	ssyncset.done $0x0  }
0x71: {  	[sflag:s31] =	ssyncadd.s32 $0xFFFFF000  }
0x72: {  	_ =	swait.ge [sflag:s31], $0x1000  }
0x73: {  	[sflag:s31] =	ssyncset.done $0x0  }
0x74: {  	[sflag:s31] =	ssyncadd.s32 $0xFFFFF000  }
0x75: {  	_ =	swait.ge [sflag:s31], $0x1000  }
0x76: {  	[sflag:s31] =	ssyncset.done $0x0  }
0x77: {  	[sflag:s31] =	ssyncadd.s32 $0xFFFFF000  }
0x78: {  	_ =	swait.ge [sflag:s31], $0x1000  }
0x79: {  	s6 =	sand.u32 $0x4000, s26;
	s29 =	sshra.s32 s5, $0x2;
	[sflag:s31] =	ssyncset.done $0x0  }
0x7a: {  	s5 =	sor.u32 $0xA000, s6;
	s7 =	sadd.s32 $0x400, s29;
	[sflag:s31] =	ssyncadd.s32 $0xFFFFF000  }
0x7b: {  	[tilespmem:s5], [sflag:$0x1] =	stream.indirect.gather [spmem:s3], $0x20, s7, s19, $0xb8;
	[tilespmem:$0x1C000] =	vst v63  }
0x7c: {  	s5 =	sor.u32 $0xB000, s6;
	s7 =	sadd.s32 $0x480, s29  }
0x7d: {  	[tilespmem:s5], [sflag:$0x1] =	stream.indirect.gather [spmem:s3], $0x20, s7, s19, $0xb8;
	[tilespmem:$0x1C000] =	vst v63  }
0x7e: {  	s5 =	sadd.s32 $0xC000, s6;
	s7 =	sadd.s32 $0x500, s29  }
0x7f: {  	[tilespmem:s5], [sflag:$0x1] =	stream.indirect.gather [spmem:s3], $0x20, s7, s19, $0xb8;
	[tilespmem:$0x1C000] =	vst v63  }
0x80: {  	s5 =	sadd.s32 $0xD000, s6;
	s6 =	sadd.s32 $0x580, s29  }
0x81: {  	[tilespmem:s5], [sflag:$0x1] =	stream.indirect.gather [spmem:s3], $0x20, s6, s19, $0xb8;
	[tilespmem:$0x1C000] =	vst v63  }
0x82: {  	_ =	swait.ge [sflag:s16], $0x1000  }
0x83: {  	[sflag:s16] =	ssyncset.done $0x0  }
0x84: {  	[sflag:s16] =	ssyncadd.s32 $0xFFFFF000  }
0x85: {  	_ =	swait.ge [sflag:s16], $0x1000  }
0x86: {  	[sflag:s16] =	ssyncset.done $0x0  }
0x87: {  	[sflag:s16] =	ssyncadd.s32 $0xFFFFF000  }
0x88: {  	_ =	swait.ge [sflag:s16], $0x1000  }
0x89: {  	[sflag:s16] =	ssyncset.done $0x0  }
0x8a: {  	[sflag:s16] =	ssyncadd.s32 $0xFFFFF000  }
0x8b: {  	s5 =	sadd.s32 $0xFFFFC000, s26;
	_ =	swait.ge [sflag:s16], $0x1000  }
0x8c: {  	s5 =	sand.u32 $0x4000, s5;
	[sflag:s16] =	ssyncset.done $0x0  }
0x8d: {  	s7 =	sadd.s32 $0x5200, s29;
	s6 =	sor.u32 $0xA000, s5;
	[sflag:s16] =	ssyncadd.s32 $0xFFFFF000  }
0x8e: {  	[spmem:s2] =	stream.indirect.scatter.add.f32 [tilespmem:s6], [sflag:$0x2], $0x20, s7, s19, $0xb8;
	[tilespmem:$0x1C000] =	vst v63  }
.Ltmp0:
0x8f: {  	s6 =	sor.u32 $0xB000, s5;
	s7 =	sadd.s32 $0x5280, s29;
	(pc) =	sbr.rel @p0 .LBB2_2-.Ltmp0, $4  }
0x90: {  	[spmem:s2] =	stream.indirect.scatter.add.f32 [tilespmem:s6], [sflag:$0x2], $0x20, s7, s19, $0xb8;
	[tilespmem:$0x1C000] =	vst v63  }
0x91: {  	s6 =	sadd.s32 $0xC000, s5;
	s7 =	sadd.s32 $0x5300, s29  }
0x92: {  	[spmem:s2] =	stream.indirect.scatter.add.f32 [tilespmem:s6], [sflag:$0x2], $0x20, s7, s19, $0xb8;
	[tilespmem:$0x1C000] =	vst v63  }
0x93: {  	s26 =	sadd.s32 $0x4000, s26;
	s5 =	sadd.s32 $0xD000, s5;
	s29 =	sadd.s32 $0x5380, s29  }
0x94: {  	[spmem:s2] =	stream.indirect.scatter.add.f32 [tilespmem:s5], [sflag:$0x2], $0x20, s29, s19, $0xb8;
	[tilespmem:$0x1C000] =	vst v63  }
0x95: {  	_ =	swait.ge [sflag:s31], $0x1000  }
0x96: {  	[sflag:s31] =	ssyncset.done $0x0  }
0x97: {  	[sflag:s31] =	ssyncadd.s32 $0xFFFFF000  }
0x98: {  	_ =	swait.ge [sflag:s31], $0x1000  }
0x99: {  	[sflag:s31] =	ssyncset.done $0x0  }
0x9a: {  	[sflag:s31] =	ssyncadd.s32 $0xFFFFF000  }
0x9b: {  	_ =	swait.ge [sflag:s31], $0x1000  }
0x9c: {  	[sflag:s31] =	ssyncset.done $0x0  }
0x9d: {  	[sflag:s31] =	ssyncadd.s32 $0xFFFFF000  }
0x9e: {  	_ =	swait.ge [sflag:s31], $0x1000  }
0x9f: {  	[sflag:s31] =	ssyncset.done $0x0  }
0xa0: {  	[sflag:s31] =	ssyncadd.s32 $0xFFFFF000  }
0xa1: {  	_ =	swait.ge [sflag:s16], $0x1000  }
0xa2: {  	[sflag:s16] =	ssyncset.done $0x0  }
0xa3: {  	[sflag:s16] =	ssyncadd.s32 $0xFFFFF000  }
0xa4: {  	_ =	swait.ge [sflag:s16], $0x1000  }
0xa5: {  	[sflag:s16] =	ssyncset.done $0x0  }
0xa6: {  	[sflag:s16] =	ssyncadd.s32 $0xFFFFF000  }
0xa7: {  	_ =	swait.ge [sflag:s16], $0x1000  }
0xa8: {  	[sflag:s16] =	ssyncset.done $0x0  }
0xa9: {  	[sflag:s16] =	ssyncadd.s32 $0xFFFFF000  }
0xaa: {  	_ =	swait.ge [sflag:s16], $0x1000  }
0xab: {  	[sflag:s16] =	ssyncset.done $0x0  }
0xac: {  	s7 =	simm.s32 $0x9E00;
	[sflag:s16] =	ssyncadd.s32 $0xFFFFF000  }
0xad: {  	[spmem:s2] =	stream.indirect.scatter.add.f32 [tilespmem:s28], [sflag:$0x2], $0x20, s7, s19, $0xb8;
	[tilespmem:$0x1C000] =	vst v63  }
0xae: {  	s24 =	simm.s32 $0x9E80  }
0xaf: {  	[spmem:s2] =	stream.indirect.scatter.add.f32 [tilespmem:s30], [sflag:$0x2], $0x20, s24, s19, $0xb8;
	[tilespmem:$0x1C000] =	vst v63  }
0xb0: {  	s26 =	simm.s32 $0x9F00  }
0xb1: {  	[spmem:s2] =	stream.indirect.scatter.add.f32 [tilespmem:s0], [sflag:$0x2], $0x20, s26, s19, $0xb8;
	[tilespmem:$0x1C000] =	vst v63  }
0xb2: {  	s29 =	simm.s32 $0x9F80  }
0xb3: {  	[spmem:s2] =	stream.indirect.scatter.add.f32 [tilespmem:s22], [sflag:$0x2], $0x20, s29, s19, $0xb8;
	[tilespmem:$0x1C000] =	vst v63  }
0xb4: {  	_ =	swait.ge [sflag:s31], $0x1000  }
0xb5: {  	[sflag:s31] =	ssyncset.done $0x0  }
0xb6: {  	[sflag:s31] =	ssyncadd.s32 $0xFFFFF000  }
0xb7: {  	_ =	swait.ge [sflag:s31], $0x1000  }
0xb8: {  	[sflag:s31] =	ssyncset.done $0x0  }
0xb9: {  	[sflag:s31] =	ssyncadd.s32 $0xFFFFF000  }
0xba: {  	_ =	swait.ge [sflag:s31], $0x1000  }
0xbb: {  	[sflag:s31] =	ssyncset.done $0x0  }
0xbc: {  	[sflag:s31] =	ssyncadd.s32 $0xFFFFF000  }
0xbd: {  	_ =	swait.ge [sflag:s31], $0x1000  }
0xbe: {  	s1 =	sadd.s32 $0x1, s1;
	[sflag:s31] =	ssyncset.done $0x0  }
0xbf: {  	p0 =	sne.s32 s1, s10;
	[sflag:s31] =	ssyncadd.s32 $0xFFFFF000  }
.Ltmp1:
0xc0: {  	[bflag:$0x0] =	sbarrier.arrive $0xFFFF;
	(pc) =	sbr.rel @p0 .LBB2_1-.Ltmp1, $4  }
0xc1: {  	[hbm:s9@s18], [sflag:s13] =	dma.strided [spmem:s14@s17], $0xA00, s16, $0x4   }
0xc2: {  	_ =	swait.ge [sflag:s11], $0xA00  }
0xc3: {  	[sflag:s11] =	ssyncset.done $0x0  }
0xc4: {  	[sflag:s11] =	ssyncadd.s32 $0xFFFFF600  }
0xc5: {  	_ =	sfence.sel $0x180000  }
0xc6: {  	[bflag:$0x0] =	sbarrier.arrive $0xFFFF  }
0xc7: {  	_ =	strace $0x9000004A  }
0xc8: {  	s0 =	stileid.u32;
	[bflag:$0x2] =	sbarrier.arrive $0xFFFF  }
0xc9: {  	p0 =	sne.s32 s0, $0x0;
	s0 =	rddreg [dreg:$0x4]  }
0xca: {  	s0 =	sadd.s32 @!p0 $0x100000, s0  }
0xcb: {  	[sflag:s0] =	ssyncadd.tile.s32 @!p0 $0x1;
	_ =	shalt  }
.Lfunc_end2:
_tile_overlayer_lowered:
.L_overlay_start_2:
0xcc: {  	(tag) =	ssettag $0x2  }
0xcd: {  	s0 =	rddreg [dreg:$0x0];
	s2 =	stileid.u32  }
0xce: {  	s1 =	rddreg [dreg:$0x1];
	p0 =	sne.s32 s2, $0x0  }
0xcf: {  	s3 =	rddreg [dreg:$0x2];
	[bflag:$0x3] =	sbarrier.arrive $0xFFFF;
	s2 =	simm.s32 @!p0 $0x1C03  }
0xd0: {  	[timem:s3], [sflag:s2] =	dma.local @!p0 [hbm:s0], s1  }
0xd1: {  	s0 =	simm.s32 @!p0 $0x3  }
0xd2: {  	_ =	swait.ge @!p0 [sflag:s0], s1  }
0xd3: {  	s1 =	ssub.s32 @!p0 $0x0, s1;
	[sflag:s0] =	ssyncset.done @!p0 $0x0  }
0xd4: {  	[sflag:s0] =	ssyncadd.s32 @!p0 s1  }
0xd5: {  	[bflag:$0x3] =	sbarrier.arrive $0xFFFF  }
0xd6: {  	_ =	shalt  }

// kernel: kernel.17.cloned.1.call-start
scs
__scs_entry_jumppad:
0x0: {  	(pc) =	sbr.rel $0x88, $3  }
0x1: {  	(tag) =	ssettag $0x0;
	lr =	simm.s32 $0x1  }
0x2: {  	[smem:$0x3F99] =	sst lr;
	_ =	strace $0xD0000000  }
0x3: {  	_ = 	snop  }
0x4: {  	_ = 	snop  }
0x5: {  	_ = 	snop  }
0x6: {  	_ = 	snop  }
0x7: {  	_ = 	snop  }
__scs_overlays_trampoline_lowered:
0x8: {  	[smem:$0x3FA8] =	sst s0  }
0x9: {  	[smem:$0x3FA9] =	sst s1  }
0xa: {  	[smem:$0x3FAA] =	sst s2  }
0xb: {  	[smem:$0x3FAB] =	sst s3  }
0xc: {  	[smem:$0x3FAC] =	sst s4  }
0xd: {  	[smem:$0x3FAD] =	sst s5  }
0xe: {  	[smem:$0x3FAE] =	sst s6  }
0xf: {  	[smem:$0x3FAF] =	sst s7  }
0x10: {  	[smem:$0x3FB0] =	sst s8  }
0x11: {  	[smem:$0x3FB1] =	sst s9;
	s0 =	simm.s32 @!p0 $0x0  }
0x12: {  	s1 =	sld [smem:$0x3F97];
	s0 =	simm.s32 @p0 $0x1  }
0x13: {  	[smem:$0x3FB2] =	sst s0;
	s0 =	simm.s32 @!p1 $0x0  }
0x14: {  	s2 =	sld [smem:$0x3F96];
	s0 =	simm.s32 @p1 $0x1  }
0x15: {  	[smem:$0x3FB3] =	sst s0;
	s0 =	simm.s32 @!p2 $0x0  }
0x16: {  	s3 =	sld [smem:$0x3FDB];
	s0 =	simm.s32 @p2 $0x1  }
0x17: {  	s4 =	simm.s32 $0x1BF5;
	[smem:$0x3FB5] =	sst s0  }
0x18: {  	s0 =	sld [smem:$0x3F98];
	_ =	swait.ge [sflag:s4], $0x0  }
0x19: {  	s7 =	sld [smem:$0x3F99]  }
0x1a: {  	s8 =	sadd.s32 $0xFFFFE003, lr  }
0x1b: {  	s9 =	sadd.s32 $0xFFFFFEF7, lr;
	s5 =	simm.s32 $0xFFFFFFFF;
	p2 =	slt.u32 s8, $0xFFFFF086  }
0x1c: {  	p1 =	slt.u32 s9, $0xF7A;
	s5 =	simm.s32 @!p2 $0x0  }
0x1d: {  	s5 =	simm.s32 @p1 $0x1;
	p0 =	seq.s32 s7, s2  }
0x1e: {  	s7 =	smul.u32 @!p0 $0xF7A, s2;
	p2 =	seq.s32 @!p0 s5, $0x0  }
0x1f: {  	s9 =	smul.u32 $0xF7A, s1;
	s8 =	simm.s32 @!p0 $0x1BF5;
	p2 =	por !p2, p0  }
0x20: {  	[sflag:s8] =	ssyncset.s32 @!p0 $0xFFFFF086;
	s6 =	sadd.s32 @!p0 s3, s7;
	s7 =	simm.s32 @!p0 $0x108  }
0x21: {  	s3 =	sadd.s32 s3, s9;
	s6 =	sadd.s32 @!p0 $0x88, s6;
	s7 =	simm.s32 @p2 $0x1082  }
0x22: {  	[simem:s7], [sflag:s8] =	dma.local @!p0 [hbm:s6], $0xF7A  }
0x23: {  	s9 =	sor.u32 $0xD0000000, s2;
	s6 =	simm.s32 $0x108;
	_ =	swait.ge @!p0 [sflag:s8], $0x0  }
0x24: {  	s3 =	sadd.s32 $0x88, s3;
	s6 =	simm.s32 @!p1 $0x1082;
	[sflag:s4] =	ssyncset.s32 $0xFFFFF086  }
0x25: {  	[simem:s6], [sflag:s4] =	dma.local [hbm:s3], $0xF7A  }
0x26: {  	[smem:$0x3F99] =	sst s1;
	(tag) =	ssettag s2;
	_ =	strace s9  }
0x27: {  	s1 =	sld [smem:$0x3FA9]  }
0x28: {  	s2 =	sld [smem:$0x3FAA]  }
0x29: {  	s4 =	sld [smem:$0x3FAC]  }
0x2a: {  	p0 =	seq.s32 s5, $0x0;
	s5 =	sld [smem:$0x3FAD]  }
0x2b: {  	s6 =	sld [smem:$0x3FAE]  }
0x2c: {  	s7 =	sld [smem:$0x3FAF]  }
0x2d: {  	s3 =	simm.s32 $0x108;
	s8 =	sld [smem:$0x3FB0]  }
0x2e: {  	s3 =	simm.s32 @!p0 $0x1082;
	s9 =	sld [smem:$0x3FB1]  }
0x2f: {  	lr =	sadd.s32 s0, s3;
	s0 =	sld [smem:$0x3FA8]  }
0x30: {  	s3 =	sld [smem:$0x3FAB]  }
0x31: {  	[smem:$0x3FB4] =	sst s10  }
0x32: {  	s10 =	sld [smem:$0x3FB2];
	_ =	sdelay $0x3  }
0x33: {  	p0 =	seq.s32 s10, $0x1;
	s10 =	sld [smem:$0x3FB4];
	_ =	sdelay $0x3  }
0x34: {  	[smem:$0x3FB4] =	sst s10  }
0x35: {  	s10 =	sld [smem:$0x3FB3];
	_ =	sdelay $0x3  }
0x36: {  	p1 =	seq.s32 s10, $0x1;
	s10 =	sld [smem:$0x3FB4];
	_ =	sdelay $0x3  }
0x37: {  	[smem:$0x3FB4] =	sst s10  }
0x38: {  	s10 =	sld [smem:$0x3FB5]  }
0x39: {  	_ = 	snop;
	(pc) =	sbr.ind lr, $3  }
0x3a: {  	_ = 	snop  }
0x3b: {  	_ = 	snop  }
0x3c: {  	p2 =	seq.s32 s10, $0x1;
	s10 =	sld [smem:$0x3FB4]  }
0x3d: {  	_ =	shalt  }
0x3e: {  	_ =	shalt  }
0x3f: {  	_ =	shalt  }
0x40: {  	_ =	shalt  }
0x41: {  	_ =	shalt  }
0x42: {  	_ =	shalt  }
0x43: {  	_ =	shalt  }
0x44: {  	_ =	shalt  }
0x45: {  	_ =	shalt  }
0x46: {  	_ =	shalt  }
0x47: {  	_ =	shalt  }
0x48: {  	_ =	shalt  }
0x49: {  	_ =	shalt  }
0x4a: {  	_ =	shalt  }
0x4b: {  	_ =	shalt  }
0x4c: {  	_ =	shalt  }
0x4d: {  	_ =	shalt  }
0x4e: {  	_ =	shalt  }
0x4f: {  	_ =	shalt  }
0x50: {  	_ =	shalt  }
0x51: {  	_ =	shalt  }
0x52: {  	_ =	shalt  }
0x53: {  	_ =	shalt  }
0x54: {  	_ =	shalt  }
0x55: {  	_ =	shalt  }
0x56: {  	_ =	shalt  }
0x57: {  	_ =	shalt  }
0x58: {  	_ =	shalt  }
0x59: {  	_ =	shalt  }
0x5a: {  	_ =	shalt  }
0x5b: {  	_ =	shalt  }
0x5c: {  	_ =	shalt  }
0x5d: {  	_ =	shalt  }
0x5e: {  	_ =	shalt  }
0x5f: {  	_ =	shalt  }
0x60: {  	_ =	shalt  }
0x61: {  	_ =	shalt  }
0x62: {  	_ =	shalt  }
0x63: {  	_ =	shalt  }
0x64: {  	_ =	shalt  }
0x65: {  	_ =	shalt  }
0x66: {  	_ =	shalt  }
0x67: {  	_ =	shalt  }
0x68: {  	_ =	shalt  }
0x69: {  	_ =	shalt  }
0x6a: {  	_ =	shalt  }
0x6b: {  	_ =	shalt  }
0x6c: {  	_ =	shalt  }
0x6d: {  	_ =	shalt  }
0x6e: {  	_ =	shalt  }
0x6f: {  	_ =	shalt  }
0x70: {  	_ =	shalt  }
0x71: {  	_ =	shalt  }
0x72: {  	_ =	shalt  }
0x73: {  	_ =	shalt  }
0x74: {  	_ =	shalt  }
0x75: {  	_ =	shalt  }
0x76: {  	_ =	shalt  }
0x77: {  	_ =	shalt  }
0x78: {  	_ =	shalt  }
0x79: {  	_ =	shalt  }
0x7a: {  	_ =	shalt  }
0x7b: {  	_ =	shalt  }
0x7c: {  	_ =	shalt  }
0x7d: {  	_ =	shalt  }
0x7e: {  	_ =	shalt  }
0x7f: {  	_ =	shalt  }
0x80: {  	_ =	shalt  }
0x81: {  	_ =	shalt  }
0x82: {  	_ =	shalt  }
0x83: {  	_ =	shalt  }
0x84: {  	_ =	shalt  }
0x85: {  	_ =	shalt  }
0x86: {  	_ =	shalt  }
0x87: {  	_ =	shalt  }
.Lfunc_end0:
.L_simem_size_0:
called_computation.2_lowered:
.L_overlay_start_0:
0x88: {  	s2 =	sld [smem:$0x3FD9]  }
0x89: {  	s3 =	sld [smem:$0x3FFE];
	_ =	sdelay $0x1  }
0x8a: {  	s1 =	srdreg.scid  }
0x8b: {  	s0 =	sand.u32 $0x1, s1  }
0x8c: {  	s17 =	sshll.u32 s0, $0xA;
	s2 =	sadd.s32 s3, s2  }
0x8d: {  	s2 =	sadd.s32 s2, s17  }
0x8e: {  	[smem:$0x3FC0] =	sst s2  }
0x8f: {  	_ = 	snop  }
0x90: {  	s2 =	sld [smem:$0x3FD0];
	(tm) =	ssettm $0x1  }
0x91: {  	s18 =	sld [smem:$0x3FFB];
	_ =	sdelay $0x3  }
0x92: {  	_ =	strace s18  }
0x93: {  	s3 =	sld [smem:$0x3FFC];
	_ =	sdelay $0x3  }
0x94: {  	_ =	strace s3  }
0x95: {  	s3 =	sld [smem:$0x3FFD];
	_ =	sdelay $0x3  }
0x96: {  	_ =	strace s3  }
0x97: {  	_ =	strace $0x8FFFFFFF  }
0x98: {  	s19 =	sld [smem:$0x3FDB];
	_ =	sdelay $0x1  }
0x99: {  	s4 =	simm.s32 $_scs_section_size  }
0x9a: {  	s5 =	simm.s32 $_size__tile_overlayer_lowered;
	s6 =	simm.s32 $_tile_overlayer_lowered  }
0x9b: {  	s22 =	simm.s32 $0x1BFF;
	s21 =	sshll.u32 s6, $0x1;
	s3 =	sadd.s32 s4, s19  }
0x9c: {  	s7 =	simm.s32 $0x0;
	s20 =	sshll.u32 s5, $0x1;
	s5 =	sadd.s32 s21, s3  }
0x9d: {  	[timem:s7], [sflag:s22] =	dma.local [hbm:s5], s20  }
0x9e: {  	_ =	swait.ge [sflag:s22], s20  }
0x9f: {  	s4 =	ssub.s32 $0x0, s20;
	[sflag:s22] =	ssyncset.done $0x0  }
0xa0: {  	[sflag:s22] =	ssyncadd.s32 s4;
	_ =	sdelay $0x1  }
0xa1: {  	s23 =	simm.s32 $0x1B8B  }
0xa2: {  	_ =	swait.ge [sflag:s23], $0x1  }
0xa3: {  	[sflag:s23] =	ssyncset.done $0x0  }
0xa4: {  	s25 =	simm.s32 $0x1B8E;
	s24 =	sld [smem:$0x3FFE];
	[sflag:s23] =	ssyncadd.s32 $0xFFFFFFFF  }
0xa5: {  	s26 =	simm.s32 $execute0_lowered;
	[smem:$0x3FD2] =	sst s25  }
0xa6: {  	s5 =	sshll.u32 s26, $0x1;
	_ =	strace $0x8000004C;
	[dreg:$0x1] =	wrdreg $0xFFFFFFFF  }
0xa7: {  	s28 =	simm.s32 $_size_execute0_lowered;
	s3 =	sadd.s32 s3, s5;
	[dreg:$0x0] =	wrdreg $0x0  }
0xa8: {  	s5 =	sshll.u32 s28, $0x1;
	[dreg:$0x2] =	wrdreg s3  }
0xa9: {  	[dreg:$0x3] =	wrdreg s5  }
0xaa: {  	[dreg:$0x4] =	wrdreg $0xC0  }
0xab: {  	_ =	task [dreg:s7], $0x5FFFF  }
0xac: {  	[dreg:$0x1] =	wrdreg $0xFFFFFFFF  }
0xad: {  	[dreg:$0x0] =	wrdreg $0x60  }
0xae: {  	[dreg:$0x2] =	wrdreg s24  }
0xaf: {  	[dreg:$0x3] =	wrdreg s2  }
0xb0: {  	[dreg:$0x4] =	wrdreg $0x170000  }
0xb1: {  	[dreg:$0x5] =	wrdreg $0x120000  }
0xb2: {  	[dreg:$0x6] =	wrdreg $0x9  }
0xb3: {  	_ =	task.clear_ibuf [dreg:s7], $0x7FFFF;
	_ =	strace $0x9000004C  }
0xb4: {  	s29 =	simm.s32 $0x9;
	_ =	strace $0x8000004E  }
0xb5: {  	_ =	swait.ge [sflag:s29], $0x1  }
0xb6: {  	[sflag:s29] =	ssyncadd.s32 $0xFFFFFFFF  }
0xb7: {  	_ =	strace $0x9000004E  }
0xb8: {  	_ =	sfence  }
0xb9: {  	s30 =	sld [smem:$0x0];
	_ =	sdelay $0x2  }
0xba: {  	s31 =	sshll.u32 s1, $0xD;
	s1 =	sshrl.u32 s1, $0x2  }
0xbb: {  	s3 =	sand.u32 $0x4000, s31;
	s1 =	sadd.s32 s1, s30  }
0xbc: {  	s0 =	sor.u32 s3, s0;
	s1 =	sshll.u32 s1, $0x11  }
0xbd: {  	s0 =	sor.u32 s1, s0  }
0xbe: {  	s0 =	sadd.s32 $0x8F2B, s0  }
0xbf: {  	[sflag:s0] =	ssyncadd.remote.s32 $0x1  }
0xc0: {  	_ =	sfence.sel $0xFFFF  }
0xc1: {  	[dreg:$0x0] =	wrdreg $0xFFFFFFFF;
	(pc) =	sbr.abs _section_cstart, $3  }
0xc2: {  	[dreg:$0x1] =	wrdreg $0xFFFFFFFF  }
0xc3: {  	_ =	task.clear_ibuf [dreg:s7], $0x2FFFF;
	_ =	strace $0x9FFFFFFF  }
0xc4: {  	(tm) =	ssettm $0x7FFFFFFF  }
0xc5: {  	_ =	shalt  }
tec
execute0_lowered:
.L_overlay_start_1:
0x0: {  	(tag) =	ssettag $0x1  }
0x1: {  	s0 =	rddreg [dreg:$0x0]  }
0x2: {  	s1 =	rddreg [dreg:$0x1]  }
0x3: {  	s2 =	rddreg [dreg:$0x2]  }
0x4: {  	s3 =	rddreg [dreg:$0x3]  }
0x5: {  	s13 =	stileid.u32;
	s5 =	srdreg.scid;
	s4 =	simm.s32 $0x0  }
0x6: {  	s11 =	simm.s32 $0x3;
	s12 =	simm.s32 $0x5000;
	s16 =	simm.s32 $0x1  }
0x7: {  	s17 =	simm.s32 $0x4;
	s18 =	simm.s32 $0x10;
	s19 =	simm.s32 $0x80  }
0x8: {  	s20 =	simm.s32 $0xA000;
	s21 =	simm.s32 $0xB000;
	s28 =	simm.s32 $0xE000  }
0x9: {  	s30 =	simm.s32 $0xF000;
	s31 =	simm.s32 $0x2;
	s6 =	smul.u32 $0x14000, s13  }
0xa: {  	s5 =	sand.u32 $0x1, s5;
	[smem:$0x7FF] =	sst s4;
	s8 =	smul.u32 $0x5000, s13  }
0xb: {  	s29 =	sshll.u32 s13, $0x6;
	s7 =	sshll.u32 s5, $0x5;
	_ =	strace $0x8000004D  }
0xc: {  	s5 =	ssub.s32 $0x2, s5;
	s13 =	sor.u32 $0x1C03, s29;
	s6 =	sor.u32 s7, s6  }
0xd: {  	s22 =	sshrl.u32 s8, $0x3;
	s23 =	sshrl.u32 s5, $0x1;
	s14 =	sadd.s32 s8, s2  }
0xe: {  	s26 =	sadd.s32 s8, s3;
	s6 =	sshrl.u32 s6, $0x3;
	s9 =	sadd.s32 s22, s0  }
0xf: {  	s5 =	ssub.s32 s5, s23;
	s1 =	sadd.s32 s1, s22;
	s14 =	sshrl.u32 s14, $0x3  }
0x10: {  	s15 =	sshrl.u32 s26, $0x3;
	s23 =	simm.s32 $0xC000;
	s22 =	simm.s32 $0x11000  }
0x11: {  	s0 =	sadd.s32 s6, s0;
	s24 =	sadd.s32 $0x3C00, s9;
	[dreg:$0x7] =	wrdreg s1  }
0x12: {  	s25 =	sadd.s32 $0xDC00, s9;
	s10 =	smax.u32 s5, $0x1;
	[dreg:$0x5] =	wrdreg s24  }
0x13: {  	s1 =	simm.s32 $0x0;
	[dreg:$0x6] =	wrdreg s25;
	s8 =	sadd.s32 $0x17C00, s0  }
0x14: {  	s9 =	sadd.s32 $0x67C00, s0;
	s25 =	simm.s32 $0xD000;
	s0 =	simm.s32 $0x10000  }
.LBB2_1:
0x15: {  	s5 =	rddreg [dreg:$0x5]  }
0x16: {  	[tilespmem:s4], [sflag:$0x3] =	stream.linear.gather [hbm4b:s5+s4], $0x5000, $0x38;
	[tilespmem:$0x1C000] =	vst v63  }
0x17: {  	_ =	swait.ge [sflag:s11], $0x5000  }
0x18: {  	[sflag:s11] =	ssyncset.done $0x0  }
0x19: {  	s6 =	rddreg [dreg:$0x6];
	[sflag:s11] =	ssyncadd.s32 $0xFFFFB000  }
0x1a: {  	[tilespmem:s12], [sflag:$0x3] =	stream.linear.gather [hbm4b:s6+s4], $0x5000, $0x38;
	[tilespmem:$0x1C000] =	vst v63  }
0x1b: {  	_ =	swait.ge [sflag:s11], $0x5000  }
0x1c: {  	[sflag:s11] =	ssyncset.done $0x0  }
0x1d: {  	s7 =	rddreg [dreg:$0x7];
	[sflag:s11] =	ssyncadd.s32 $0xFFFFB000  }
0x1e: {  	[spmem:s14], [sflag:s13] =	dma.local [hbm:s7], $0xA00  }
0x1f: {  	_ =	swait.ge [sflag:s11], $0xA00  }
0x20: {  	[sflag:s11] =	ssyncset.done $0x0  }
0x21: {  	[sflag:s11] =	ssyncadd.s32 $0xFFFFF600  }
0x22: {  	[spmem:s15@s17], [sflag:s13] =	dma.strided [hbm:s8@s18], $0xA00, s16, $0x4   }
0x23: {  	_ =	swait.ge [sflag:s11], $0xA00  }
0x24: {  	[sflag:s11] =	ssyncset.done $0x0  }
0x25: {  	[sflag:s11] =	ssyncadd.s32 $0xFFFFF600  }
0x26: {  	[bflag:$0x0] =	sbarrier.arrive $0xFFFF  }
0x27: {  	[tilespmem:s20], [sflag:$0x1] =	stream.indirect.gather [spmem:s3], $0x20, s4, s19, $0xb8;
	[tilespmem:$0x1C000] =	vst v63  }
0x28: {  	_ = 	snop  }
0x29: {  	[tilespmem:s21], [sflag:$0x1] =	stream.indirect.gather [spmem:s3], $0x20, s19, s19, $0xb8;
	[tilespmem:$0x1C000] =	vst v63  }
0x2a: {  	s24 =	simm.s32 $0x100  }
0x2b: {  	[tilespmem:s23], [sflag:$0x1] =	stream.indirect.gather [spmem:s3], $0x20, s24, s19, $0xb8;
	[tilespmem:$0x1C000] =	vst v63  }
0x2c: {  	s26 =	simm.s32 $0x180  }
0x2d: {  	[tilespmem:s25], [sflag:$0x1] =	stream.indirect.gather [spmem:s3], $0x20, s26, s19, $0xb8;
	[tilespmem:$0x1C000] =	vst v63  }
0x2e: {  	s6 =	simm.s32 $0x200  }
0x2f: {  	[tilespmem:s28], [sflag:$0x1] =	stream.indirect.gather [spmem:s3], $0x20, s6, s19, $0xb8;
	[tilespmem:$0x1C000] =	vst v63  }
0x30: {  	s7 =	simm.s32 $0x280  }
0x31: {  	[tilespmem:s30], [sflag:$0x1] =	stream.indirect.gather [spmem:s3], $0x20, s7, s19, $0xb8;
	[tilespmem:$0x1C000] =	vst v63  }
0x32: {  	s24 =	simm.s32 $0x300  }
0x33: {  	[tilespmem:s0], [sflag:$0x1] =	stream.indirect.gather [spmem:s3], $0x20, s24, s19, $0xb8;
	[tilespmem:$0x1C000] =	vst v63  }
0x34: {  	s26 =	simm.s32 $0x380  }
0x35: {  	[tilespmem:s22], [sflag:$0x1] =	stream.indirect.gather [spmem:s3], $0x20, s26, s19, $0xb8;
	[tilespmem:$0x1C000] =	vst v63  }
0x36: {  	_ =	swait.ge [sflag:s16], $0x1000  }
0x37: {  	[sflag:s16] =	ssyncset.done $0x0  }
0x38: {  	[sflag:s16] =	ssyncadd.s32 $0xFFFFF000  }
0x39: {  	_ =	swait.ge [sflag:s16], $0x1000  }
0x3a: {  	[sflag:s16] =	ssyncset.done $0x0  }
0x3b: {  	[sflag:s16] =	ssyncadd.s32 $0xFFFFF000  }
0x3c: {  	_ =	swait.ge [sflag:s16], $0x1000  }
0x3d: {  	[sflag:s16] =	ssyncset.done $0x0  }
0x3e: {  	[sflag:s16] =	ssyncadd.s32 $0xFFFFF000  }
0x3f: {  	_ =	swait.ge [sflag:s16], $0x1000  }
0x40: {  	[sflag:s16] =	ssyncset.done $0x0  }
0x41: {  	[sflag:s16] =	ssyncadd.s32 $0xFFFFF000  }
0x42: {  	[spmem:s2] =	stream.indirect.scatter.add.f32 [tilespmem:s20], [sflag:$0x2], $0x20, s12, s19, $0xb8;
	[tilespmem:$0x1C000] =	vst v63  }
0x43: {  	s6 =	simm.s32 $0x5080  }
0x44: {  	[spmem:s2] =	stream.indirect.scatter.add.f32 [tilespmem:s21], [sflag:$0x2], $0x20, s6, s19, $0xb8;
	[tilespmem:$0x1C000] =	vst v63  }
0x45: {  	s7 =	simm.s32 $0x5100  }
0x46: {  	[spmem:s2] =	stream.indirect.scatter.add.f32 [tilespmem:s23], [sflag:$0x2], $0x20, s7, s19, $0xb8;
	[tilespmem:$0x1C000] =	vst v63  }
0x47: {  	s24 =	simm.s32 $0x5180  }
0x48: {  	[spmem:s2] =	stream.indirect.scatter.add.f32 [tilespmem:s25], [sflag:$0x2], $0x20, s24, s19, $0xb8;
	[tilespmem:$0x1C000] =	vst v63  }
0x49: {  	_ =	swait.ge [sflag:s31], $0x1000  }
0x4a: {  	[sflag:s31] =	ssyncset.done $0x0  }
0x4b: {  	[sflag:s31] =	ssyncadd.s32 $0xFFFFF000  }
0x4c: {  	_ =	swait.ge [sflag:s31], $0x1000  }
0x4d: {  	[sflag:s31] =	ssyncset.done $0x0  }
0x4e: {  	[sflag:s31] =	ssyncadd.s32 $0xFFFFF000  }
0x4f: {  	_ =	swait.ge [sflag:s31], $0x1000  }
0x50: {  	[sflag:s31] =	ssyncset.done $0x0  }
0x51: {  	[sflag:s31] =	ssyncadd.s32 $0xFFFFF000  }
0x52: {  	s26 =	simm.s32 $0x8000;
	_ =	swait.ge [sflag:s31], $0x1000  }
0x53: {  	s5 =	sand.u32 $0x4000, s26;
	[sflag:s31] =	ssyncset.done $0x0  }
0x54: {  	s26 =	simm.s32 $0x400;
	s24 =	sor.u32 $0xA000, s5;
	[sflag:s31] =	ssyncadd.s32 $0xFFFFF000  }
0x55: {  	[tilespmem:s24], [sflag:$0x1] =	stream.indirect.gather [spmem:s3], $0x20, s26, s19, $0xb8;
	[tilespmem:$0x1C000] =	vst v63  }
0x56: {  	s6 =	sor.u32 $0xB000, s5;
	s7 =	simm.s32 $0x480  }
0x57: {  	[tilespmem:s6], [sflag:$0x1] =	stream.indirect.gather [spmem:s3], $0x20, s7, s19, $0xb8;
	[tilespmem:$0x1C000] =	vst v63  }
0x58: {  	s26 =	sadd.s32 $0xC000, s5;
	s6 =	simm.s32 $0x500  }
0x59: {  	[tilespmem:s26], [sflag:$0x1] =	stream.indirect.gather [spmem:s3], $0x20, s6, s19, $0xb8;
	[tilespmem:$0x1C000] =	vst v63  }
0x5a: {  	s5 =	sadd.s32 $0xD000, s5;
	s7 =	simm.s32 $0x580  }
0x5b: {  	[tilespmem:s5], [sflag:$0x1] =	stream.indirect.gather [spmem:s3], $0x20, s7, s19, $0xb8;
	[tilespmem:$0x1C000] =	vst v63  }
0x5c: {  	_ =	swait.ge [sflag:s16], $0x1000  }
0x5d: {  	[sflag:s16] =	ssyncset.done $0x0  }
0x5e: {  	[sflag:s16] =	ssyncadd.s32 $0xFFFFF000  }
0x5f: {  	_ =	swait.ge [sflag:s16], $0x1000  }
0x60: {  	[sflag:s16] =	ssyncset.done $0x0  }
0x61: {  	[sflag:s16] =	ssyncadd.s32 $0xFFFFF000  }
0x62: {  	_ =	swait.ge [sflag:s16], $0x1000  }
0x63: {  	[sflag:s16] =	ssyncset.done $0x0  }
0x64: {  	[sflag:s16] =	ssyncadd.s32 $0xFFFFF000  }
0x65: {  	s29 =	simm.s32 $0x5380;
	s26 =	simm.s32 $0x4000;
	_ =	swait.ge [sflag:s16], $0x1000  }
0x66: {  	s24 =	simm.s32 $0x800;
	s5 =	sand.u32 $0x4000, s26;
	[sflag:s16] =	ssyncset.done $0x0  }
0x67: {  	s7 =	simm.s32 $0x5200;
	s6 =	sor.u32 $0xA000, s5;
	[sflag:s16] =	ssyncadd.s32 $0xFFFFF000  }
0x68: {  	[spmem:s2] =	stream.indirect.scatter.add.f32 [tilespmem:s6], [sflag:$0x2], $0x20, s7, s19, $0xb8;
	[tilespmem:$0x1C000] =	vst v63  }
0x69: {  	s26 =	simm.s32 $0xC000;
	s6 =	sor.u32 $0xB000, s5;
	s7 =	simm.s32 $0x5280  }
0x6a: {  	[spmem:s2] =	stream.indirect.scatter.add.f32 [tilespmem:s6], [sflag:$0x2], $0x20, s7, s19, $0xb8;
	[tilespmem:$0x1C000] =	vst v63  }
0x6b: {  	s6 =	sadd.s32 $0xC000, s5;
	s7 =	simm.s32 $0x5300;
	s5 =	sadd.s32 $0xD000, s5  }
0x6c: {  	[spmem:s2] =	stream.indirect.scatter.add.f32 [tilespmem:s6], [sflag:$0x2], $0x20, s7, s19, $0xb8;
	[tilespmem:$0x1C000] =	vst v63  }
.LBB2_2:
0x6d: {  	[spmem:s2] =	stream.indirect.scatter.add.f32 [tilespmem:s5], [sflag:$0x2], $0x20, s29, s19, $0xb8;
	[tilespmem:$0x1C000] =	vst v63  }
0x6e: {  	s5 =	smov.u32 s24  }
0x6f: {  	p0 =	sne.s32 s24, $0x12800;
	s24 =	sadd.s32 $0x800, s24;
	_ =	swait.ge [sflag:s31], $0x1000  }
0x70: {  	[sflag:s31] =	ssyncset.done $0x0  }
0x71: {  	[sflag:s31] =	ssyncadd.s32 $0xFFFFF000  }
0x72: {  	_ =	swait.ge [sflag:s31], $0x1000  }
0x73: {  	[sflag:s31] =	ssyncset.done $0x0  }
0x74: {  	[sflag:s31] =	ssyncadd.s32 $0xFFFFF000  }
0x75: {  	_ =	swait.ge [sflag:s31], $0x1000  }
0x76: {  	[sflag:s31] =	ssyncset.done $0x0  }
0x77: {  	[sflag:s31] =	ssyncadd.s32 $0xFFFFF000  }
0x78: {  	_ =	swait.ge [sflag:s31], $0x1000  }
0x79: {  	s6 =	sand.u32 $0x4000, s26;
	s29 =	sshra.s32 s5, $0x2;
	[sflag:s31] =	ssyncset.done $0x0  }
0x7a: {  	s5 =	sor.u32 $0xA000, s6;
	s7 =	sadd.s32 $0x400, s29;
	[sflag:s31] =	ssyncadd.s32 $0xFFFFF000  }
0x7b: {  	[tilespmem:s5], [sflag:$0x1] =	stream.indirect.gather [spmem:s3], $0x20, s7, s19, $0xb8;
	[tilespmem:$0x1C000] =	vst v63  }
0x7c: {  	s5 =	sor.u32 $0xB000, s6;
	s7 =	sadd.s32 $0x480, s29  }
0x7d: {  	[tilespmem:s5], [sflag:$0x1] =	stream.indirect.gather [spmem:s3], $0x20, s7, s19, $0xb8;
	[tilespmem:$0x1C000] =	vst v63  }
0x7e: {  	s5 =	sadd.s32 $0xC000, s6;
	s7 =	sadd.s32 $0x500, s29  }
0x7f: {  	[tilespmem:s5], [sflag:$0x1] =	stream.indirect.gather [spmem:s3], $0x20, s7, s19, $0xb8;
	[tilespmem:$0x1C000] =	vst v63  }
0x80: {  	s5 =	sadd.s32 $0xD000, s6;
	s6 =	sadd.s32 $0x580, s29  }
0x81: {  	[tilespmem:s5], [sflag:$0x1] =	stream.indirect.gather [spmem:s3], $0x20, s6, s19, $0xb8;
	[tilespmem:$0x1C000] =	vst v63  }
0x82: {  	_ =	swait.ge [sflag:s16], $0x1000  }
0x83: {  	[sflag:s16] =	ssyncset.done $0x0  }
0x84: {  	[sflag:s16] =	ssyncadd.s32 $0xFFFFF000  }
0x85: {  	_ =	swait.ge [sflag:s16], $0x1000  }
0x86: {  	[sflag:s16] =	ssyncset.done $0x0  }
0x87: {  	[sflag:s16] =	ssyncadd.s32 $0xFFFFF000  }
0x88: {  	_ =	swait.ge [sflag:s16], $0x1000  }
0x89: {  	[sflag:s16] =	ssyncset.done $0x0  }
0x8a: {  	[sflag:s16] =	ssyncadd.s32 $0xFFFFF000  }
0x8b: {  	s5 =	sadd.s32 $0xFFFFC000, s26;
	_ =	swait.ge [sflag:s16], $0x1000  }
0x8c: {  	s5 =	sand.u32 $0x4000, s5;
	[sflag:s16] =	ssyncset.done $0x0  }
0x8d: {  	s7 =	sadd.s32 $0x5200, s29;
	s6 =	sor.u32 $0xA000, s5;
	[sflag:s16] =	ssyncadd.s32 $0xFFFFF000  }
0x8e: {  	[spmem:s2] =	stream.indirect.scatter.add.f32 [tilespmem:s6], [sflag:$0x2], $0x20, s7, s19, $0xb8;
	[tilespmem:$0x1C000] =	vst v63  }
.Ltmp0:
0x8f: {  	s6 =	sor.u32 $0xB000, s5;
	s7 =	sadd.s32 $0x5280, s29;
	(pc) =	sbr.rel @p0 .LBB2_2-.Ltmp0, $4  }
0x90: {  	[spmem:s2] =	stream.indirect.scatter.add.f32 [tilespmem:s6], [sflag:$0x2], $0x20, s7, s19, $0xb8;
	[tilespmem:$0x1C000] =	vst v63  }
0x91: {  	s6 =	sadd.s32 $0xC000, s5;
	s7 =	sadd.s32 $0x5300, s29  }
0x92: {  	[spmem:s2] =	stream.indirect.scatter.add.f32 [tilespmem:s6], [sflag:$0x2], $0x20, s7, s19, $0xb8;
	[tilespmem:$0x1C000] =	vst v63  }
0x93: {  	s26 =	sadd.s32 $0x4000, s26;
	s5 =	sadd.s32 $0xD000, s5;
	s29 =	sadd.s32 $0x5380, s29  }
0x94: {  	[spmem:s2] =	stream.indirect.scatter.add.f32 [tilespmem:s5], [sflag:$0x2], $0x20, s29, s19, $0xb8;
	[tilespmem:$0x1C000] =	vst v63  }
0x95: {  	_ =	swait.ge [sflag:s31], $0x1000  }
0x96: {  	[sflag:s31] =	ssyncset.done $0x0  }
0x97: {  	[sflag:s31] =	ssyncadd.s32 $0xFFFFF000  }
0x98: {  	_ =	swait.ge [sflag:s31], $0x1000  }
0x99: {  	[sflag:s31] =	ssyncset.done $0x0  }
0x9a: {  	[sflag:s31] =	ssyncadd.s32 $0xFFFFF000  }
0x9b: {  	_ =	swait.ge [sflag:s31], $0x1000  }
0x9c: {  	[sflag:s31] =	ssyncset.done $0x0  }
0x9d: {  	[sflag:s31] =	ssyncadd.s32 $0xFFFFF000  }
0x9e: {  	_ =	swait.ge [sflag:s31], $0x1000  }
0x9f: {  	[sflag:s31] =	ssyncset.done $0x0  }
0xa0: {  	[sflag:s31] =	ssyncadd.s32 $0xFFFFF000  }
0xa1: {  	_ =	swait.ge [sflag:s16], $0x1000  }
0xa2: {  	[sflag:s16] =	ssyncset.done $0x0  }
0xa3: {  	[sflag:s16] =	ssyncadd.s32 $0xFFFFF000  }
0xa4: {  	_ =	swait.ge [sflag:s16], $0x1000  }
0xa5: {  	[sflag:s16] =	ssyncset.done $0x0  }
0xa6: {  	[sflag:s16] =	ssyncadd.s32 $0xFFFFF000  }
0xa7: {  	_ =	swait.ge [sflag:s16], $0x1000  }
0xa8: {  	[sflag:s16] =	ssyncset.done $0x0  }
0xa9: {  	[sflag:s16] =	ssyncadd.s32 $0xFFFFF000  }
0xaa: {  	_ =	swait.ge [sflag:s16], $0x1000  }
0xab: {  	[sflag:s16] =	ssyncset.done $0x0  }
0xac: {  	s7 =	simm.s32 $0x9E00;
	[sflag:s16] =	ssyncadd.s32 $0xFFFFF000  }
0xad: {  	[spmem:s2] =	stream.indirect.scatter.add.f32 [tilespmem:s28], [sflag:$0x2], $0x20, s7, s19, $0xb8;
	[tilespmem:$0x1C000] =	vst v63  }
0xae: {  	s24 =	simm.s32 $0x9E80  }
0xaf: {  	[spmem:s2] =	stream.indirect.scatter.add.f32 [tilespmem:s30], [sflag:$0x2], $0x20, s24, s19, $0xb8;
	[tilespmem:$0x1C000] =	vst v63  }
0xb0: {  	s26 =	simm.s32 $0x9F00  }
0xb1: {  	[spmem:s2] =	stream.indirect.scatter.add.f32 [tilespmem:s0], [sflag:$0x2], $0x20, s26, s19, $0xb8;
	[tilespmem:$0x1C000] =	vst v63  }
0xb2: {  	s29 =	simm.s32 $0x9F80  }
0xb3: {  	[spmem:s2] =	stream.indirect.scatter.add.f32 [tilespmem:s22], [sflag:$0x2], $0x20, s29, s19, $0xb8;
	[tilespmem:$0x1C000] =	vst v63  }
0xb4: {  	_ =	swait.ge [sflag:s31], $0x1000  }
0xb5: {  	[sflag:s31] =	ssyncset.done $0x0  }
0xb6: {  	[sflag:s31] =	ssyncadd.s32 $0xFFFFF000  }
0xb7: {  	_ =	swait.ge [sflag:s31], $0x1000  }
0xb8: {  	[sflag:s31] =	ssyncset.done $0x0  }
0xb9: {  	[sflag:s31] =	ssyncadd.s32 $0xFFFFF000  }
0xba: {  	_ =	swait.ge [sflag:s31], $0x1000  }
0xbb: {  	[sflag:s31] =	ssyncset.done $0x0  }
0xbc: {  	[sflag:s31] =	ssyncadd.s32 $0xFFFFF000  }
0xbd: {  	_ =	swait.ge [sflag:s31], $0x1000  }
0xbe: {  	s1 =	sadd.s32 $0x1, s1;
	[sflag:s31] =	ssyncset.done $0x0  }
0xbf: {  	p0 =	sne.s32 s1, s10;
	[sflag:s31] =	ssyncadd.s32 $0xFFFFF000  }
.Ltmp1:
0xc0: {  	[bflag:$0x0] =	sbarrier.arrive $0xFFFF;
	(pc) =	sbr.rel @p0 .LBB2_1-.Ltmp1, $4  }
0xc1: {  	[hbm:s9@s18], [sflag:s13] =	dma.strided [spmem:s14@s17], $0xA00, s16, $0x4   }
0xc2: {  	_ =	swait.ge [sflag:s11], $0xA00  }
0xc3: {  	[sflag:s11] =	ssyncset.done $0x0  }
0xc4: {  	[sflag:s11] =	ssyncadd.s32 $0xFFFFF600  }
0xc5: {  	_ =	sfence.sel $0x180000  }
0xc6: {  	[bflag:$0x0] =	sbarrier.arrive $0xFFFF  }
0xc7: {  	_ =	strace $0x9000004D  }
0xc8: {  	s0 =	stileid.u32;
	[bflag:$0x2] =	sbarrier.arrive $0xFFFF  }
0xc9: {  	p0 =	sne.s32 s0, $0x0;
	s0 =	rddreg [dreg:$0x4]  }
0xca: {  	s0 =	sadd.s32 @!p0 $0x100000, s0  }
0xcb: {  	[sflag:s0] =	ssyncadd.tile.s32 @!p0 $0x1;
	_ =	shalt  }
.Lfunc_end2:
_tile_overlayer_lowered:
.L_overlay_start_2:
0xcc: {  	(tag) =	ssettag $0x2  }
0xcd: {  	s0 =	rddreg [dreg:$0x0];
	s2 =	stileid.u32  }
0xce: {  	s1 =	rddreg [dreg:$0x1];
	p0 =	sne.s32 s2, $0x0  }
0xcf: {  	s3 =	rddreg [dreg:$0x2];
	[bflag:$0x3] =	sbarrier.arrive $0xFFFF;
	s2 =	simm.s32 @!p0 $0x1C03  }
0xd0: {  	[timem:s3], [sflag:s2] =	dma.local @!p0 [hbm:s0], s1  }
0xd1: {  	s0 =	simm.s32 @!p0 $0x3  }
0xd2: {  	_ =	swait.ge @!p0 [sflag:s0], s1  }
0xd3: {  	s1 =	ssub.s32 @!p0 $0x0, s1;
	[sflag:s0] =	ssyncset.done @!p0 $0x0  }
0xd4: {  	[sflag:s0] =	ssyncadd.s32 @!p0 s1  }
0xd5: {  	[bflag:$0x3] =	sbarrier.arrive $0xFFFF  }
0xd6: {  	_ =	shalt  }

// kernel: kernel.20.cloned.1.call-start
scs
__scs_entry_jumppad:
0x0: {  	(pc) =	sbr.rel $0x88, $3  }
0x1: {  	(tag) =	ssettag $0x0;
	lr =	simm.s32 $0x1  }
0x2: {  	[smem:$0x3F99] =	sst lr;
	_ =	strace $0xD0000000  }
0x3: {  	_ = 	snop  }
0x4: {  	_ = 	snop  }
0x5: {  	_ = 	snop  }
0x6: {  	_ = 	snop  }
0x7: {  	_ = 	snop  }
__scs_overlays_trampoline_lowered:
0x8: {  	[smem:$0x3FA8] =	sst s0  }
0x9: {  	[smem:$0x3FA9] =	sst s1  }
0xa: {  	[smem:$0x3FAA] =	sst s2  }
0xb: {  	[smem:$0x3FAB] =	sst s3  }
0xc: {  	[smem:$0x3FAC] =	sst s4  }
0xd: {  	[smem:$0x3FAD] =	sst s5  }
0xe: {  	[smem:$0x3FAE] =	sst s6  }
0xf: {  	[smem:$0x3FAF] =	sst s7  }
0x10: {  	[smem:$0x3FB0] =	sst s8  }
0x11: {  	[smem:$0x3FB1] =	sst s9;
	s0 =	simm.s32 @!p0 $0x0  }
0x12: {  	s1 =	sld [smem:$0x3F97];
	s0 =	simm.s32 @p0 $0x1  }
0x13: {  	[smem:$0x3FB2] =	sst s0;
	s0 =	simm.s32 @!p1 $0x0  }
0x14: {  	s2 =	sld [smem:$0x3F96];
	s0 =	simm.s32 @p1 $0x1  }
0x15: {  	[smem:$0x3FB3] =	sst s0;
	s0 =	simm.s32 @!p2 $0x0  }
0x16: {  	s3 =	sld [smem:$0x3FDB];
	s0 =	simm.s32 @p2 $0x1  }
0x17: {  	s4 =	simm.s32 $0x1BF5;
	[smem:$0x3FB5] =	sst s0  }
0x18: {  	s0 =	sld [smem:$0x3F98];
	_ =	swait.ge [sflag:s4], $0x0  }
0x19: {  	s7 =	sld [smem:$0x3F99]  }
0x1a: {  	s8 =	sadd.s32 $0xFFFFE003, lr  }
0x1b: {  	s9 =	sadd.s32 $0xFFFFFEF7, lr;
	s5 =	simm.s32 $0xFFFFFFFF;
	p2 =	slt.u32 s8, $0xFFFFF086  }
0x1c: {  	p1 =	slt.u32 s9, $0xF7A;
	s5 =	simm.s32 @!p2 $0x0  }
0x1d: {  	s5 =	simm.s32 @p1 $0x1;
	p0 =	seq.s32 s7, s2  }
0x1e: {  	s7 =	smul.u32 @!p0 $0xF7A, s2;
	p2 =	seq.s32 @!p0 s5, $0x0  }
0x1f: {  	s9 =	smul.u32 $0xF7A, s1;
	s8 =	simm.s32 @!p0 $0x1BF5;
	p2 =	por !p2, p0  }
0x20: {  	[sflag:s8] =	ssyncset.s32 @!p0 $0xFFFFF086;
	s6 =	sadd.s32 @!p0 s3, s7;
	s7 =	simm.s32 @!p0 $0x108  }
0x21: {  	s3 =	sadd.s32 s3, s9;
	s6 =	sadd.s32 @!p0 $0x88, s6;
	s7 =	simm.s32 @p2 $0x1082  }
0x22: {  	[simem:s7], [sflag:s8] =	dma.local @!p0 [hbm:s6], $0xF7A  }
0x23: {  	s9 =	sor.u32 $0xD0000000, s2;
	s6 =	simm.s32 $0x108;
	_ =	swait.ge @!p0 [sflag:s8], $0x0  }
0x24: {  	s3 =	sadd.s32 $0x88, s3;
	s6 =	simm.s32 @!p1 $0x1082;
	[sflag:s4] =	ssyncset.s32 $0xFFFFF086  }
0x25: {  	[simem:s6], [sflag:s4] =	dma.local [hbm:s3], $0xF7A  }
0x26: {  	[smem:$0x3F99] =	sst s1;
	(tag) =	ssettag s2;
	_ =	strace s9  }
0x27: {  	s1 =	sld [smem:$0x3FA9]  }
0x28: {  	s2 =	sld [smem:$0x3FAA]  }
0x29: {  	s4 =	sld [smem:$0x3FAC]  }
0x2a: {  	p0 =	seq.s32 s5, $0x0;
	s5 =	sld [smem:$0x3FAD]  }
0x2b: {  	s6 =	sld [smem:$0x3FAE]  }
0x2c: {  	s7 =	sld [smem:$0x3FAF]  }
0x2d: {  	s3 =	simm.s32 $0x108;
	s8 =	sld [smem:$0x3FB0]  }
0x2e: {  	s3 =	simm.s32 @!p0 $0x1082;
	s9 =	sld [smem:$0x3FB1]  }
0x2f: {  	lr =	sadd.s32 s0, s3;
	s0 =	sld [smem:$0x3FA8]  }
0x30: {  	s3 =	sld [smem:$0x3FAB]  }
0x31: {  	[smem:$0x3FB4] =	sst s10  }
0x32: {  	s10 =	sld [smem:$0x3FB2];
	_ =	sdelay $0x3  }
0x33: {  	p0 =	seq.s32 s10, $0x1;
	s10 =	sld [smem:$0x3FB4];
	_ =	sdelay $0x3  }
0x34: {  	[smem:$0x3FB4] =	sst s10  }
0x35: {  	s10 =	sld [smem:$0x3FB3];
	_ =	sdelay $0x3  }
0x36: {  	p1 =	seq.s32 s10, $0x1;
	s10 =	sld [smem:$0x3FB4];
	_ =	sdelay $0x3  }
0x37: {  	[smem:$0x3FB4] =	sst s10  }
0x38: {  	s10 =	sld [smem:$0x3FB5]  }
0x39: {  	_ = 	snop;
	(pc) =	sbr.ind lr, $3  }
0x3a: {  	_ = 	snop  }
0x3b: {  	_ = 	snop  }
0x3c: {  	p2 =	seq.s32 s10, $0x1;
	s10 =	sld [smem:$0x3FB4]  }
0x3d: {  	_ =	shalt  }
0x3e: {  	_ =	shalt  }
0x3f: {  	_ =	shalt  }
0x40: {  	_ =	shalt  }
0x41: {  	_ =	shalt  }
0x42: {  	_ =	shalt  }
0x43: {  	_ =	shalt  }
0x44: {  	_ =	shalt  }
0x45: {  	_ =	shalt  }
0x46: {  	_ =	shalt  }
0x47: {  	_ =	shalt  }
0x48: {  	_ =	shalt  }
0x49: {  	_ =	shalt  }
0x4a: {  	_ =	shalt  }
0x4b: {  	_ =	shalt  }
0x4c: {  	_ =	shalt  }
0x4d: {  	_ =	shalt  }
0x4e: {  	_ =	shalt  }
0x4f: {  	_ =	shalt  }
0x50: {  	_ =	shalt  }
0x51: {  	_ =	shalt  }
0x52: {  	_ =	shalt  }
0x53: {  	_ =	shalt  }
0x54: {  	_ =	shalt  }
0x55: {  	_ =	shalt  }
0x56: {  	_ =	shalt  }
0x57: {  	_ =	shalt  }
0x58: {  	_ =	shalt  }
0x59: {  	_ =	shalt  }
0x5a: {  	_ =	shalt  }
0x5b: {  	_ =	shalt  }
0x5c: {  	_ =	shalt  }
0x5d: {  	_ =	shalt  }
0x5e: {  	_ =	shalt  }
0x5f: {  	_ =	shalt  }
0x60: {  	_ =	shalt  }
0x61: {  	_ =	shalt  }
0x62: {  	_ =	shalt  }
0x63: {  	_ =	shalt  }
0x64: {  	_ =	shalt  }
0x65: {  	_ =	shalt  }
0x66: {  	_ =	shalt  }
0x67: {  	_ =	shalt  }
0x68: {  	_ =	shalt  }
0x69: {  	_ =	shalt  }
0x6a: {  	_ =	shalt  }
0x6b: {  	_ =	shalt  }
0x6c: {  	_ =	shalt  }
0x6d: {  	_ =	shalt  }
0x6e: {  	_ =	shalt  }
0x6f: {  	_ =	shalt  }
0x70: {  	_ =	shalt  }
0x71: {  	_ =	shalt  }
0x72: {  	_ =	shalt  }
0x73: {  	_ =	shalt  }
0x74: {  	_ =	shalt  }
0x75: {  	_ =	shalt  }
0x76: {  	_ =	shalt  }
0x77: {  	_ =	shalt  }
0x78: {  	_ =	shalt  }
0x79: {  	_ =	shalt  }
0x7a: {  	_ =	shalt  }
0x7b: {  	_ =	shalt  }
0x7c: {  	_ =	shalt  }
0x7d: {  	_ =	shalt  }
0x7e: {  	_ =	shalt  }
0x7f: {  	_ =	shalt  }
0x80: {  	_ =	shalt  }
0x81: {  	_ =	shalt  }
0x82: {  	_ =	shalt  }
0x83: {  	_ =	shalt  }
0x84: {  	_ =	shalt  }
0x85: {  	_ =	shalt  }
0x86: {  	_ =	shalt  }
0x87: {  	_ =	shalt  }
.Lfunc_end0:
.L_simem_size_0:
called_computation.3_lowered:
.L_overlay_start_0:
0x88: {  	s2 =	sld [smem:$0x3FD9]  }
0x89: {  	s3 =	sld [smem:$0x3FFE];
	_ =	sdelay $0x1  }
0x8a: {  	s1 =	srdreg.scid  }
0x8b: {  	s0 =	sand.u32 $0x1, s1  }
0x8c: {  	s17 =	sshll.u32 s0, $0xA;
	s2 =	sadd.s32 s3, s2  }
0x8d: {  	s2 =	sadd.s32 s2, s17  }
0x8e: {  	[smem:$0x3FC0] =	sst s2  }
0x8f: {  	_ = 	snop  }
0x90: {  	s2 =	sld [smem:$0x3FD0];
	(tm) =	ssettm $0x1  }
0x91: {  	s18 =	sld [smem:$0x3FFB];
	_ =	sdelay $0x3  }
0x92: {  	_ =	strace s18  }
0x93: {  	s3 =	sld [smem:$0x3FFC];
	_ =	sdelay $0x3  }
0x94: {  	_ =	strace s3  }
0x95: {  	s3 =	sld [smem:$0x3FFD];
	_ =	sdelay $0x3  }
0x96: {  	_ =	strace s3  }
0x97: {  	_ =	strace $0x8FFFFFFF  }
0x98: {  	s19 =	sld [smem:$0x3FDB];
	_ =	sdelay $0x1  }
0x99: {  	s4 =	simm.s32 $_scs_section_size  }
0x9a: {  	s5 =	simm.s32 $_size__tile_overlayer_lowered;
	s6 =	simm.s32 $_tile_overlayer_lowered  }
0x9b: {  	s22 =	simm.s32 $0x1BFF;
	s21 =	sshll.u32 s6, $0x1;
	s3 =	sadd.s32 s4, s19  }
0x9c: {  	s7 =	simm.s32 $0x0;
	s20 =	sshll.u32 s5, $0x1;
	s5 =	sadd.s32 s21, s3  }
0x9d: {  	[timem:s7], [sflag:s22] =	dma.local [hbm:s5], s20  }
0x9e: {  	_ =	swait.ge [sflag:s22], s20  }
0x9f: {  	s4 =	ssub.s32 $0x0, s20;
	[sflag:s22] =	ssyncset.done $0x0  }
0xa0: {  	[sflag:s22] =	ssyncadd.s32 s4;
	_ =	sdelay $0x1  }
0xa1: {  	s23 =	simm.s32 $0x1B8B  }
0xa2: {  	_ =	swait.ge [sflag:s23], $0x1  }
0xa3: {  	[sflag:s23] =	ssyncset.done $0x0  }
0xa4: {  	s25 =	simm.s32 $0x1B8E;
	s24 =	sld [smem:$0x3FFE];
	[sflag:s23] =	ssyncadd.s32 $0xFFFFFFFF  }
0xa5: {  	s26 =	simm.s32 $execute0_lowered;
	[smem:$0x3FD2] =	sst s25  }
0xa6: {  	s5 =	sshll.u32 s26, $0x1;
	_ =	strace $0x8000004F;
	[dreg:$0x1] =	wrdreg $0xFFFFFFFF  }
0xa7: {  	s28 =	simm.s32 $_size_execute0_lowered;
	s3 =	sadd.s32 s3, s5;
	[dreg:$0x0] =	wrdreg $0x0  }
0xa8: {  	s5 =	sshll.u32 s28, $0x1;
	[dreg:$0x2] =	wrdreg s3  }
0xa9: {  	[dreg:$0x3] =	wrdreg s5  }
0xaa: {  	[dreg:$0x4] =	wrdreg $0xC0  }
0xab: {  	_ =	task [dreg:s7], $0x5FFFF  }
0xac: {  	[dreg:$0x1] =	wrdreg $0xFFFFFFFF  }
0xad: {  	[dreg:$0x0] =	wrdreg $0x60  }
0xae: {  	[dreg:$0x2] =	wrdreg s24  }
0xaf: {  	[dreg:$0x3] =	wrdreg s2  }
0xb0: {  	[dreg:$0x4] =	wrdreg $0x170000  }
0xb1: {  	[dreg:$0x5] =	wrdreg $0x120000  }
0xb2: {  	[dreg:$0x6] =	wrdreg $0x9  }
0xb3: {  	_ =	task.clear_ibuf [dreg:s7], $0x7FFFF;
	_ =	strace $0x9000004F  }
0xb4: {  	s29 =	simm.s32 $0x9;
	_ =	strace $0x80000051  }
0xb5: {  	_ =	swait.ge [sflag:s29], $0x1  }
0xb6: {  	[sflag:s29] =	ssyncadd.s32 $0xFFFFFFFF  }
0xb7: {  	_ =	strace $0x90000051  }
0xb8: {  	_ =	sfence  }
0xb9: {  	s30 =	sld [smem:$0x0];
	_ =	sdelay $0x2  }
0xba: {  	s31 =	sshll.u32 s1, $0xD;
	s1 =	sshrl.u32 s1, $0x2  }
0xbb: {  	s3 =	sand.u32 $0x4000, s31;
	s1 =	sadd.s32 s1, s30  }
0xbc: {  	s0 =	sor.u32 s3, s0;
	s1 =	sshll.u32 s1, $0x11  }
0xbd: {  	s0 =	sor.u32 s1, s0  }
0xbe: {  	s0 =	sadd.s32 $0x8F2B, s0  }
0xbf: {  	[sflag:s0] =	ssyncadd.remote.s32 $0x1  }
0xc0: {  	_ =	sfence.sel $0xFFFF  }
0xc1: {  	[dreg:$0x0] =	wrdreg $0xFFFFFFFF;
	(pc) =	sbr.abs _section_cstart, $3  }
0xc2: {  	[dreg:$0x1] =	wrdreg $0xFFFFFFFF  }
0xc3: {  	_ =	task.clear_ibuf [dreg:s7], $0x2FFFF;
	_ =	strace $0x9FFFFFFF  }
0xc4: {  	(tm) =	ssettm $0x7FFFFFFF  }
0xc5: {  	_ =	shalt  }
tec
execute0_lowered:
.L_overlay_start_1:
0x0: {  	(tag) =	ssettag $0x1  }
0x1: {  	s0 =	rddreg [dreg:$0x0]  }
0x2: {  	s1 =	rddreg [dreg:$0x1]  }
0x3: {  	s2 =	rddreg [dreg:$0x2]  }
0x4: {  	s3 =	rddreg [dreg:$0x3]  }
0x5: {  	s13 =	stileid.u32;
	s5 =	srdreg.scid;
	s4 =	simm.s32 $0x0  }
0x6: {  	s11 =	simm.s32 $0x3;
	s12 =	simm.s32 $0x5000;
	s16 =	simm.s32 $0x1  }
0x7: {  	s17 =	simm.s32 $0x4;
	s18 =	simm.s32 $0x10;
	s19 =	simm.s32 $0x80  }
0x8: {  	s20 =	simm.s32 $0xA000;
	s21 =	simm.s32 $0xB000;
	s28 =	simm.s32 $0xE000  }
0x9: {  	s30 =	simm.s32 $0xF000;
	s31 =	simm.s32 $0x2;
	s6 =	smul.u32 $0x14000, s13  }
0xa: {  	s5 =	sand.u32 $0x1, s5;
	[smem:$0x7FF] =	sst s4;
	s8 =	smul.u32 $0x5000, s13  }
0xb: {  	s29 =	sshll.u32 s13, $0x6;
	s7 =	sshll.u32 s5, $0x5;
	_ =	strace $0x80000050  }
0xc: {  	s5 =	ssub.s32 $0x2, s5;
	s13 =	sor.u32 $0x1C03, s29;
	s6 =	sor.u32 s7, s6  }
0xd: {  	s22 =	sshrl.u32 s8, $0x3;
	s23 =	sshrl.u32 s5, $0x1;
	s14 =	sadd.s32 s8, s2  }
0xe: {  	s26 =	sadd.s32 s8, s3;
	s6 =	sshrl.u32 s6, $0x3;
	s9 =	sadd.s32 s22, s0  }
0xf: {  	s5 =	ssub.s32 s5, s23;
	s1 =	sadd.s32 s1, s22;
	s14 =	sshrl.u32 s14, $0x3  }
0x10: {  	s15 =	sshrl.u32 s26, $0x3;
	s23 =	simm.s32 $0xC000;
	s22 =	simm.s32 $0x11000  }
0x11: {  	s0 =	sadd.s32 s6, s0;
	s24 =	sadd.s32 $0x3C00, s9;
	[dreg:$0x7] =	wrdreg s1  }
0x12: {  	s25 =	sadd.s32 $0xDC00, s9;
	s10 =	smax.u32 s5, $0x1;
	[dreg:$0x5] =	wrdreg s24  }
0x13: {  	s1 =	simm.s32 $0x0;
	[dreg:$0x6] =	wrdreg s25;
	s8 =	sadd.s32 $0x17C00, s0  }
0x14: {  	s9 =	sadd.s32 $0x67C00, s0;
	s25 =	simm.s32 $0xD000;
	s0 =	simm.s32 $0x10000  }
.LBB2_1:
0x15: {  	s5 =	rddreg [dreg:$0x5]  }
0x16: {  	[tilespmem:s4], [sflag:$0x3] =	stream.linear.gather [hbm4b:s5+s4], $0x5000, $0x38;
	[tilespmem:$0x1C000] =	vst v63  }
0x17: {  	_ =	swait.ge [sflag:s11], $0x5000  }
0x18: {  	[sflag:s11] =	ssyncset.done $0x0  }
0x19: {  	s6 =	rddreg [dreg:$0x6];
	[sflag:s11] =	ssyncadd.s32 $0xFFFFB000  }
0x1a: {  	[tilespmem:s12], [sflag:$0x3] =	stream.linear.gather [hbm4b:s6+s4], $0x5000, $0x38;
	[tilespmem:$0x1C000] =	vst v63  }
0x1b: {  	_ =	swait.ge [sflag:s11], $0x5000  }
0x1c: {  	[sflag:s11] =	ssyncset.done $0x0  }
0x1d: {  	s7 =	rddreg [dreg:$0x7];
	[sflag:s11] =	ssyncadd.s32 $0xFFFFB000  }
0x1e: {  	[spmem:s14], [sflag:s13] =	dma.local [hbm:s7], $0xA00  }
0x1f: {  	_ =	swait.ge [sflag:s11], $0xA00  }
0x20: {  	[sflag:s11] =	ssyncset.done $0x0  }
0x21: {  	[sflag:s11] =	ssyncadd.s32 $0xFFFFF600  }
0x22: {  	[spmem:s15@s17], [sflag:s13] =	dma.strided [hbm:s8@s18], $0xA00, s16, $0x4   }
0x23: {  	_ =	swait.ge [sflag:s11], $0xA00  }
0x24: {  	[sflag:s11] =	ssyncset.done $0x0  }
0x25: {  	[sflag:s11] =	ssyncadd.s32 $0xFFFFF600  }
0x26: {  	[bflag:$0x0] =	sbarrier.arrive $0xFFFF  }
0x27: {  	[tilespmem:s20], [sflag:$0x1] =	stream.indirect.gather [spmem:s3], $0x20, s4, s19, $0xb8;
	[tilespmem:$0x1C000] =	vst v63  }
0x28: {  	_ = 	snop  }
0x29: {  	[tilespmem:s21], [sflag:$0x1] =	stream.indirect.gather [spmem:s3], $0x20, s19, s19, $0xb8;
	[tilespmem:$0x1C000] =	vst v63  }
0x2a: {  	s24 =	simm.s32 $0x100  }
0x2b: {  	[tilespmem:s23], [sflag:$0x1] =	stream.indirect.gather [spmem:s3], $0x20, s24, s19, $0xb8;
	[tilespmem:$0x1C000] =	vst v63  }
0x2c: {  	s26 =	simm.s32 $0x180  }
0x2d: {  	[tilespmem:s25], [sflag:$0x1] =	stream.indirect.gather [spmem:s3], $0x20, s26, s19, $0xb8;
	[tilespmem:$0x1C000] =	vst v63  }
0x2e: {  	s6 =	simm.s32 $0x200  }
0x2f: {  	[tilespmem:s28], [sflag:$0x1] =	stream.indirect.gather [spmem:s3], $0x20, s6, s19, $0xb8;
	[tilespmem:$0x1C000] =	vst v63  }
0x30: {  	s7 =	simm.s32 $0x280  }
0x31: {  	[tilespmem:s30], [sflag:$0x1] =	stream.indirect.gather [spmem:s3], $0x20, s7, s19, $0xb8;
	[tilespmem:$0x1C000] =	vst v63  }
0x32: {  	s24 =	simm.s32 $0x300  }
0x33: {  	[tilespmem:s0], [sflag:$0x1] =	stream.indirect.gather [spmem:s3], $0x20, s24, s19, $0xb8;
	[tilespmem:$0x1C000] =	vst v63  }
0x34: {  	s26 =	simm.s32 $0x380  }
0x35: {  	[tilespmem:s22], [sflag:$0x1] =	stream.indirect.gather [spmem:s3], $0x20, s26, s19, $0xb8;
	[tilespmem:$0x1C000] =	vst v63  }
0x36: {  	_ =	swait.ge [sflag:s16], $0x1000  }
0x37: {  	[sflag:s16] =	ssyncset.done $0x0  }
0x38: {  	[sflag:s16] =	ssyncadd.s32 $0xFFFFF000  }
0x39: {  	_ =	swait.ge [sflag:s16], $0x1000  }
0x3a: {  	[sflag:s16] =	ssyncset.done $0x0  }
0x3b: {  	[sflag:s16] =	ssyncadd.s32 $0xFFFFF000  }
0x3c: {  	_ =	swait.ge [sflag:s16], $0x1000  }
0x3d: {  	[sflag:s16] =	ssyncset.done $0x0  }
0x3e: {  	[sflag:s16] =	ssyncadd.s32 $0xFFFFF000  }
0x3f: {  	_ =	swait.ge [sflag:s16], $0x1000  }
0x40: {  	[sflag:s16] =	ssyncset.done $0x0  }
0x41: {  	[sflag:s16] =	ssyncadd.s32 $0xFFFFF000  }
0x42: {  	[spmem:s2] =	stream.indirect.scatter.add.f32 [tilespmem:s20], [sflag:$0x2], $0x20, s12, s19, $0xb8;
	[tilespmem:$0x1C000] =	vst v63  }
0x43: {  	s6 =	simm.s32 $0x5080  }
0x44: {  	[spmem:s2] =	stream.indirect.scatter.add.f32 [tilespmem:s21], [sflag:$0x2], $0x20, s6, s19, $0xb8;
	[tilespmem:$0x1C000] =	vst v63  }
0x45: {  	s7 =	simm.s32 $0x5100  }
0x46: {  	[spmem:s2] =	stream.indirect.scatter.add.f32 [tilespmem:s23], [sflag:$0x2], $0x20, s7, s19, $0xb8;
	[tilespmem:$0x1C000] =	vst v63  }
0x47: {  	s24 =	simm.s32 $0x5180  }
0x48: {  	[spmem:s2] =	stream.indirect.scatter.add.f32 [tilespmem:s25], [sflag:$0x2], $0x20, s24, s19, $0xb8;
	[tilespmem:$0x1C000] =	vst v63  }
0x49: {  	_ =	swait.ge [sflag:s31], $0x1000  }
0x4a: {  	[sflag:s31] =	ssyncset.done $0x0  }
0x4b: {  	[sflag:s31] =	ssyncadd.s32 $0xFFFFF000  }
0x4c: {  	_ =	swait.ge [sflag:s31], $0x1000  }
0x4d: {  	[sflag:s31] =	ssyncset.done $0x0  }
0x4e: {  	[sflag:s31] =	ssyncadd.s32 $0xFFFFF000  }
0x4f: {  	_ =	swait.ge [sflag:s31], $0x1000  }
0x50: {  	[sflag:s31] =	ssyncset.done $0x0  }
0x51: {  	[sflag:s31] =	ssyncadd.s32 $0xFFFFF000  }
0x52: {  	s26 =	simm.s32 $0x8000;
	_ =	swait.ge [sflag:s31], $0x1000  }
0x53: {  	s5 =	sand.u32 $0x4000, s26;
	[sflag:s31] =	ssyncset.done $0x0  }
0x54: {  	s26 =	simm.s32 $0x400;
	s24 =	sor.u32 $0xA000, s5;
	[sflag:s31] =	ssyncadd.s32 $0xFFFFF000  }
0x55: {  	[tilespmem:s24], [sflag:$0x1] =	stream.indirect.gather [spmem:s3], $0x20, s26, s19, $0xb8;
	[tilespmem:$0x1C000] =	vst v63  }
0x56: {  	s6 =	sor.u32 $0xB000, s5;
	s7 =	simm.s32 $0x480  }
0x57: {  	[tilespmem:s6], [sflag:$0x1] =	stream.indirect.gather [spmem:s3], $0x20, s7, s19, $0xb8;
	[tilespmem:$0x1C000] =	vst v63  }
0x58: {  	s26 =	sadd.s32 $0xC000, s5;
	s6 =	simm.s32 $0x500  }
0x59: {  	[tilespmem:s26], [sflag:$0x1] =	stream.indirect.gather [spmem:s3], $0x20, s6, s19, $0xb8;
	[tilespmem:$0x1C000] =	vst v63  }
0x5a: {  	s5 =	sadd.s32 $0xD000, s5;
	s7 =	simm.s32 $0x580  }
0x5b: {  	[tilespmem:s5], [sflag:$0x1] =	stream.indirect.gather [spmem:s3], $0x20, s7, s19, $0xb8;
	[tilespmem:$0x1C000] =	vst v63  }
0x5c: {  	_ =	swait.ge [sflag:s16], $0x1000  }
0x5d: {  	[sflag:s16] =	ssyncset.done $0x0  }
0x5e: {  	[sflag:s16] =	ssyncadd.s32 $0xFFFFF000  }
0x5f: {  	_ =	swait.ge [sflag:s16], $0x1000  }
0x60: {  	[sflag:s16] =	ssyncset.done $0x0  }
0x61: {  	[sflag:s16] =	ssyncadd.s32 $0xFFFFF000  }
0x62: {  	_ =	swait.ge [sflag:s16], $0x1000  }
0x63: {  	[sflag:s16] =	ssyncset.done $0x0  }
0x64: {  	[sflag:s16] =	ssyncadd.s32 $0xFFFFF000  }
0x65: {  	s29 =	simm.s32 $0x5380;
	s26 =	simm.s32 $0x4000;
	_ =	swait.ge [sflag:s16], $0x1000  }
0x66: {  	s24 =	simm.s32 $0x800;
	s5 =	sand.u32 $0x4000, s26;
	[sflag:s16] =	ssyncset.done $0x0  }
0x67: {  	s7 =	simm.s32 $0x5200;
	s6 =	sor.u32 $0xA000, s5;
	[sflag:s16] =	ssyncadd.s32 $0xFFFFF000  }
0x68: {  	[spmem:s2] =	stream.indirect.scatter.add.f32 [tilespmem:s6], [sflag:$0x2], $0x20, s7, s19, $0xb8;
	[tilespmem:$0x1C000] =	vst v63  }
0x69: {  	s26 =	simm.s32 $0xC000;
	s6 =	sor.u32 $0xB000, s5;
	s7 =	simm.s32 $0x5280  }
0x6a: {  	[spmem:s2] =	stream.indirect.scatter.add.f32 [tilespmem:s6], [sflag:$0x2], $0x20, s7, s19, $0xb8;
	[tilespmem:$0x1C000] =	vst v63  }
0x6b: {  	s6 =	sadd.s32 $0xC000, s5;
	s7 =	simm.s32 $0x5300;
	s5 =	sadd.s32 $0xD000, s5  }
0x6c: {  	[spmem:s2] =	stream.indirect.scatter.add.f32 [tilespmem:s6], [sflag:$0x2], $0x20, s7, s19, $0xb8;
	[tilespmem:$0x1C000] =	vst v63  }
.LBB2_2:
0x6d: {  	[spmem:s2] =	stream.indirect.scatter.add.f32 [tilespmem:s5], [sflag:$0x2], $0x20, s29, s19, $0xb8;
	[tilespmem:$0x1C000] =	vst v63  }
0x6e: {  	s5 =	smov.u32 s24  }
0x6f: {  	p0 =	sne.s32 s24, $0x12800;
	s24 =	sadd.s32 $0x800, s24;
	_ =	swait.ge [sflag:s31], $0x1000  }
0x70: {  	[sflag:s31] =	ssyncset.done $0x0  }
0x71: {  	[sflag:s31] =	ssyncadd.s32 $0xFFFFF000  }
0x72: {  	_ =	swait.ge [sflag:s31], $0x1000  }
0x73: {  	[sflag:s31] =	ssyncset.done $0x0  }
0x74: {  	[sflag:s31] =	ssyncadd.s32 $0xFFFFF000  }
0x75: {  	_ =	swait.ge [sflag:s31], $0x1000  }
0x76: {  	[sflag:s31] =	ssyncset.done $0x0  }
0x77: {  	[sflag:s31] =	ssyncadd.s32 $0xFFFFF000  }
0x78: {  	_ =	swait.ge [sflag:s31], $0x1000  }
0x79: {  	s6 =	sand.u32 $0x4000, s26;
	s29 =	sshra.s32 s5, $0x2;
	[sflag:s31] =	ssyncset.done $0x0  }
0x7a: {  	s5 =	sor.u32 $0xA000, s6;
	s7 =	sadd.s32 $0x400, s29;
	[sflag:s31] =	ssyncadd.s32 $0xFFFFF000  }
0x7b: {  	[tilespmem:s5], [sflag:$0x1] =	stream.indirect.gather [spmem:s3], $0x20, s7, s19, $0xb8;
	[tilespmem:$0x1C000] =	vst v63  }
0x7c: {  	s5 =	sor.u32 $0xB000, s6;
	s7 =	sadd.s32 $0x480, s29  }
0x7d: {  	[tilespmem:s5], [sflag:$0x1] =	stream.indirect.gather [spmem:s3], $0x20, s7, s19, $0xb8;
	[tilespmem:$0x1C000] =	vst v63  }
0x7e: {  	s5 =	sadd.s32 $0xC000, s6;
	s7 =	sadd.s32 $0x500, s29  }
0x7f: {  	[tilespmem:s5], [sflag:$0x1] =	stream.indirect.gather [spmem:s3], $0x20, s7, s19, $0xb8;
	[tilespmem:$0x1C000] =	vst v63  }
0x80: {  	s5 =	sadd.s32 $0xD000, s6;
	s6 =	sadd.s32 $0x580, s29  }
0x81: {  	[tilespmem:s5], [sflag:$0x1] =	stream.indirect.gather [spmem:s3], $0x20, s6, s19, $0xb8;
	[tilespmem:$0x1C000] =	vst v63  }
0x82: {  	_ =	swait.ge [sflag:s16], $0x1000  }
0x83: {  	[sflag:s16] =	ssyncset.done $0x0  }
0x84: {  	[sflag:s16] =	ssyncadd.s32 $0xFFFFF000  }
0x85: {  	_ =	swait.ge [sflag:s16], $0x1000  }
0x86: {  	[sflag:s16] =	ssyncset.done $0x0  }
0x87: {  	[sflag:s16] =	ssyncadd.s32 $0xFFFFF000  }
0x88: {  	_ =	swait.ge [sflag:s16], $0x1000  }
0x89: {  	[sflag:s16] =	ssyncset.done $0x0  }
0x8a: {  	[sflag:s16] =	ssyncadd.s32 $0xFFFFF000  }
0x8b: {  	s5 =	sadd.s32 $0xFFFFC000, s26;
	_ =	swait.ge [sflag:s16], $0x1000  }
0x8c: {  	s5 =	sand.u32 $0x4000, s5;
	[sflag:s16] =	ssyncset.done $0x0  }
0x8d: {  	s7 =	sadd.s32 $0x5200, s29;
	s6 =	sor.u32 $0xA000, s5;
	[sflag:s16] =	ssyncadd.s32 $0xFFFFF000  }
0x8e: {  	[spmem:s2] =	stream.indirect.scatter.add.f32 [tilespmem:s6], [sflag:$0x2], $0x20, s7, s19, $0xb8;
	[tilespmem:$0x1C000] =	vst v63  }
.Ltmp0:
0x8f: {  	s6 =	sor.u32 $0xB000, s5;
	s7 =	sadd.s32 $0x5280, s29;
	(pc) =	sbr.rel @p0 .LBB2_2-.Ltmp0, $4  }
0x90: {  	[spmem:s2] =	stream.indirect.scatter.add.f32 [tilespmem:s6], [sflag:$0x2], $0x20, s7, s19, $0xb8;
	[tilespmem:$0x1C000] =	vst v63  }
0x91: {  	s6 =	sadd.s32 $0xC000, s5;
	s7 =	sadd.s32 $0x5300, s29  }
0x92: {  	[spmem:s2] =	stream.indirect.scatter.add.f32 [tilespmem:s6], [sflag:$0x2], $0x20, s7, s19, $0xb8;
	[tilespmem:$0x1C000] =	vst v63  }
0x93: {  	s26 =	sadd.s32 $0x4000, s26;
	s5 =	sadd.s32 $0xD000, s5;
	s29 =	sadd.s32 $0x5380, s29  }
0x94: {  	[spmem:s2] =	stream.indirect.scatter.add.f32 [tilespmem:s5], [sflag:$0x2], $0x20, s29, s19, $0xb8;
	[tilespmem:$0x1C000] =	vst v63  }
0x95: {  	_ =	swait.ge [sflag:s31], $0x1000  }
0x96: {  	[sflag:s31] =	ssyncset.done $0x0  }
0x97: {  	[sflag:s31] =	ssyncadd.s32 $0xFFFFF000  }
0x98: {  	_ =	swait.ge [sflag:s31], $0x1000  }
0x99: {  	[sflag:s31] =	ssyncset.done $0x0  }
0x9a: {  	[sflag:s31] =	ssyncadd.s32 $0xFFFFF000  }
0x9b: {  	_ =	swait.ge [sflag:s31], $0x1000  }
0x9c: {  	[sflag:s31] =	ssyncset.done $0x0  }
0x9d: {  	[sflag:s31] =	ssyncadd.s32 $0xFFFFF000  }
0x9e: {  	_ =	swait.ge [sflag:s31], $0x1000  }
0x9f: {  	[sflag:s31] =	ssyncset.done $0x0  }
0xa0: {  	[sflag:s31] =	ssyncadd.s32 $0xFFFFF000  }
0xa1: {  	_ =	swait.ge [sflag:s16], $0x1000  }
0xa2: {  	[sflag:s16] =	ssyncset.done $0x0  }
0xa3: {  	[sflag:s16] =	ssyncadd.s32 $0xFFFFF000  }
0xa4: {  	_ =	swait.ge [sflag:s16], $0x1000  }
0xa5: {  	[sflag:s16] =	ssyncset.done $0x0  }
0xa6: {  	[sflag:s16] =	ssyncadd.s32 $0xFFFFF000  }
0xa7: {  	_ =	swait.ge [sflag:s16], $0x1000  }
0xa8: {  	[sflag:s16] =	ssyncset.done $0x0  }
0xa9: {  	[sflag:s16] =	ssyncadd.s32 $0xFFFFF000  }
0xaa: {  	_ =	swait.ge [sflag:s16], $0x1000  }
0xab: {  	[sflag:s16] =	ssyncset.done $0x0  }
0xac: {  	s7 =	simm.s32 $0x9E00;
	[sflag:s16] =	ssyncadd.s32 $0xFFFFF000  }
0xad: {  	[spmem:s2] =	stream.indirect.scatter.add.f32 [tilespmem:s28], [sflag:$0x2], $0x20, s7, s19, $0xb8;
	[tilespmem:$0x1C000] =	vst v63  }
0xae: {  	s24 =	simm.s32 $0x9E80  }
0xaf: {  	[spmem:s2] =	stream.indirect.scatter.add.f32 [tilespmem:s30], [sflag:$0x2], $0x20, s24, s19, $0xb8;
	[tilespmem:$0x1C000] =	vst v63  }
0xb0: {  	s26 =	simm.s32 $0x9F00  }
0xb1: {  	[spmem:s2] =	stream.indirect.scatter.add.f32 [tilespmem:s0], [sflag:$0x2], $0x20, s26, s19, $0xb8;
	[tilespmem:$0x1C000] =	vst v63  }
0xb2: {  	s29 =	simm.s32 $0x9F80  }
0xb3: {  	[spmem:s2] =	stream.indirect.scatter.add.f32 [tilespmem:s22], [sflag:$0x2], $0x20, s29, s19, $0xb8;
	[tilespmem:$0x1C000] =	vst v63  }
0xb4: {  	_ =	swait.ge [sflag:s31], $0x1000  }
0xb5: {  	[sflag:s31] =	ssyncset.done $0x0  }
0xb6: {  	[sflag:s31] =	ssyncadd.s32 $0xFFFFF000  }
0xb7: {  	_ =	swait.ge [sflag:s31], $0x1000  }
0xb8: {  	[sflag:s31] =	ssyncset.done $0x0  }
0xb9: {  	[sflag:s31] =	ssyncadd.s32 $0xFFFFF000  }
0xba: {  	_ =	swait.ge [sflag:s31], $0x1000  }
0xbb: {  	[sflag:s31] =	ssyncset.done $0x0  }
0xbc: {  	[sflag:s31] =	ssyncadd.s32 $0xFFFFF000  }
0xbd: {  	_ =	swait.ge [sflag:s31], $0x1000  }
0xbe: {  	s1 =	sadd.s32 $0x1, s1;
	[sflag:s31] =	ssyncset.done $0x0  }
0xbf: {  	p0 =	sne.s32 s1, s10;
	[sflag:s31] =	ssyncadd.s32 $0xFFFFF000  }
.Ltmp1:
0xc0: {  	[bflag:$0x0] =	sbarrier.arrive $0xFFFF;
	(pc) =	sbr.rel @p0 .LBB2_1-.Ltmp1, $4  }
0xc1: {  	[hbm:s9@s18], [sflag:s13] =	dma.strided [spmem:s14@s17], $0xA00, s16, $0x4   }
0xc2: {  	_ =	swait.ge [sflag:s11], $0xA00  }
0xc3: {  	[sflag:s11] =	ssyncset.done $0x0  }
0xc4: {  	[sflag:s11] =	ssyncadd.s32 $0xFFFFF600  }
0xc5: {  	_ =	sfence.sel $0x180000  }
0xc6: {  	[bflag:$0x0] =	sbarrier.arrive $0xFFFF  }
0xc7: {  	_ =	strace $0x90000050  }
0xc8: {  	s0 =	stileid.u32;
	[bflag:$0x2] =	sbarrier.arrive $0xFFFF  }
0xc9: {  	p0 =	sne.s32 s0, $0x0;
	s0 =	rddreg [dreg:$0x4]  }
0xca: {  	s0 =	sadd.s32 @!p0 $0x100000, s0  }
0xcb: {  	[sflag:s0] =	ssyncadd.tile.s32 @!p0 $0x1;
	_ =	shalt  }
.Lfunc_end2:
_tile_overlayer_lowered:
.L_overlay_start_2:
0xcc: {  	(tag) =	ssettag $0x2  }
0xcd: {  	s0 =	rddreg [dreg:$0x0];
	s2 =	stileid.u32  }
0xce: {  	s1 =	rddreg [dreg:$0x1];
	p0 =	sne.s32 s2, $0x0  }
0xcf: {  	s3 =	rddreg [dreg:$0x2];
	[bflag:$0x3] =	sbarrier.arrive $0xFFFF;
	s2 =	simm.s32 @!p0 $0x1C03  }
0xd0: {  	[timem:s3], [sflag:s2] =	dma.local @!p0 [hbm:s0], s1  }
0xd1: {  	s0 =	simm.s32 @!p0 $0x3  }
0xd2: {  	_ =	swait.ge @!p0 [sflag:s0], s1  }
0xd3: {  	s1 =	ssub.s32 @!p0 $0x0, s1;
	[sflag:s0] =	ssyncset.done @!p0 $0x0  }
0xd4: {  	[sflag:s0] =	ssyncadd.s32 @!p0 s1  }
0xd5: {  	[bflag:$0x3] =	sbarrier.arrive $0xFFFF  }
0xd6: {  	_ =	shalt  }

</sc_bundles>
